<compile_context>
chip_gen: v7x
topology: tpu7x:2x2x1
jax: 0.10.2.dev20260603
libtpu: 0.0.44.dev20260713+nightly
codegen_flags: <defaults>
</compile_context>

<pallas_src>
import functools

import jax
import jax.numpy as jnp
from jax import lax
from jax.experimental import pallas as pl
from jax.experimental.pallas import tpu as pltpu
from jax.experimental.pallas import tpu_sc as plsc

N = 10000
D = 128
R = 3
E = 100000

NPAD = 10240
NW = 32
EPW = E // NW
EPW_PAD = 3200
NCHUNK = 25
CHUNK = 128
ROWS_PER_SUB = NPAD // 16
NDRAIN = ROWS_PER_SUB // CHUNK
SHIFT = 14
MASK = (1 << SHIFT) - 1


def _sc_aggregate(xa, edges):
    mesh = plsc.VectorSubcoreMesh(core_axis_name="c", subcore_axis_name="s")

    @functools.partial(
        pl.kernel,
        out_type=(
            jax.ShapeDtypeStruct((2, R, NPAD, D), jnp.float32),
            jax.ShapeDtypeStruct((2 * R * NPAD,), jnp.float32),
        ),
        mesh=mesh,
        scratch_types=[
            pltpu.VMEM((NCHUNK, CHUNK), jnp.int32),
            pltpu.VMEM((NCHUNK, CHUNK), jnp.int32),
            pltpu.VMEM((NCHUNK, CHUNK), jnp.int32),
            pltpu.VMEM((CHUNK, D), jnp.float32),
            pltpu.VMEM((CHUNK, D), jnp.float32),
            pltpu.VMEM((CHUNK,), jnp.float32),
            pltpu.VMEM((ROWS_PER_SUB,), jnp.float32),
            pltpu.VMEM_SHARED((NPAD, D), jnp.float32),
            pltpu.VMEM_SHARED((NPAD,), jnp.float32),
            pltpu.SemaphoreType.DMA,
            pltpu.SemaphoreType.DMA,
            pltpu.SemaphoreType.DMA,
            pltpu.SemaphoreType.DMA,
            pltpu.SemaphoreType.DMA,
        ],
    )
    def body(xa_ref, edges_ref, msg_ref, deg_ref, packedv, srcv, dstv,
             rowbuf, rowbuf1, onesv, degbuf, acc, dacc, sem0, sem1, ssem0,
             ssem1, semd):
        c = lax.axis_index("c")
        s = lax.axis_index("s")
        w = c * 16 + s
        row0 = s * ROWS_PER_SUB

        def _ones(k, carry):
            onesv[pl.ds(k * 16, 16)] = jnp.ones((16,), jnp.float32)
            return carry
        lax.fori_loop(0, CHUNK // 16, _ones, 0)

        for r in range(R):
            def _zb(k, carry):
                i = k // (D // 16)
                col = (k % (D // 16)) * 16
                rowbuf[i, pl.ds(col, 16)] = jnp.zeros((16,), jnp.float32)
                return carry
            lax.fori_loop(0, CHUNK * (D // 16), _zb, 0)
            for k in range(NDRAIN):
                pltpu.sync_copy(rowbuf, acc.at[pl.ds(row0 + k * CHUNK, CHUNK)])

            def _zd(k, carry):
                degbuf[pl.ds(k * 16, 16)] = jnp.zeros((16,), jnp.float32)
                return carry
            lax.fori_loop(0, ROWS_PER_SUB // 16, _zd, 0)
            pltpu.sync_copy(degbuf, dacc.at[pl.ds(row0, ROWS_PER_SUB)])
            plsc.subcore_barrier()

            pltpu.sync_copy(edges_ref.at[r, w], packedv)

            def _unpack(k, carry):
                j = k // (CHUNK // 16)
                col = (k % (CHUNK // 16)) * 16
                v = packedv[j, pl.ds(col, 16)]
                srcv[j, pl.ds(col, 16)] = lax.shift_right_logical(v, SHIFT)
                dstv[j, pl.ds(col, 16)] = lax.bitwise_and(v, MASK)
                return carry
            lax.fori_loop(0, NCHUNK * (CHUNK // 16), _unpack, 0)

            pltpu.async_copy(xa_ref.at[srcv.at[0]], rowbuf, sem0)
            pltpu.async_copy(xa_ref.at[srcv.at[1]], rowbuf1, sem1)

            def _chunk2(i, carry):
                b = i * 2
                pltpu.make_async_copy(
                    xa_ref.at[srcv.at[b]], rowbuf, sem0).wait()
                pltpu.async_copy(rowbuf, acc.at[dstv.at[b]], ssem0, add=True)
                pltpu.async_copy(onesv, dacc.at[dstv.at[b]], semd, add=True)
                pltpu.make_async_copy(
                    xa_ref.at[srcv.at[b + 1]], rowbuf1, sem1).wait()
                pltpu.make_async_copy(
                    rowbuf, acc.at[dstv.at[b]], ssem0).wait()
                pltpu.async_copy(xa_ref.at[srcv.at[b + 2]], rowbuf, sem0)
                pltpu.async_copy(rowbuf1, acc.at[dstv.at[b + 1]], ssem1,
                                 add=True)
                pltpu.async_copy(onesv, dacc.at[dstv.at[b + 1]], semd, add=True)
                pltpu.make_async_copy(
                    rowbuf1, acc.at[dstv.at[b + 1]], ssem1).wait()

                @pl.when(b + 3 < NCHUNK)
                def _():
                    pltpu.async_copy(xa_ref.at[srcv.at[b + 3]], rowbuf1, sem1)
                return carry
            lax.fori_loop(0, (NCHUNK - 1) // 2, _chunk2, 0)

            last = NCHUNK - 1
            pltpu.make_async_copy(
                xa_ref.at[srcv.at[last]], rowbuf, sem0).wait()
            pltpu.sync_copy(rowbuf, acc.at[dstv.at[last]], add=True)
            pltpu.async_copy(onesv, dacc.at[dstv.at[last]], semd, add=True)

            def _dwait(j, carry):
                pltpu.make_async_copy(
                    onesv, dacc.at[dstv.at[j]], semd).wait()
                return carry
            lax.fori_loop(0, NCHUNK, _dwait, 0)
            plsc.subcore_barrier()

            pltpu.async_copy(acc.at[pl.ds(row0, CHUNK)], rowbuf, sem0)
            pltpu.async_copy(dacc.at[pl.ds(row0, ROWS_PER_SUB)], degbuf, semd)
            for k in range(NDRAIN):
                buf = rowbuf if k % 2 == 0 else rowbuf1
                nbuf = rowbuf1 if k % 2 == 0 else rowbuf
                sem = sem0 if k % 2 == 0 else sem1
                nsem = sem1 if k % 2 == 0 else sem0
                pltpu.make_async_copy(
                    acc.at[pl.ds(row0 + k * CHUNK, CHUNK)], buf, sem).wait()
                if k + 1 < NDRAIN:
                    pltpu.async_copy(
                        acc.at[pl.ds(row0 + (k + 1) * CHUNK, CHUNK)], nbuf,
                        nsem)
                pltpu.sync_copy(
                    buf, msg_ref.at[c, r, pl.ds(row0 + k * CHUNK, CHUNK)])
            pltpu.make_async_copy(
                dacc.at[pl.ds(row0, ROWS_PER_SUB)], degbuf, semd).wait()
            dbase = ((c * R + r) * 16 + s) * ROWS_PER_SUB
            pltpu.sync_copy(degbuf, deg_ref.at[pl.ds(dbase, ROWS_PER_SUB)])

    return body(xa, edges)


BN = 2048


def _tc_body(p_ref, d_ref, w_ref, b_ref, o_ref):
    h = jnp.broadcast_to(b_ref[0][None, :], (BN, D)).astype(jnp.float32)
    for r in range(R):
        msg = p_ref[0, r] + p_ref[1, r]
        deg = d_ref[r] + d_ref[R + r]
        deg = jnp.maximum(deg, 1.0).reshape(BN, 1)
        agg = msg / deg
        h = h + jnp.dot(agg, w_ref[r], preferred_element_type=jnp.float32)
    o_ref[...] = h


def _tc_combine(msg, deg, W, h_bias):
    return pl.pallas_call(
        _tc_body,
        grid=(NPAD // BN,),
        in_specs=[
            pl.BlockSpec((2, R, BN, D), lambda i: (0, 0, i, 0)),
            pl.BlockSpec((2 * R, BN), lambda i: (0, i)),
            pl.BlockSpec((R, D, D), lambda i: (0, 0, 0)),
            pl.BlockSpec((1, D), lambda i: (0, 0)),
        ],
        out_specs=pl.BlockSpec((BN, D), lambda i: (i, 0)),
        out_shape=jax.ShapeDtypeStruct((N, D), jnp.float32),
    )(msg, deg, W, h_bias.reshape(1, D))


def kernel(x, edge_index_rel0, edge_index_rel1, edge_index_rel2, W, h_bias):
    wids = jnp.arange(NW, dtype=jnp.int32).reshape(1, NW, 1)
    pad = jnp.broadcast_to((wids << SHIFT) | (N + wids),
                           (R, NW, EPW_PAD - EPW))
    srcs = jnp.stack([edge_index_rel0[0], edge_index_rel1[0],
                      edge_index_rel2[0]]).reshape(R, NW, EPW)
    dsts = jnp.stack([edge_index_rel0[1], edge_index_rel1[1],
                      edge_index_rel2[1]]).reshape(R, NW, EPW)
    edges = jnp.concatenate([(srcs << SHIFT) | dsts, pad], axis=2)
    edges = edges.reshape(R, NW, NCHUNK, CHUNK)

    msg, deg = _sc_aggregate(x, edges)
    return _tc_combine(msg, deg.reshape(2 * R, NPAD), W, h_bias)

# --- scband reference (transcript-rebuilt; emitter-appended) ---
"""Pipeline reference for scband-rel-graph-conv-layer-4861902979422 (READ-ONLY COPY).

The authoritative reference and input builder live on the scoring server;
editing this copy changes nothing except your own understanding.
"""

import jax, jax.numpy as jnp
import numpy as np

N = 10000   # n_nodes (single ntype 'node')
E = 100000  # edges per relation
D = 128     # in_feat == out_feat
R = 3       # number of relations


def setup_inputs(seed: int = 0) -> dict:
    key = jax.random.key(seed)
    ks = jax.random.split(key, 6)
    x = jax.random.normal(ks[0], (N, D), dtype=jnp.float32)
    edge_index_rel0 = jax.random.randint(ks[1], (2, E), 0, N, dtype=jnp.int32)
    edge_index_rel1 = jax.random.randint(ks[2], (2, E), 0, N, dtype=jnp.int32)
    edge_index_rel2 = jax.random.randint(ks[3], (2, E), 0, N, dtype=jnp.int32)
    # per-relation weight, xavier_uniform with relu gain
    gain = np.sqrt(2.0)
    bound = gain * np.sqrt(6.0 / (D + D))
    W = jax.random.uniform(ks[4], (R, D, D), dtype=jnp.float32, minval=-bound, maxval=bound)
    h_bias = jnp.zeros((D,), dtype=jnp.float32)
    return {
        "x": x,
        "edge_index_rel0": edge_index_rel0,
        "edge_index_rel1": edge_index_rel1,
        "edge_index_rel2": edge_index_rel2,
        "W": W,
        "h_bias": h_bias,
    }


def _rel_conv(x, ei, w):
    # dgl GraphConv(norm='right', weight=False): aggregate src feats by sum onto dst,
    # normalize by in-degree (clamped to >=1), then apply the externally-supplied weight.
    # (in_feat == out_feat, so DGL aggregates first, then matmuls.)
    src = ei[0]
    dst = ei[1]
    msg = jnp.zeros((N, x.shape[1]), dtype=x.dtype).at[dst].add(x[src])
    deg = jnp.zeros((N,), dtype=x.dtype).at[dst].add(1.0)
    agg = msg / jnp.maximum(deg, 1.0)[:, None]
    return agg @ w


def reference(x, edge_index_rel0, edge_index_rel1, edge_index_rel2, W, h_bias):
    # HeteroGraphConv with default 'sum' cross-relation aggregation (same dst ntype)
    h = _rel_conv(x, edge_index_rel0, W[0])
    h = h + _rel_conv(x, edge_index_rel1, W[1])
    h = h + _rel_conv(x, edge_index_rel2, W[2])
    # _apply: self_loop=False, bias=True, norm=None, activation=None, ffn_layers=0, dropout=0 (eval)
    h = h + h_bias
    return h

if __name__ == "__main__":
    import jax
    _d = setup_inputs()
    print(jax.jit(kernel)(*tuple(_d.values())))

</pallas_src>

<mosaic_0001>
#map = affine_map<(d0, d1) -> (0, 0)>
#map1 = affine_map<(d0, d1) -> (0, 0, 0, 0)>
#map2 = affine_map<(d0, d1) -> (0)>
module attributes {stable_mosaic.version = 14 : i64} {
  func.func @body(%arg0: i32, %arg1: i32, %arg2: memref<10000x128xf32, #tpu.memory_space<hbm>>, %arg3: memref<3x32x25x128xi32, #tpu.memory_space<hbm>>, %arg4: memref<2x3x10240x128xf32, #tpu.memory_space<hbm>>, %arg5: memref<61440xf32, #tpu.memory_space<hbm>>, %arg6: memref<25x128xi32, #tpu.memory_space<vmem>>, %arg7: memref<25x128xi32, #tpu.memory_space<vmem>>, %arg8: memref<25x128xi32, #tpu.memory_space<vmem>>, %arg9: memref<128x128xf32, #tpu.memory_space<vmem>>, %arg10: memref<128x128xf32, #tpu.memory_space<vmem>>, %arg11: memref<128xf32, #tpu.memory_space<vmem>>, %arg12: memref<640xf32, #tpu.memory_space<vmem>>, %arg13: memref<10240x128xf32, #tpu.memory_space<vmem_shared>>, %arg14: memref<10240xf32, #tpu.memory_space<vmem_shared>>, %arg15: memref<!tpu.dma_semaphore, #tpu.memory_space<semaphore_mem>>, %arg16: memref<!tpu.dma_semaphore, #tpu.memory_space<semaphore_mem>>, %arg17: memref<!tpu.dma_semaphore, #tpu.memory_space<semaphore_mem>>, %arg18: memref<!tpu.dma_semaphore, #tpu.memory_space<semaphore_mem>>, %arg19: memref<!tpu.dma_semaphore, #tpu.memory_space<semaphore_mem>>) attributes {dimension_semantics = [#tpu.dimension_semantics<core_parallel>, #tpu.dimension_semantics<subcore_parallel>], iteration_bounds = array<i64: 2, 16>, scalar_prefetch = 0 : i64, scratch_operands = 14 : i64, tpu.core_type = #tpu.core_type<sc_vector_subcore>, window_params = [{transform_indices = #map}, {transform_indices = #map1}, {transform_indices = #map1}, {transform_indices = #map2}]} {
    %mul3A = arith.constant 16 : i32
    %mul3A_0 = arith.muli %arg0, %mul3A : i32
    %add3A = arith.addi %mul3A_0, %arg1 : i32
    %mul3A_1 = arith.constant 640 : i32
    %mul3A_2 = arith.muli %arg1, %mul3A_1 : i32
    %scan3A = arith.constant 0 : i32
    %scan3A_3 = arith.constant 0 : i32
    %scan3A_4 = arith.constant 8 : i32
    %scan3A_5 = arith.addi %scan3A_3, %scan3A_4 : i32
    %scan3A_6 = arith.constant 1 : i32
    scf.for %scan3A_475 = %scan3A_3 to %scan3A_5 step %scan3A_6  : i32 {
      %broadcast_in_dim3A = arith.constant 1.000000e+00 : f32
      %broadcast_in_dim3A_476 = vector.broadcast %broadcast_in_dim3A : f32 to vector<16xf32>
      %mul3A_477 = arith.constant 16 : i32
      %mul3A_478 = arith.muli %scan3A_475, %mul3A_477 : i32
      %swap3A = arith.index_cast %mul3A_478 : i32 to index
      %swap3A_479 = tpu.vector_load %arg11[%swap3A] {strides = array<i32>} : memref<128xf32, #tpu.memory_space<vmem>>, vector<16xf32>,
      %swap3A_480 = vector.shape_cast %swap3A_479 : vector<16xf32> to vector<16xf32>
      %swap3A_481 = vector.shape_cast %broadcast_in_dim3A_476 : vector<16xf32> to vector<16xf32>
      tpu.vector_store %arg11[%swap3A], %swap3A_481 {strides = array<i32>} : memref<128xf32, #tpu.memory_space<vmem>>, vector<16xf32>,
    }
    %scan3A_7 = arith.constant 8 : i32
    %scan3A_8 = arith.constant 0 : i32
    %scan3A_9 = arith.constant 0 : i32
    %scan3A_10 = arith.constant 1024 : i32
    %scan3A_11 = arith.addi %scan3A_9, %scan3A_10 : i32
    %scan3A_12 = arith.constant 1 : i32
    scf.for %scan3A_475 = %scan3A_9 to %scan3A_11 step %scan3A_12  : i32 {
      %jit3A = arith.constant 8 : i32
      %div3A = arith.divsi %scan3A_475, %jit3A : i32
      %sign3A = arith.constant 0 : i32
      %sign3A_476 = arith.cmpi sgt, %scan3A_475, %sign3A : i32
      %sign3A_477 = arith.extui %sign3A_476 : i1 to i32
      %sign3A_478 = arith.constant 0 : i32
      %sign3A_479 = arith.cmpi slt, %scan3A_475, %sign3A_478 : i32
      %sign3A_480 = arith.extui %sign3A_479 : i1 to i32
      %sign3A_481 = arith.subi %sign3A_477, %sign3A_480 : i32
      %sign3A_482 = arith.constant 0 : i32
      %sign3A_483 = arith.cmpi sgt, %jit3A, %sign3A_482 : i32
      %sign3A_484 = arith.extui %sign3A_483 : i1 to i32
      %sign3A_485 = arith.constant 0 : i32
      %sign3A_486 = arith.cmpi slt, %jit3A, %sign3A_485 : i32
      %sign3A_487 = arith.extui %sign3A_486 : i1 to i32
      %sign3A_488 = arith.subi %sign3A_484, %sign3A_487 : i32
      %ne3A = arith.cmpi ne, %sign3A_481, %sign3A_488 : i32
      %rem3A = arith.remsi %scan3A_475, %jit3A : i32
      %ne3A_489 = arith.constant 0 : i32
      %ne3A_490 = arith.cmpi ne, %rem3A, %ne3A_489 : i32
      %and3A = arith.andi %ne3A, %ne3A_490 : i1
      %sub3A = arith.constant 1 : i32
      %sub3A_491 = arith.subi %div3A, %sub3A : i32
      %select_n3A = arith.select %and3A, %sub3A_491, %div3A : i32
      %jit3A_492 = arith.constant 8 : i32
      %eq3A = arith.constant 0 : i32
      %eq3A_493 = arith.cmpi eq, %jit3A_492, %eq3A : i32
      %jit3A_494 = arith.constant 1 : i32
      %select_n3A_495 = arith.select %eq3A_493, %jit3A_494, %jit3A_492 : i32
      %rem3A_496 = arith.remsi %scan3A_475, %select_n3A_495 : i32
      %ne3A_497 = arith.constant 0 : i32
      %ne3A_498 = arith.cmpi ne, %rem3A_496, %ne3A_497 : i32
      %lt3A = arith.constant 0 : i32
      %lt3A_499 = arith.cmpi slt, %rem3A_496, %lt3A : i32
      %lt3A_500 = arith.constant 0 : i32
      %lt3A_501 = arith.cmpi slt, %select_n3A_495, %lt3A_500 : i32
      %ne3A_502 = arith.xori %lt3A_499, %lt3A_501 : i1
      %and3A_503 = arith.andi %ne3A_502, %ne3A_498 : i1
      %add3A_504 = arith.addi %rem3A_496, %select_n3A_495 : i32
      %select_n3A_505 = arith.select %and3A_503, %add3A_504, %rem3A_496 : i32
      %mul3A_506 = arith.constant 16 : i32
      %mul3A_507 = arith.muli %select_n3A_505, %mul3A_506 : i32
      %broadcast_in_dim3A = arith.constant 0.000000e+00 : f32
      %broadcast_in_dim3A_508 = vector.broadcast %broadcast_in_dim3A : f32 to vector<16xf32>
      %swap3A = arith.index_cast %select_n3A : i32 to index
      %swap3A_509 = arith.index_cast %mul3A_507 : i32 to index
      %swap3A_510 = tpu.vector_load %arg9[%swap3A, %swap3A_509] {strides = array<i32>} : memref<128x128xf32, #tpu.memory_space<vmem>>, vector<1x16xf32>,
      %swap3A_511 = vector.shape_cast %swap3A_510 : vector<1x16xf32> to vector<16xf32>
      %swap3A_512 = vector.shape_cast %broadcast_in_dim3A_508 : vector<16xf32> to vector<1x16xf32>
      tpu.vector_store %arg9[%swap3A, %swap3A_509], %swap3A_512 {strides = array<i32>} : memref<128x128xf32, #tpu.memory_space<vmem>>, vector<1x16xf32>,
    }
    %scan3A_13 = arith.constant 1024 : i32
    %add3A_14 = arith.constant 0 : i32
    %add3A_15 = arith.addi %mul3A_2, %add3A_14 : i32
    "tpu.region"() ({
      %run_scoped3A_475 = tpu.sem_alloc : memref<!tpu.dma_semaphore, #tpu.memory_space<semaphore_mem>>
      %dma_start3A_476 = arith.constant 0 : i32
      %dma_start3A_477 = tpu.memref_slice %arg13[%add3A_15, %dma_start3A_476] : memref<10240x128xf32, #tpu.memory_space<vmem_shared>> -> memref<128x128xf32, #tpu.memory_space<vmem_shared>>
      %dma_start3A_478 = arith.constant 0 : i32
      %dma_start3A_479 = tpu.memref_slice %arg13[%add3A_15, %dma_start3A_478] : memref<10240x128xf32, #tpu.memory_space<vmem_shared>> -> memref<128x128xf32, #tpu.memory_space<vmem_shared>>
      tpu.enqueue_dma source(%arg9 : memref<128x128xf32, #tpu.memory_space<vmem>>) target(%dma_start3A_479 : memref<128x128xf32, #tpu.memory_space<vmem_shared>>) target_semaphore(%run_scoped3A_475 : memref<!tpu.dma_semaphore, #tpu.memory_space<semaphore_mem>>)
      %dma_wait3A_480 = arith.constant 0 : i32
      %dma_wait3A_481 = tpu.memref_slice %arg13[%add3A_15, %dma_wait3A_480] : memref<10240x128xf32, #tpu.memory_space<vmem_shared>> -> memref<128x128xf32, #tpu.memory_space<vmem_shared>>
      %dma_wait3A_482 = arith.constant 0 : i32
      %dma_wait3A_483 = tpu.memref_slice %arg13[%add3A_15, %dma_wait3A_482] : memref<10240x128xf32, #tpu.memory_space<vmem_shared>> -> memref<128x128xf32, #tpu.memory_space<vmem_shared>>
      tpu.wait_dma2 semaphore(%run_scoped3A_475 : memref<!tpu.dma_semaphore, #tpu.memory_space<semaphore_mem>>) src(%arg9 : memref<128x128xf32, #tpu.memory_space<vmem>>) dst(%dma_wait3A_483 : memref<128x128xf32, #tpu.memory_space<vmem_shared>>)
      tpu.yield
    }) : () -> ()
    %add3A_16 = arith.constant 128 : i32
    %add3A_17 = arith.addi %mul3A_2, %add3A_16 : i32
    "tpu.region"() ({
      %run_scoped3A_475 = tpu.sem_alloc : memref<!tpu.dma_semaphore, #tpu.memory_space<semaphore_mem>>
      %dma_start3A_476 = arith.constant 0 : i32
      %dma_start3A_477 = tpu.memref_slice %arg13[%add3A_17, %dma_start3A_476] : memref<10240x128xf32, #tpu.memory_space<vmem_shared>> -> memref<128x128xf32, #tpu.memory_space<vmem_shared>>
      %dma_start3A_478 = arith.constant 0 : i32
      %dma_start3A_479 = tpu.memref_slice %arg13[%add3A_17, %dma_start3A_478] : memref<10240x128xf32, #tpu.memory_space<vmem_shared>> -> memref<128x128xf32, #tpu.memory_space<vmem_shared>>
      tpu.enqueue_dma source(%arg9 : memref<128x128xf32, #tpu.memory_space<vmem>>) target(%dma_start3A_479 : memref<128x128xf32, #tpu.memory_space<vmem_shared>>) target_semaphore(%run_scoped3A_475 : memref<!tpu.dma_semaphore, #tpu.memory_space<semaphore_mem>>)
      %dma_wait3A_480 = arith.constant 0 : i32
      %dma_wait3A_481 = tpu.memref_slice %arg13[%add3A_17, %dma_wait3A_480] : memref<10240x128xf32, #tpu.memory_space<vmem_shared>> -> memref<128x128xf32, #tpu.memory_space<vmem_shared>>
      %dma_wait3A_482 = arith.constant 0 : i32
      %dma_wait3A_483 = tpu.memref_slice %arg13[%add3A_17, %dma_wait3A_482] : memref<10240x128xf32, #tpu.memory_space<vmem_shared>> -> memref<128x128xf32, #tpu.memory_space<vmem_shared>>
      tpu.wait_dma2 semaphore(%run_scoped3A_475 : memref<!tpu.dma_semaphore, #tpu.memory_space<semaphore_mem>>) src(%arg9 : memref<128x128xf32, #tpu.memory_space<vmem>>) dst(%dma_wait3A_483 : memref<128x128xf32, #tpu.memory_space<vmem_shared>>)
      tpu.yield
    }) : () -> ()
    %add3A_18 = arith.constant 256 : i32
    %add3A_19 = arith.addi %mul3A_2, %add3A_18 : i32
    "tpu.region"() ({
      %run_scoped3A_475 = tpu.sem_alloc : memref<!tpu.dma_semaphore, #tpu.memory_space<semaphore_mem>>
      %dma_start3A_476 = arith.constant 0 : i32
      %dma_start3A_477 = tpu.memref_slice %arg13[%add3A_19, %dma_start3A_476] : memref<10240x128xf32, #tpu.memory_space<vmem_shared>> -> memref<128x128xf32, #tpu.memory_space<vmem_shared>>
      %dma_start3A_478 = arith.constant 0 : i32
      %dma_start3A_479 = tpu.memref_slice %arg13[%add3A_19, %dma_start3A_478] : memref<10240x128xf32, #tpu.memory_space<vmem_shared>> -> memref<128x128xf32, #tpu.memory_space<vmem_shared>>
      tpu.enqueue_dma source(%arg9 : memref<128x128xf32, #tpu.memory_space<vmem>>) target(%dma_start3A_479 : memref<128x128xf32, #tpu.memory_space<vmem_shared>>) target_semaphore(%run_scoped3A_475 : memref<!tpu.dma_semaphore, #tpu.memory_space<semaphore_mem>>)
      %dma_wait3A_480 = arith.constant 0 : i32
      %dma_wait3A_481 = tpu.memref_slice %arg13[%add3A_19, %dma_wait3A_480] : memref<10240x128xf32, #tpu.memory_space<vmem_shared>> -> memref<128x128xf32, #tpu.memory_space<vmem_shared>>
      %dma_wait3A_482 = arith.constant 0 : i32
      %dma_wait3A_483 = tpu.memref_slice %arg13[%add3A_19, %dma_wait3A_482] : memref<10240x128xf32, #tpu.memory_space<vmem_shared>> -> memref<128x128xf32, #tpu.memory_space<vmem_shared>>
      tpu.wait_dma2 semaphore(%run_scoped3A_475 : memref<!tpu.dma_semaphore, #tpu.memory_space<semaphore_mem>>) src(%arg9 : memref<128x128xf32, #tpu.memory_space<vmem>>) dst(%dma_wait3A_483 : memref<128x128xf32, #tpu.memory_space<vmem_shared>>)
      tpu.yield
    }) : () -> ()
    %add3A_20 = arith.constant 384 : i32
    %add3A_21 = arith.addi %mul3A_2, %add3A_20 : i32
    "tpu.region"() ({
      %run_scoped3A_475 = tpu.sem_alloc : memref<!tpu.dma_semaphore, #tpu.memory_space<semaphore_mem>>
      %dma_start3A_476 = arith.constant 0 : i32
      %dma_start3A_477 = tpu.memref_slice %arg13[%add3A_21, %dma_start3A_476] : memref<10240x128xf32, #tpu.memory_space<vmem_shared>> -> memref<128x128xf32, #tpu.memory_space<vmem_shared>>
      %dma_start3A_478 = arith.constant 0 : i32
      %dma_start3A_479 = tpu.memref_slice %arg13[%add3A_21, %dma_start3A_478] : memref<10240x128xf32, #tpu.memory_space<vmem_shared>> -> memref<128x128xf32, #tpu.memory_space<vmem_shared>>
      tpu.enqueue_dma source(%arg9 : memref<128x128xf32, #tpu.memory_space<vmem>>) target(%dma_start3A_479 : memref<128x128xf32, #tpu.memory_space<vmem_shared>>) target_semaphore(%run_scoped3A_475 : memref<!tpu.dma_semaphore, #tpu.memory_space<semaphore_mem>>)
      %dma_wait3A_480 = arith.constant 0 : i32
      %dma_wait3A_481 = tpu.memref_slice %arg13[%add3A_21, %dma_wait3A_480] : memref<10240x128xf32, #tpu.memory_space<vmem_shared>> -> memref<128x128xf32, #tpu.memory_space<vmem_shared>>
      %dma_wait3A_482 = arith.constant 0 : i32
      %dma_wait3A_483 = tpu.memref_slice %arg13[%add3A_21, %dma_wait3A_482] : memref<10240x128xf32, #tpu.memory_space<vmem_shared>> -> memref<128x128xf32, #tpu.memory_space<vmem_shared>>
      tpu.wait_dma2 semaphore(%run_scoped3A_475 : memref<!tpu.dma_semaphore, #tpu.memory_space<semaphore_mem>>) src(%arg9 : memref<128x128xf32, #tpu.memory_space<vmem>>) dst(%dma_wait3A_483 : memref<128x128xf32, #tpu.memory_space<vmem_shared>>)
      tpu.yield
    }) : () -> ()
    %add3A_22 = arith.constant 512 : i32
    %add3A_23 = arith.addi %mul3A_2, %add3A_22 : i32
    "tpu.region"() ({
      %run_scoped3A_475 = tpu.sem_alloc : memref<!tpu.dma_semaphore, #tpu.memory_space<semaphore_mem>>
      %dma_start3A_476 = arith.constant 0 : i32
      %dma_start3A_477 = tpu.memref_slice %arg13[%add3A_23, %dma_start3A_476] : memref<10240x128xf32, #tpu.memory_space<vmem_shared>> -> memref<128x128xf32, #tpu.memory_space<vmem_shared>>
      %dma_start3A_478 = arith.constant 0 : i32
      %dma_start3A_479 = tpu.memref_slice %arg13[%add3A_23, %dma_start3A_478] : memref<10240x128xf32, #tpu.memory_space<vmem_shared>> -> memref<128x128xf32, #tpu.memory_space<vmem_shared>>
      tpu.enqueue_dma source(%arg9 : memref<128x128xf32, #tpu.memory_space<vmem>>) target(%dma_start3A_479 : memref<128x128xf32, #tpu.memory_space<vmem_shared>>) target_semaphore(%run_scoped3A_475 : memref<!tpu.dma_semaphore, #tpu.memory_space<semaphore_mem>>)
      %dma_wait3A_480 = arith.constant 0 : i32
      %dma_wait3A_481 = tpu.memref_slice %arg13[%add3A_23, %dma_wait3A_480] : memref<10240x128xf32, #tpu.memory_space<vmem_shared>> -> memref<128x128xf32, #tpu.memory_space<vmem_shared>>
      %dma_wait3A_482 = arith.constant 0 : i32
      %dma_wait3A_483 = tpu.memref_slice %arg13[%add3A_23, %dma_wait3A_482] : memref<10240x128xf32, #tpu.memory_space<vmem_shared>> -> memref<128x128xf32, #tpu.memory_space<vmem_shared>>
      tpu.wait_dma2 semaphore(%run_scoped3A_475 : memref<!tpu.dma_semaphore, #tpu.memory_space<semaphore_mem>>) src(%arg9 : memref<128x128xf32, #tpu.memory_space<vmem>>) dst(%dma_wait3A_483 : memref<128x128xf32, #tpu.memory_space<vmem_shared>>)
      tpu.yield
    }) : () -> ()
    %scan3A_24 = arith.constant 0 : i32
    %scan3A_25 = arith.constant 0 : i32
    %scan3A_26 = arith.constant 40 : i32
    %scan3A_27 = arith.addi %scan3A_25, %scan3A_26 : i32
    %scan3A_28 = arith.constant 1 : i32
    scf.for %scan3A_475 = %scan3A_25 to %scan3A_27 step %scan3A_28  : i32 {
      %broadcast_in_dim3A = arith.constant 0.000000e+00 : f32
      %broadcast_in_dim3A_476 = vector.broadcast %broadcast_in_dim3A : f32 to vector<16xf32>
      %mul3A_477 = arith.constant 16 : i32
      %mul3A_478 = arith.muli %scan3A_475, %mul3A_477 : i32
      %swap3A = arith.index_cast %mul3A_478 : i32 to index
      %swap3A_479 = tpu.vector_load %arg12[%swap3A] {strides = array<i32>} : memref<640xf32, #tpu.memory_space<vmem>>, vector<16xf32>,
      %swap3A_480 = vector.shape_cast %swap3A_479 : vector<16xf32> to vector<16xf32>
      %swap3A_481 = vector.shape_cast %broadcast_in_dim3A_476 : vector<16xf32> to vector<16xf32>
      tpu.vector_store %arg12[%swap3A], %swap3A_481 {strides = array<i32>} : memref<640xf32, #tpu.memory_space<vmem>>, vector<16xf32>,
    }
    %scan3A_29 = arith.constant 40 : i32
    "tpu.region"() ({
      %run_scoped3A_475 = tpu.sem_alloc : memref<!tpu.dma_semaphore, #tpu.memory_space<semaphore_mem>>
      %dma_start3A_476 = tpu.memref_slice %arg14[%mul3A_2] : memref<10240xf32, #tpu.memory_space<vmem_shared>> -> memref<640xf32, #tpu.memory_space<vmem_shared>>
      %dma_start3A_477 = tpu.memref_slice %arg14[%mul3A_2] : memref<10240xf32, #tpu.memory_space<vmem_shared>> -> memref<640xf32, #tpu.memory_space<vmem_shared>>
      tpu.enqueue_dma source(%arg12 : memref<640xf32, #tpu.memory_space<vmem>>) target(%dma_start3A_477 : memref<640xf32, #tpu.memory_space<vmem_shared>>) target_semaphore(%run_scoped3A_475 : memref<!tpu.dma_semaphore, #tpu.memory_space<semaphore_mem>>)
      %dma_wait3A_478 = tpu.memref_slice %arg14[%mul3A_2] : memref<10240xf32, #tpu.memory_space<vmem_shared>> -> memref<640xf32, #tpu.memory_space<vmem_shared>>
      %dma_wait3A_479 = tpu.memref_slice %arg14[%mul3A_2] : memref<10240xf32, #tpu.memory_space<vmem_shared>> -> memref<640xf32, #tpu.memory_space<vmem_shared>>
      tpu.wait_dma2 semaphore(%run_scoped3A_475 : memref<!tpu.dma_semaphore, #tpu.memory_space<semaphore_mem>>) src(%arg12 : memref<640xf32, #tpu.memory_space<vmem>>) dst(%dma_wait3A_479 : memref<640xf32, #tpu.memory_space<vmem_shared>>)
      tpu.yield
    }) : () -> ()
    %barrier3A = arith.constant 0 : index
    tpu.barrier barrier_id(%barrier3A)
    %run_scoped3A = arith.constant 0 : i32
    "tpu.region"() ({
      %run_scoped3A_475 = tpu.sem_alloc : memref<!tpu.dma_semaphore, #tpu.memory_space<semaphore_mem>>
      %dma_start3A_476 = arith.constant 0 : i32
      %dma_start3A_477 = arith.constant 0 : i32
      %dma_start3A_478 = tpu.memref_slice %arg3[%run_scoped3A, %add3A, %dma_start3A_476, %dma_start3A_477] : memref<3x32x25x128xi32, #tpu.memory_space<hbm>> -> memref<1x1x25x128xi32, #tpu.memory_space<hbm>>
      %dma_start3A_479 = tpu.memref_squeeze %dma_start3A_478 : memref<1x1x25x128xi32, #tpu.memory_space<hbm>> -> memref<25x128xi32, #tpu.memory_space<hbm>>
      %dma_start3A_480 = arith.constant 0 : i32
      %dma_start3A_481 = arith.constant 0 : i32
      %dma_start3A_482 = tpu.memref_slice %arg3[%run_scoped3A, %add3A, %dma_start3A_480, %dma_start3A_481] : memref<3x32x25x128xi32, #tpu.memory_space<hbm>> -> memref<1x1x25x128xi32, #tpu.memory_space<hbm>>
      %dma_start3A_483 = tpu.memref_squeeze %dma_start3A_482 : memref<1x1x25x128xi32, #tpu.memory_space<hbm>> -> memref<25x128xi32, #tpu.memory_space<hbm>>
      tpu.enqueue_dma source(%dma_start3A_483 : memref<25x128xi32, #tpu.memory_space<hbm>>) target(%arg6 : memref<25x128xi32, #tpu.memory_space<vmem>>) target_semaphore(%run_scoped3A_475 : memref<!tpu.dma_semaphore, #tpu.memory_space<semaphore_mem>>)
      %dma_wait3A_484 = arith.constant 0 : i32
      %dma_wait3A_485 = arith.constant 0 : i32
      %dma_wait3A_486 = tpu.memref_slice %arg3[%run_scoped3A, %add3A, %dma_wait3A_484, %dma_wait3A_485] : memref<3x32x25x128xi32, #tpu.memory_space<hbm>> -> memref<1x1x25x128xi32, #tpu.memory_space<hbm>>
      %dma_wait3A_487 = tpu.memref_squeeze %dma_wait3A_486 : memref<1x1x25x128xi32, #tpu.memory_space<hbm>> -> memref<25x128xi32, #tpu.memory_space<hbm>>
      %dma_wait3A_488 = arith.constant 0 : i32
      %dma_wait3A_489 = arith.constant 0 : i32
      %dma_wait3A_490 = tpu.memref_slice %arg3[%run_scoped3A, %add3A, %dma_wait3A_488, %dma_wait3A_489] : memref<3x32x25x128xi32, #tpu.memory_space<hbm>> -> memref<1x1x25x128xi32, #tpu.memory_space<hbm>>
      %dma_wait3A_491 = tpu.memref_squeeze %dma_wait3A_490 : memref<1x1x25x128xi32, #tpu.memory_space<hbm>> -> memref<25x128xi32, #tpu.memory_space<hbm>>
      tpu.wait_dma2 semaphore(%run_scoped3A_475 : memref<!tpu.dma_semaphore, #tpu.memory_space<semaphore_mem>>) src(%dma_wait3A_491 : memref<25x128xi32, #tpu.memory_space<hbm>>) dst(%arg6 : memref<25x128xi32, #tpu.memory_space<vmem>>)
      tpu.yield
    }) : () -> ()
    %scan3A_30 = arith.constant 0 : i32
    %scan3A_31 = arith.constant 0 : i32
    %scan3A_32 = arith.constant 200 : i32
    %scan3A_33 = arith.addi %scan3A_31, %scan3A_32 : i32
    %scan3A_34 = arith.constant 1 : i32
    scf.for %scan3A_475 = %scan3A_31 to %scan3A_33 step %scan3A_34  : i32 {
      %jit3A = arith.constant 8 : i32
      %div3A = arith.divsi %scan3A_475, %jit3A : i32
      %sign3A = arith.constant 0 : i32
      %sign3A_476 = arith.cmpi sgt, %scan3A_475, %sign3A : i32
      %sign3A_477 = arith.extui %sign3A_476 : i1 to i32
      %sign3A_478 = arith.constant 0 : i32
      %sign3A_479 = arith.cmpi slt, %scan3A_475, %sign3A_478 : i32
      %sign3A_480 = arith.extui %sign3A_479 : i1 to i32
      %sign3A_481 = arith.subi %sign3A_477, %sign3A_480 : i32
      %sign3A_482 = arith.constant 0 : i32
      %sign3A_483 = arith.cmpi sgt, %jit3A, %sign3A_482 : i32
      %sign3A_484 = arith.extui %sign3A_483 : i1 to i32
      %sign3A_485 = arith.constant 0 : i32
      %sign3A_486 = arith.cmpi slt, %jit3A, %sign3A_485 : i32
      %sign3A_487 = arith.extui %sign3A_486 : i1 to i32
      %sign3A_488 = arith.subi %sign3A_484, %sign3A_487 : i32
      %ne3A = arith.cmpi ne, %sign3A_481, %sign3A_488 : i32
      %rem3A = arith.remsi %scan3A_475, %jit3A : i32
      %ne3A_489 = arith.constant 0 : i32
      %ne3A_490 = arith.cmpi ne, %rem3A, %ne3A_489 : i32
      %and3A = arith.andi %ne3A, %ne3A_490 : i1
      %sub3A = arith.constant 1 : i32
      %sub3A_491 = arith.subi %div3A, %sub3A : i32
      %select_n3A = arith.select %and3A, %sub3A_491, %div3A : i32
      %jit3A_492 = arith.constant 8 : i32
      %eq3A = arith.constant 0 : i32
      %eq3A_493 = arith.cmpi eq, %jit3A_492, %eq3A : i32
      %jit3A_494 = arith.constant 1 : i32
      %select_n3A_495 = arith.select %eq3A_493, %jit3A_494, %jit3A_492 : i32
      %rem3A_496 = arith.remsi %scan3A_475, %select_n3A_495 : i32
      %ne3A_497 = arith.constant 0 : i32
      %ne3A_498 = arith.cmpi ne, %rem3A_496, %ne3A_497 : i32
      %lt3A = arith.constant 0 : i32
      %lt3A_499 = arith.cmpi slt, %rem3A_496, %lt3A : i32
      %lt3A_500 = arith.constant 0 : i32
      %lt3A_501 = arith.cmpi slt, %select_n3A_495, %lt3A_500 : i32
      %ne3A_502 = arith.xori %lt3A_499, %lt3A_501 : i1
      %and3A_503 = arith.andi %ne3A_502, %ne3A_498 : i1
      %add3A_504 = arith.addi %rem3A_496, %select_n3A_495 : i32
      %select_n3A_505 = arith.select %and3A_503, %add3A_504, %rem3A_496 : i32
      %mul3A_506 = arith.constant 16 : i32
      %mul3A_507 = arith.muli %select_n3A_505, %mul3A_506 : i32
      %get3A = arith.index_cast %select_n3A : i32 to index
      %get3A_508 = arith.index_cast %mul3A_507 : i32 to index
      %get3A_509 = tpu.vector_load %arg6[%get3A, %get3A_508] {strides = array<i32>} : memref<25x128xi32, #tpu.memory_space<vmem>>, vector<1x16xi32>,
      %get3A_510 = vector.shape_cast %get3A_509 : vector<1x16xi32> to vector<16xi32>
      %shift_right_logical3A = arith.constant 14 : i32
      %shift_right_logical3A_511 = vector.broadcast %shift_right_logical3A : i32 to vector<16xi32>
      %shift_right_logical3A_512 = arith.shrui %get3A_510, %shift_right_logical3A_511 : vector<16xi32>
      %swap3A = arith.index_cast %select_n3A : i32 to index
      %swap3A_513 = arith.index_cast %mul3A_507 : i32 to index
      %swap3A_514 = tpu.vector_load %arg7[%swap3A, %swap3A_513] {strides = array<i32>} : memref<25x128xi32, #tpu.memory_space<vmem>>, vector<1x16xi32>,
      %swap3A_515 = vector.shape_cast %swap3A_514 : vector<1x16xi32> to vector<16xi32>
      %swap3A_516 = vector.shape_cast %shift_right_logical3A_512 : vector<16xi32> to vector<1x16xi32>
      tpu.vector_store %arg7[%swap3A, %swap3A_513], %swap3A_516 {strides = array<i32>} : memref<25x128xi32, #tpu.memory_space<vmem>>, vector<1x16xi32>,
      %and3A_517 = arith.constant 16383 : i32
      %and3A_518 = vector.broadcast %and3A_517 : i32 to vector<16xi32>
      %and3A_519 = arith.andi %get3A_510, %and3A_518 : vector<16xi32>
      %swap3A_520 = arith.index_cast %select_n3A : i32 to index
      %swap3A_521 = arith.index_cast %mul3A_507 : i32 to index
      %swap3A_522 = tpu.vector_load %arg8[%swap3A_520, %swap3A_521] {strides = array<i32>} : memref<25x128xi32, #tpu.memory_space<vmem>>, vector<1x16xi32>,
      %swap3A_523 = vector.shape_cast %swap3A_522 : vector<1x16xi32> to vector<16xi32>
      %swap3A_524 = vector.shape_cast %and3A_519 : vector<16xi32> to vector<1x16xi32>
      tpu.vector_store %arg8[%swap3A_520, %swap3A_521], %swap3A_524 {strides = array<i32>} : memref<25x128xi32, #tpu.memory_space<vmem>>, vector<1x16xi32>,
    }
    %scan3A_35 = arith.constant 200 : i32
    %dma_start3A = arith.constant 0 : i32
    %dma_start3A_36 = arith.constant 0 : i32
    %dma_start3A_37 = tpu.memref_slice %arg7[%dma_start3A, %dma_start3A_36] : memref<25x128xi32, #tpu.memory_space<vmem>> -> memref<1x128xi32, #tpu.memory_space<vmem>>
    %dma_start3A_38 = tpu.memref_squeeze %dma_start3A_37 : memref<1x128xi32, #tpu.memory_space<vmem>> -> memref<128xi32, #tpu.memory_space<vmem>>
    %dma_start3A_39 = arith.constant 0 : i32
    %dma_start3A_40 = arith.constant 0 : i32
    %dma_start3A_41 = tpu.memref_slice %arg2[%dma_start3A_39, %dma_start3A_40] : memref<10000x128xf32, #tpu.memory_space<hbm>> -> memref<10000x128xf32, #tpu.memory_space<hbm>>
    tpu.enqueue_indirect_dma source(%dma_start3A_41 : memref<10000x128xf32, #tpu.memory_space<hbm>>) target(%arg9 : memref<128x128xf32, #tpu.memory_space<vmem>>) offsets(%dma_start3A_38 : memref<128xi32, #tpu.memory_space<vmem>>) semaphore(%arg15 : memref<!tpu.dma_semaphore, #tpu.memory_space<semaphore_mem>>)
    %dma_start3A_42 = arith.constant 1 : i32
    %dma_start3A_43 = arith.constant 0 : i32
    %dma_start3A_44 = tpu.memref_slice %arg7[%dma_start3A_42, %dma_start3A_43] : memref<25x128xi32, #tpu.memory_space<vmem>> -> memref<1x128xi32, #tpu.memory_space<vmem>>
    %dma_start3A_45 = tpu.memref_squeeze %dma_start3A_44 : memref<1x128xi32, #tpu.memory_space<vmem>> -> memref<128xi32, #tpu.memory_space<vmem>>
    %dma_start3A_46 = arith.constant 0 : i32
    %dma_start3A_47 = arith.constant 0 : i32
    %dma_start3A_48 = tpu.memref_slice %arg2[%dma_start3A_46, %dma_start3A_47] : memref<10000x128xf32, #tpu.memory_space<hbm>> -> memref<10000x128xf32, #tpu.memory_space<hbm>>
    tpu.enqueue_indirect_dma source(%dma_start3A_48 : memref<10000x128xf32, #tpu.memory_space<hbm>>) target(%arg10 : memref<128x128xf32, #tpu.memory_space<vmem>>) offsets(%dma_start3A_45 : memref<128xi32, #tpu.memory_space<vmem>>) semaphore(%arg16 : memref<!tpu.dma_semaphore, #tpu.memory_space<semaphore_mem>>)
    %scan3A_49 = arith.constant 0 : i32
    %scan3A_50 = arith.constant 0 : i32
    %scan3A_51 = arith.constant 12 : i32
    %scan3A_52 = arith.addi %scan3A_50, %scan3A_51 : i32
    %scan3A_53 = arith.constant 1 : i32
    scf.for %scan3A_475 = %scan3A_50 to %scan3A_52 step %scan3A_53  : i32 {
      %mul3A_476 = arith.constant 2 : i32
      %mul3A_477 = arith.muli %scan3A_475, %mul3A_476 : i32
      %dma_wait3A_478 = arith.constant 0 : i32
      %dma_wait3A_479 = tpu.memref_slice %arg7[%mul3A_477, %dma_wait3A_478] : memref<25x128xi32, #tpu.memory_space<vmem>> -> memref<1x128xi32, #tpu.memory_space<vmem>>
      %dma_wait3A_480 = tpu.memref_squeeze %dma_wait3A_479 : memref<1x128xi32, #tpu.memory_space<vmem>> -> memref<128xi32, #tpu.memory_space<vmem>>
      %dma_wait3A_481 = arith.constant 0 : i32
      %dma_wait3A_482 = arith.constant 0 : i32
      %dma_wait3A_483 = tpu.memref_slice %arg2[%dma_wait3A_481, %dma_wait3A_482] : memref<10000x128xf32, #tpu.memory_space<hbm>> -> memref<10000x128xf32, #tpu.memory_space<hbm>>
      tpu.wait_indirect_dma semaphore(%arg15 : memref<!tpu.dma_semaphore, #tpu.memory_space<semaphore_mem>>) src(%dma_wait3A_483 : memref<10000x128xf32, #tpu.memory_space<hbm>>) dst(%arg9 : memref<128x128xf32, #tpu.memory_space<vmem>>)
      %dma_start3A_484 = arith.constant 0 : i32
      %dma_start3A_485 = tpu.memref_slice %arg8[%mul3A_477, %dma_start3A_484] : memref<25x128xi32, #tpu.memory_space<vmem>> -> memref<1x128xi32, #tpu.memory_space<vmem>>
      %dma_start3A_486 = tpu.memref_squeeze %dma_start3A_485 : memref<1x128xi32, #tpu.memory_space<vmem>> -> memref<128xi32, #tpu.memory_space<vmem>>
      %dma_start3A_487 = arith.constant 0 : i32
      %dma_start3A_488 = arith.constant 0 : i32
      %dma_start3A_489 = tpu.memref_slice %arg13[%dma_start3A_487, %dma_start3A_488] : memref<10240x128xf32, #tpu.memory_space<vmem_shared>> -> memref<10240x128xf32, #tpu.memory_space<vmem_shared>>
      tpu.enqueue_indirect_dma source(%arg9 : memref<128x128xf32, #tpu.memory_space<vmem>>) target(%dma_start3A_489 : memref<10240x128xf32, #tpu.memory_space<vmem_shared>>) offsets(%dma_start3A_486 : memref<128xi32, #tpu.memory_space<vmem>>) semaphore(%arg17 : memref<!tpu.dma_semaphore, #tpu.memory_space<semaphore_mem>>) {add = true}
      %dma_start3A_490 = arith.constant 0 : i32
      %dma_start3A_491 = tpu.memref_slice %arg8[%mul3A_477, %dma_start3A_490] : memref<25x128xi32, #tpu.memory_space<vmem>> -> memref<1x128xi32, #tpu.memory_space<vmem>>
      %dma_start3A_492 = tpu.memref_squeeze %dma_start3A_491 : memref<1x128xi32, #tpu.memory_space<vmem>> -> memref<128xi32, #tpu.memory_space<vmem>>
      %dma_start3A_493 = arith.constant 0 : i32
      %dma_start3A_494 = tpu.memref_slice %arg14[%dma_start3A_493] : memref<10240xf32, #tpu.memory_space<vmem_shared>> -> memref<10240xf32, #tpu.memory_space<vmem_shared>>
      tpu.enqueue_indirect_dma source(%arg11 : memref<128xf32, #tpu.memory_space<vmem>>) target(%dma_start3A_494 : memref<10240xf32, #tpu.memory_space<vmem_shared>>) offsets(%dma_start3A_492 : memref<128xi32, #tpu.memory_space<vmem>>) semaphore(%arg19 : memref<!tpu.dma_semaphore, #tpu.memory_space<semaphore_mem>>) {add = true}
      %add3A_495 = arith.constant 1 : i32
      %add3A_496 = arith.addi %mul3A_477, %add3A_495 : i32
      %dma_wait3A_497 = arith.constant 0 : i32
      %dma_wait3A_498 = tpu.memref_slice %arg7[%add3A_496, %dma_wait3A_497] : memref<25x128xi32, #tpu.memory_space<vmem>> -> memref<1x128xi32, #tpu.memory_space<vmem>>
      %dma_wait3A_499 = tpu.memref_squeeze %dma_wait3A_498 : memref<1x128xi32, #tpu.memory_space<vmem>> -> memref<128xi32, #tpu.memory_space<vmem>>
      %dma_wait3A_500 = arith.constant 0 : i32
      %dma_wait3A_501 = arith.constant 0 : i32
      %dma_wait3A_502 = tpu.memref_slice %arg2[%dma_wait3A_500, %dma_wait3A_501] : memref<10000x128xf32, #tpu.memory_space<hbm>> -> memref<10000x128xf32, #tpu.memory_space<hbm>>
      tpu.wait_indirect_dma semaphore(%arg16 : memref<!tpu.dma_semaphore, #tpu.memory_space<semaphore_mem>>) src(%dma_wait3A_502 : memref<10000x128xf32, #tpu.memory_space<hbm>>) dst(%arg10 : memref<128x128xf32, #tpu.memory_space<vmem>>)
      %dma_wait3A_503 = arith.constant 0 : i32
      %dma_wait3A_504 = tpu.memref_slice %arg8[%mul3A_477, %dma_wait3A_503] : memref<25x128xi32, #tpu.memory_space<vmem>> -> memref<1x128xi32, #tpu.memory_space<vmem>>
      %dma_wait3A_505 = tpu.memref_squeeze %dma_wait3A_504 : memref<1x128xi32, #tpu.memory_space<vmem>> -> memref<128xi32, #tpu.memory_space<vmem>>
      %dma_wait3A_506 = arith.constant 0 : i32
      %dma_wait3A_507 = arith.constant 0 : i32
      %dma_wait3A_508 = tpu.memref_slice %arg13[%dma_wait3A_506, %dma_wait3A_507] : memref<10240x128xf32, #tpu.memory_space<vmem_shared>> -> memref<10240x128xf32, #tpu.memory_space<vmem_shared>>
      tpu.wait_indirect_dma semaphore(%arg17 : memref<!tpu.dma_semaphore, #tpu.memory_space<semaphore_mem>>) src(%arg9 : memref<128x128xf32, #tpu.memory_space<vmem>>) dst(%dma_wait3A_508 : memref<10240x128xf32, #tpu.memory_space<vmem_shared>>)
      %add3A_509 = arith.constant 2 : i32
      %add3A_510 = arith.addi %mul3A_477, %add3A_509 : i32
      %dma_start3A_511 = arith.constant 0 : i32
      %dma_start3A_512 = tpu.memref_slice %arg7[%add3A_510, %dma_start3A_511] : memref<25x128xi32, #tpu.memory_space<vmem>> -> memref<1x128xi32, #tpu.memory_space<vmem>>
      %dma_start3A_513 = tpu.memref_squeeze %dma_start3A_512 : memref<1x128xi32, #tpu.memory_space<vmem>> -> memref<128xi32, #tpu.memory_space<vmem>>
      %dma_start3A_514 = arith.constant 0 : i32
      %dma_start3A_515 = arith.constant 0 : i32
      %dma_start3A_516 = tpu.memref_slice %arg2[%dma_start3A_514, %dma_start3A_515] : memref<10000x128xf32, #tpu.memory_space<hbm>> -> memref<10000x128xf32, #tpu.memory_space<hbm>>
      tpu.enqueue_indirect_dma source(%dma_start3A_516 : memref<10000x128xf32, #tpu.memory_space<hbm>>) target(%arg9 : memref<128x128xf32, #tpu.memory_space<vmem>>) offsets(%dma_start3A_513 : memref<128xi32, #tpu.memory_space<vmem>>) semaphore(%arg15 : memref<!tpu.dma_semaphore, #tpu.memory_space<semaphore_mem>>)
      %add3A_517 = arith.constant 1 : i32
      %add3A_518 = arith.addi %mul3A_477, %add3A_517 : i32
      %dma_start3A_519 = arith.constant 0 : i32
      %dma_start3A_520 = tpu.memref_slice %arg8[%add3A_518, %dma_start3A_519] : memref<25x128xi32, #tpu.memory_space<vmem>> -> memref<1x128xi32, #tpu.memory_space<vmem>>
      %dma_start3A_521 = tpu.memref_squeeze %dma_start3A_520 : memref<1x128xi32, #tpu.memory_space<vmem>> -> memref<128xi32, #tpu.memory_space<vmem>>
      %dma_start3A_522 = arith.constant 0 : i32
      %dma_start3A_523 = arith.constant 0 : i32
      %dma_start3A_524 = tpu.memref_slice %arg13[%dma_start3A_522, %dma_start3A_523] : memref<10240x128xf32, #tpu.memory_space<vmem_shared>> -> memref<10240x128xf32, #tpu.memory_space<vmem_shared>>
      tpu.enqueue_indirect_dma source(%arg10 : memref<128x128xf32, #tpu.memory_space<vmem>>) target(%dma_start3A_524 : memref<10240x128xf32, #tpu.memory_space<vmem_shared>>) offsets(%dma_start3A_521 : memref<128xi32, #tpu.memory_space<vmem>>) semaphore(%arg18 : memref<!tpu.dma_semaphore, #tpu.memory_space<semaphore_mem>>) {add = true}
      %add3A_525 = arith.constant 1 : i32
      %add3A_526 = arith.addi %mul3A_477, %add3A_525 : i32
      %dma_start3A_527 = arith.constant 0 : i32
      %dma_start3A_528 = tpu.memref_slice %arg8[%add3A_526, %dma_start3A_527] : memref<25x128xi32, #tpu.memory_space<vmem>> -> memref<1x128xi32, #tpu.memory_space<vmem>>
      %dma_start3A_529 = tpu.memref_squeeze %dma_start3A_528 : memref<1x128xi32, #tpu.memory_space<vmem>> -> memref<128xi32, #tpu.memory_space<vmem>>
      %dma_start3A_530 = arith.constant 0 : i32
      %dma_start3A_531 = tpu.memref_slice %arg14[%dma_start3A_530] : memref<10240xf32, #tpu.memory_space<vmem_shared>> -> memref<10240xf32, #tpu.memory_space<vmem_shared>>
      tpu.enqueue_indirect_dma source(%arg11 : memref<128xf32, #tpu.memory_space<vmem>>) target(%dma_start3A_531 : memref<10240xf32, #tpu.memory_space<vmem_shared>>) offsets(%dma_start3A_529 : memref<128xi32, #tpu.memory_space<vmem>>) semaphore(%arg19 : memref<!tpu.dma_semaphore, #tpu.memory_space<semaphore_mem>>) {add = true}
      %add3A_532 = arith.constant 1 : i32
      %add3A_533 = arith.addi %mul3A_477, %add3A_532 : i32
      %dma_wait3A_534 = arith.constant 0 : i32
      %dma_wait3A_535 = tpu.memref_slice %arg8[%add3A_533, %dma_wait3A_534] : memref<25x128xi32, #tpu.memory_space<vmem>> -> memref<1x128xi32, #tpu.memory_space<vmem>>
      %dma_wait3A_536 = tpu.memref_squeeze %dma_wait3A_535 : memref<1x128xi32, #tpu.memory_space<vmem>> -> memref<128xi32, #tpu.memory_space<vmem>>
      %dma_wait3A_537 = arith.constant 0 : i32
      %dma_wait3A_538 = arith.constant 0 : i32
      %dma_wait3A_539 = tpu.memref_slice %arg13[%dma_wait3A_537, %dma_wait3A_538] : memref<10240x128xf32, #tpu.memory_space<vmem_shared>> -> memref<10240x128xf32, #tpu.memory_space<vmem_shared>>
      tpu.wait_indirect_dma semaphore(%arg18 : memref<!tpu.dma_semaphore, #tpu.memory_space<semaphore_mem>>) src(%arg10 : memref<128x128xf32, #tpu.memory_space<vmem>>) dst(%dma_wait3A_539 : memref<10240x128xf32, #tpu.memory_space<vmem_shared>>)
      %add3A_540 = arith.constant 3 : i32
      %add3A_541 = arith.addi %mul3A_477, %add3A_540 : i32
      %lt3A = arith.constant 25 : i32
      %lt3A_542 = arith.cmpi slt, %add3A_541, %lt3A : i32
      %convert_element_type3A = arith.extui %lt3A_542 : i1 to i32
      %cond3A = arith.constant 0 : i32
      %cond3A_543 = arith.cmpi ne, %convert_element_type3A, %cond3A : i32
      scf.if %cond3A_543 {
        %add3A_544 = arith.constant 3 : i32
        %add3A_545 = arith.addi %mul3A_477, %add3A_544 : i32
        %dma_start3A_546 = arith.constant 0 : i32
        %dma_start3A_547 = tpu.memref_slice %arg7[%add3A_545, %dma_start3A_546] : memref<25x128xi32, #tpu.memory_space<vmem>> -> memref<1x128xi32, #tpu.memory_space<vmem>>
        %dma_start3A_548 = tpu.memref_squeeze %dma_start3A_547 : memref<1x128xi32, #tpu.memory_space<vmem>> -> memref<128xi32, #tpu.memory_space<vmem>>
        %dma_start3A_549 = arith.constant 0 : i32
        %dma_start3A_550 = arith.constant 0 : i32
        %dma_start3A_551 = tpu.memref_slice %arg2[%dma_start3A_549, %dma_start3A_550] : memref<10000x128xf32, #tpu.memory_space<hbm>> -> memref<10000x128xf32, #tpu.memory_space<hbm>>
        tpu.enqueue_indirect_dma source(%dma_start3A_551 : memref<10000x128xf32, #tpu.memory_space<hbm>>) target(%arg10 : memref<128x128xf32, #tpu.memory_space<vmem>>) offsets(%dma_start3A_548 : memref<128xi32, #tpu.memory_space<vmem>>) semaphore(%arg16 : memref<!tpu.dma_semaphore, #tpu.memory_space<semaphore_mem>>)
      } else {
      }
    }
    %scan3A_54 = arith.constant 12 : i32
    %dma_wait3A = arith.constant 24 : i32
    %dma_wait3A_55 = arith.constant 0 : i32
    %dma_wait3A_56 = tpu.memref_slice %arg7[%dma_wait3A, %dma_wait3A_55] : memref<25x128xi32, #tpu.memory_space<vmem>> -> memref<1x128xi32, #tpu.memory_space<vmem>>
    %dma_wait3A_57 = tpu.memref_squeeze %dma_wait3A_56 : memref<1x128xi32, #tpu.memory_space<vmem>> -> memref<128xi32, #tpu.memory_space<vmem>>
    %dma_wait3A_58 = arith.constant 0 : i32
    %dma_wait3A_59 = arith.constant 0 : i32
    %dma_wait3A_60 = tpu.memref_slice %arg2[%dma_wait3A_58, %dma_wait3A_59] : memref<10000x128xf32, #tpu.memory_space<hbm>> -> memref<10000x128xf32, #tpu.memory_space<hbm>>
    tpu.wait_indirect_dma semaphore(%arg15 : memref<!tpu.dma_semaphore, #tpu.memory_space<semaphore_mem>>) src(%dma_wait3A_60 : memref<10000x128xf32, #tpu.memory_space<hbm>>) dst(%arg9 : memref<128x128xf32, #tpu.memory_space<vmem>>)
    %run_scoped3A_61 = arith.constant 24 : i32
    "tpu.region"() ({
      %run_scoped3A_475 = tpu.sem_alloc : memref<!tpu.dma_semaphore, #tpu.memory_space<semaphore_mem>>
      %dma_start3A_476 = arith.constant 0 : i32
      %dma_start3A_477 = tpu.memref_slice %arg8[%run_scoped3A_61, %dma_start3A_476] : memref<25x128xi32, #tpu.memory_space<vmem>> -> memref<1x128xi32, #tpu.memory_space<vmem>>
      %dma_start3A_478 = tpu.memref_squeeze %dma_start3A_477 : memref<1x128xi32, #tpu.memory_space<vmem>> -> memref<128xi32, #tpu.memory_space<vmem>>
      %dma_start3A_479 = arith.constant 0 : i32
      %dma_start3A_480 = arith.constant 0 : i32
      %dma_start3A_481 = tpu.memref_slice %arg13[%dma_start3A_479, %dma_start3A_480] : memref<10240x128xf32, #tpu.memory_space<vmem_shared>> -> memref<10240x128xf32, #tpu.memory_space<vmem_shared>>
      tpu.enqueue_indirect_dma source(%arg9 : memref<128x128xf32, #tpu.memory_space<vmem>>) target(%dma_start3A_481 : memref<10240x128xf32, #tpu.memory_space<vmem_shared>>) offsets(%dma_start3A_478 : memref<128xi32, #tpu.memory_space<vmem>>) semaphore(%run_scoped3A_475 : memref<!tpu.dma_semaphore, #tpu.memory_space<semaphore_mem>>) {add = true}
      %dma_wait3A_482 = arith.constant 0 : i32
      %dma_wait3A_483 = tpu.memref_slice %arg8[%run_scoped3A_61, %dma_wait3A_482] : memref<25x128xi32, #tpu.memory_space<vmem>> -> memref<1x128xi32, #tpu.memory_space<vmem>>
      %dma_wait3A_484 = tpu.memref_squeeze %dma_wait3A_483 : memref<1x128xi32, #tpu.memory_space<vmem>> -> memref<128xi32, #tpu.memory_space<vmem>>
      %dma_wait3A_485 = arith.constant 0 : i32
      %dma_wait3A_486 = arith.constant 0 : i32
      %dma_wait3A_487 = tpu.memref_slice %arg13[%dma_wait3A_485, %dma_wait3A_486] : memref<10240x128xf32, #tpu.memory_space<vmem_shared>> -> memref<10240x128xf32, #tpu.memory_space<vmem_shared>>
      tpu.wait_indirect_dma semaphore(%run_scoped3A_475 : memref<!tpu.dma_semaphore, #tpu.memory_space<semaphore_mem>>) src(%arg9 : memref<128x128xf32, #tpu.memory_space<vmem>>) dst(%dma_wait3A_487 : memref<10240x128xf32, #tpu.memory_space<vmem_shared>>)
      tpu.yield
    }) : () -> ()
    %dma_start3A_62 = arith.constant 24 : i32
    %dma_start3A_63 = arith.constant 0 : i32
    %dma_start3A_64 = tpu.memref_slice %arg8[%dma_start3A_62, %dma_start3A_63] : memref<25x128xi32, #tpu.memory_space<vmem>> -> memref<1x128xi32, #tpu.memory_space<vmem>>
    %dma_start3A_65 = tpu.memref_squeeze %dma_start3A_64 : memref<1x128xi32, #tpu.memory_space<vmem>> -> memref<128xi32, #tpu.memory_space<vmem>>
    %dma_start3A_66 = arith.constant 0 : i32
    %dma_start3A_67 = tpu.memref_slice %arg14[%dma_start3A_66] : memref<10240xf32, #tpu.memory_space<vmem_shared>> -> memref<10240xf32, #tpu.memory_space<vmem_shared>>
    tpu.enqueue_indirect_dma source(%arg11 : memref<128xf32, #tpu.memory_space<vmem>>) target(%dma_start3A_67 : memref<10240xf32, #tpu.memory_space<vmem_shared>>) offsets(%dma_start3A_65 : memref<128xi32, #tpu.memory_space<vmem>>) semaphore(%arg19 : memref<!tpu.dma_semaphore, #tpu.memory_space<semaphore_mem>>) {add = true}
    %scan3A_68 = arith.constant 0 : i32
    %scan3A_69 = arith.constant 0 : i32
    %scan3A_70 = arith.constant 25 : i32
    %scan3A_71 = arith.addi %scan3A_69, %scan3A_70 : i32
    %scan3A_72 = arith.constant 1 : i32
    scf.for %scan3A_475 = %scan3A_69 to %scan3A_71 step %scan3A_72  : i32 {
      %dma_wait3A_476 = arith.constant 0 : i32
      %dma_wait3A_477 = tpu.memref_slice %arg8[%scan3A_475, %dma_wait3A_476] : memref<25x128xi32, #tpu.memory_space<vmem>> -> memref<1x128xi32, #tpu.memory_space<vmem>>
      %dma_wait3A_478 = tpu.memref_squeeze %dma_wait3A_477 : memref<1x128xi32, #tpu.memory_space<vmem>> -> memref<128xi32, #tpu.memory_space<vmem>>
      %dma_wait3A_479 = arith.constant 0 : i32
      %dma_wait3A_480 = tpu.memref_slice %arg14[%dma_wait3A_479] : memref<10240xf32, #tpu.memory_space<vmem_shared>> -> memref<10240xf32, #tpu.memory_space<vmem_shared>>
      tpu.wait_indirect_dma semaphore(%arg19 : memref<!tpu.dma_semaphore, #tpu.memory_space<semaphore_mem>>) src(%arg11 : memref<128xf32, #tpu.memory_space<vmem>>) dst(%dma_wait3A_480 : memref<10240xf32, #tpu.memory_space<vmem_shared>>)
    }
    %scan3A_73 = arith.constant 25 : i32
    %barrier3A_74 = arith.constant 0 : index
    tpu.barrier barrier_id(%barrier3A_74)
    %dma_start3A_75 = arith.constant 0 : i32
    %dma_start3A_76 = tpu.memref_slice %arg13[%mul3A_2, %dma_start3A_75] : memref<10240x128xf32, #tpu.memory_space<vmem_shared>> -> memref<128x128xf32, #tpu.memory_space<vmem_shared>>
    %dma_start3A_77 = arith.constant 0 : i32
    %dma_start3A_78 = tpu.memref_slice %arg13[%mul3A_2, %dma_start3A_77] : memref<10240x128xf32, #tpu.memory_space<vmem_shared>> -> memref<128x128xf32, #tpu.memory_space<vmem_shared>>
    tpu.enqueue_dma source(%dma_start3A_78 : memref<128x128xf32, #tpu.memory_space<vmem_shared>>) target(%arg9 : memref<128x128xf32, #tpu.memory_space<vmem>>) target_semaphore(%arg15 : memref<!tpu.dma_semaphore, #tpu.memory_space<semaphore_mem>>)
    %dma_start3A_79 = tpu.memref_slice %arg14[%mul3A_2] : memref<10240xf32, #tpu.memory_space<vmem_shared>> -> memref<640xf32, #tpu.memory_space<vmem_shared>>
    %dma_start3A_80 = tpu.memref_slice %arg14[%mul3A_2] : memref<10240xf32, #tpu.memory_space<vmem_shared>> -> memref<640xf32, #tpu.memory_space<vmem_shared>>
    tpu.enqueue_dma source(%dma_start3A_80 : memref<640xf32, #tpu.memory_space<vmem_shared>>) target(%arg12 : memref<640xf32, #tpu.memory_space<vmem>>) target_semaphore(%arg19 : memref<!tpu.dma_semaphore, #tpu.memory_space<semaphore_mem>>)
    %add3A_81 = arith.constant 0 : i32
    %add3A_82 = arith.addi %mul3A_2, %add3A_81 : i32
    %dma_wait3A_83 = arith.constant 0 : i32
    %dma_wait3A_84 = tpu.memref_slice %arg13[%add3A_82, %dma_wait3A_83] : memref<10240x128xf32, #tpu.memory_space<vmem_shared>> -> memref<128x128xf32, #tpu.memory_space<vmem_shared>>
    %dma_wait3A_85 = arith.constant 0 : i32
    %dma_wait3A_86 = tpu.memref_slice %arg13[%add3A_82, %dma_wait3A_85] : memref<10240x128xf32, #tpu.memory_space<vmem_shared>> -> memref<128x128xf32, #tpu.memory_space<vmem_shared>>
    tpu.wait_dma2 semaphore(%arg15 : memref<!tpu.dma_semaphore, #tpu.memory_space<semaphore_mem>>) src(%dma_wait3A_86 : memref<128x128xf32, #tpu.memory_space<vmem_shared>>) dst(%arg9 : memref<128x128xf32, #tpu.memory_space<vmem>>)
    %add3A_87 = arith.constant 128 : i32
    %add3A_88 = arith.addi %mul3A_2, %add3A_87 : i32
    %dma_start3A_89 = arith.constant 0 : i32
    %dma_start3A_90 = tpu.memref_slice %arg13[%add3A_88, %dma_start3A_89] : memref<10240x128xf32, #tpu.memory_space<vmem_shared>> -> memref<128x128xf32, #tpu.memory_space<vmem_shared>>
    %dma_start3A_91 = arith.constant 0 : i32
    %dma_start3A_92 = tpu.memref_slice %arg13[%add3A_88, %dma_start3A_91] : memref<10240x128xf32, #tpu.memory_space<vmem_shared>> -> memref<128x128xf32, #tpu.memory_space<vmem_shared>>
    tpu.enqueue_dma source(%dma_start3A_92 : memref<128x128xf32, #tpu.memory_space<vmem_shared>>) target(%arg10 : memref<128x128xf32, #tpu.memory_space<vmem>>) target_semaphore(%arg16 : memref<!tpu.dma_semaphore, #tpu.memory_space<semaphore_mem>>)
    %add3A_93 = arith.constant 0 : i32
    %add3A_94 = arith.addi %mul3A_2, %add3A_93 : i32
    %run_scoped3A_95 = arith.constant 0 : i32
    "tpu.region"() ({
      %run_scoped3A_475 = tpu.sem_alloc : memref<!tpu.dma_semaphore, #tpu.memory_space<semaphore_mem>>
      %dma_start3A_476 = arith.constant 0 : i32
      %dma_start3A_477 = tpu.memref_slice %arg4[%arg0, %run_scoped3A_95, %add3A_94, %dma_start3A_476] : memref<2x3x10240x128xf32, #tpu.memory_space<hbm>> -> memref<1x1x128x128xf32, #tpu.memory_space<hbm>>
      %dma_start3A_478 = tpu.memref_squeeze %dma_start3A_477 : memref<1x1x128x128xf32, #tpu.memory_space<hbm>> -> memref<128x128xf32, #tpu.memory_space<hbm>>
      %dma_start3A_479 = arith.constant 0 : i32
      %dma_start3A_480 = tpu.memref_slice %arg4[%arg0, %run_scoped3A_95, %add3A_94, %dma_start3A_479] : memref<2x3x10240x128xf32, #tpu.memory_space<hbm>> -> memref<1x1x128x128xf32, #tpu.memory_space<hbm>>
      %dma_start3A_481 = tpu.memref_squeeze %dma_start3A_480 : memref<1x1x128x128xf32, #tpu.memory_space<hbm>> -> memref<128x128xf32, #tpu.memory_space<hbm>>
      tpu.enqueue_dma source(%arg9 : memref<128x128xf32, #tpu.memory_space<vmem>>) target(%dma_start3A_481 : memref<128x128xf32, #tpu.memory_space<hbm>>) target_semaphore(%run_scoped3A_475 : memref<!tpu.dma_semaphore, #tpu.memory_space<semaphore_mem>>)
      %dma_wait3A_482 = arith.constant 0 : i32
      %dma_wait3A_483 = tpu.memref_slice %arg4[%arg0, %run_scoped3A_95, %add3A_94, %dma_wait3A_482] : memref<2x3x10240x128xf32, #tpu.memory_space<hbm>> -> memref<1x1x128x128xf32, #tpu.memory_space<hbm>>
      %dma_wait3A_484 = tpu.memref_squeeze %dma_wait3A_483 : memref<1x1x128x128xf32, #tpu.memory_space<hbm>> -> memref<128x128xf32, #tpu.memory_space<hbm>>
      %dma_wait3A_485 = arith.constant 0 : i32
      %dma_wait3A_486 = tpu.memref_slice %arg4[%arg0, %run_scoped3A_95, %add3A_94, %dma_wait3A_485] : memref<2x3x10240x128xf32, #tpu.memory_space<hbm>> -> memref<1x1x128x128xf32, #tpu.memory_space<hbm>>
      %dma_wait3A_487 = tpu.memref_squeeze %dma_wait3A_486 : memref<1x1x128x128xf32, #tpu.memory_space<hbm>> -> memref<128x128xf32, #tpu.memory_space<hbm>>
      tpu.wait_dma2 semaphore(%run_scoped3A_475 : memref<!tpu.dma_semaphore, #tpu.memory_space<semaphore_mem>>) src(%arg9 : memref<128x128xf32, #tpu.memory_space<vmem>>) dst(%dma_wait3A_487 : memref<128x128xf32, #tpu.memory_space<hbm>>)
      tpu.yield
    }) : () -> ()
    %add3A_96 = arith.constant 128 : i32
    %add3A_97 = arith.addi %mul3A_2, %add3A_96 : i32
    %dma_wait3A_98 = arith.constant 0 : i32
    %dma_wait3A_99 = tpu.memref_slice %arg13[%add3A_97, %dma_wait3A_98] : memref<10240x128xf32, #tpu.memory_space<vmem_shared>> -> memref<128x128xf32, #tpu.memory_space<vmem_shared>>
    %dma_wait3A_100 = arith.constant 0 : i32
    %dma_wait3A_101 = tpu.memref_slice %arg13[%add3A_97, %dma_wait3A_100] : memref<10240x128xf32, #tpu.memory_space<vmem_shared>> -> memref<128x128xf32, #tpu.memory_space<vmem_shared>>
    tpu.wait_dma2 semaphore(%arg16 : memref<!tpu.dma_semaphore, #tpu.memory_space<semaphore_mem>>) src(%dma_wait3A_101 : memref<128x128xf32, #tpu.memory_space<vmem_shared>>) dst(%arg10 : memref<128x128xf32, #tpu.memory_space<vmem>>)
    %add3A_102 = arith.constant 256 : i32
    %add3A_103 = arith.addi %mul3A_2, %add3A_102 : i32
    %dma_start3A_104 = arith.constant 0 : i32
    %dma_start3A_105 = tpu.memref_slice %arg13[%add3A_103, %dma_start3A_104] : memref<10240x128xf32, #tpu.memory_space<vmem_shared>> -> memref<128x128xf32, #tpu.memory_space<vmem_shared>>
    %dma_start3A_106 = arith.constant 0 : i32
    %dma_start3A_107 = tpu.memref_slice %arg13[%add3A_103, %dma_start3A_106] : memref<10240x128xf32, #tpu.memory_space<vmem_shared>> -> memref<128x128xf32, #tpu.memory_space<vmem_shared>>
    tpu.enqueue_dma source(%dma_start3A_107 : memref<128x128xf32, #tpu.memory_space<vmem_shared>>) target(%arg9 : memref<128x128xf32, #tpu.memory_space<vmem>>) target_semaphore(%arg15 : memref<!tpu.dma_semaphore, #tpu.memory_space<semaphore_mem>>)
    %add3A_108 = arith.constant 128 : i32
    %add3A_109 = arith.addi %mul3A_2, %add3A_108 : i32
    %run_scoped3A_110 = arith.constant 0 : i32
    "tpu.region"() ({
      %run_scoped3A_475 = tpu.sem_alloc : memref<!tpu.dma_semaphore, #tpu.memory_space<semaphore_mem>>
      %dma_start3A_476 = arith.constant 0 : i32
      %dma_start3A_477 = tpu.memref_slice %arg4[%arg0, %run_scoped3A_110, %add3A_109, %dma_start3A_476] : memref<2x3x10240x128xf32, #tpu.memory_space<hbm>> -> memref<1x1x128x128xf32, #tpu.memory_space<hbm>>
      %dma_start3A_478 = tpu.memref_squeeze %dma_start3A_477 : memref<1x1x128x128xf32, #tpu.memory_space<hbm>> -> memref<128x128xf32, #tpu.memory_space<hbm>>
      %dma_start3A_479 = arith.constant 0 : i32
      %dma_start3A_480 = tpu.memref_slice %arg4[%arg0, %run_scoped3A_110, %add3A_109, %dma_start3A_479] : memref<2x3x10240x128xf32, #tpu.memory_space<hbm>> -> memref<1x1x128x128xf32, #tpu.memory_space<hbm>>
      %dma_start3A_481 = tpu.memref_squeeze %dma_start3A_480 : memref<1x1x128x128xf32, #tpu.memory_space<hbm>> -> memref<128x128xf32, #tpu.memory_space<hbm>>
      tpu.enqueue_dma source(%arg10 : memref<128x128xf32, #tpu.memory_space<vmem>>) target(%dma_start3A_481 : memref<128x128xf32, #tpu.memory_space<hbm>>) target_semaphore(%run_scoped3A_475 : memref<!tpu.dma_semaphore, #tpu.memory_space<semaphore_mem>>)
      %dma_wait3A_482 = arith.constant 0 : i32
      %dma_wait3A_483 = tpu.memref_slice %arg4[%arg0, %run_scoped3A_110, %add3A_109, %dma_wait3A_482] : memref<2x3x10240x128xf32, #tpu.memory_space<hbm>> -> memref<1x1x128x128xf32, #tpu.memory_space<hbm>>
      %dma_wait3A_484 = tpu.memref_squeeze %dma_wait3A_483 : memref<1x1x128x128xf32, #tpu.memory_space<hbm>> -> memref<128x128xf32, #tpu.memory_space<hbm>>
      %dma_wait3A_485 = arith.constant 0 : i32
      %dma_wait3A_486 = tpu.memref_slice %arg4[%arg0, %run_scoped3A_110, %add3A_109, %dma_wait3A_485] : memref<2x3x10240x128xf32, #tpu.memory_space<hbm>> -> memref<1x1x128x128xf32, #tpu.memory_space<hbm>>
      %dma_wait3A_487 = tpu.memref_squeeze %dma_wait3A_486 : memref<1x1x128x128xf32, #tpu.memory_space<hbm>> -> memref<128x128xf32, #tpu.memory_space<hbm>>
      tpu.wait_dma2 semaphore(%run_scoped3A_475 : memref<!tpu.dma_semaphore, #tpu.memory_space<semaphore_mem>>) src(%arg10 : memref<128x128xf32, #tpu.memory_space<vmem>>) dst(%dma_wait3A_487 : memref<128x128xf32, #tpu.memory_space<hbm>>)
      tpu.yield
    }) : () -> ()
    %add3A_111 = arith.constant 256 : i32
    %add3A_112 = arith.addi %mul3A_2, %add3A_111 : i32
    %dma_wait3A_113 = arith.constant 0 : i32
    %dma_wait3A_114 = tpu.memref_slice %arg13[%add3A_112, %dma_wait3A_113] : memref<10240x128xf32, #tpu.memory_space<vmem_shared>> -> memref<128x128xf32, #tpu.memory_space<vmem_shared>>
    %dma_wait3A_115 = arith.constant 0 : i32
    %dma_wait3A_116 = tpu.memref_slice %arg13[%add3A_112, %dma_wait3A_115] : memref<10240x128xf32, #tpu.memory_space<vmem_shared>> -> memref<128x128xf32, #tpu.memory_space<vmem_shared>>
    tpu.wait_dma2 semaphore(%arg15 : memref<!tpu.dma_semaphore, #tpu.memory_space<semaphore_mem>>) src(%dma_wait3A_116 : memref<128x128xf32, #tpu.memory_space<vmem_shared>>) dst(%arg9 : memref<128x128xf32, #tpu.memory_space<vmem>>)
    %add3A_117 = arith.constant 384 : i32
    %add3A_118 = arith.addi %mul3A_2, %add3A_117 : i32
    %dma_start3A_119 = arith.constant 0 : i32
    %dma_start3A_120 = tpu.memref_slice %arg13[%add3A_118, %dma_start3A_119] : memref<10240x128xf32, #tpu.memory_space<vmem_shared>> -> memref<128x128xf32, #tpu.memory_space<vmem_shared>>
    %dma_start3A_121 = arith.constant 0 : i32
    %dma_start3A_122 = tpu.memref_slice %arg13[%add3A_118, %dma_start3A_121] : memref<10240x128xf32, #tpu.memory_space<vmem_shared>> -> memref<128x128xf32, #tpu.memory_space<vmem_shared>>
    tpu.enqueue_dma source(%dma_start3A_122 : memref<128x128xf32, #tpu.memory_space<vmem_shared>>) target(%arg10 : memref<128x128xf32, #tpu.memory_space<vmem>>) target_semaphore(%arg16 : memref<!tpu.dma_semaphore, #tpu.memory_space<semaphore_mem>>)
    %add3A_123 = arith.constant 256 : i32
    %add3A_124 = arith.addi %mul3A_2, %add3A_123 : i32
    %run_scoped3A_125 = arith.constant 0 : i32
    "tpu.region"() ({
      %run_scoped3A_475 = tpu.sem_alloc : memref<!tpu.dma_semaphore, #tpu.memory_space<semaphore_mem>>
      %dma_start3A_476 = arith.constant 0 : i32
      %dma_start3A_477 = tpu.memref_slice %arg4[%arg0, %run_scoped3A_125, %add3A_124, %dma_start3A_476] : memref<2x3x10240x128xf32, #tpu.memory_space<hbm>> -> memref<1x1x128x128xf32, #tpu.memory_space<hbm>>
      %dma_start3A_478 = tpu.memref_squeeze %dma_start3A_477 : memref<1x1x128x128xf32, #tpu.memory_space<hbm>> -> memref<128x128xf32, #tpu.memory_space<hbm>>
      %dma_start3A_479 = arith.constant 0 : i32
      %dma_start3A_480 = tpu.memref_slice %arg4[%arg0, %run_scoped3A_125, %add3A_124, %dma_start3A_479] : memref<2x3x10240x128xf32, #tpu.memory_space<hbm>> -> memref<1x1x128x128xf32, #tpu.memory_space<hbm>>
      %dma_start3A_481 = tpu.memref_squeeze %dma_start3A_480 : memref<1x1x128x128xf32, #tpu.memory_space<hbm>> -> memref<128x128xf32, #tpu.memory_space<hbm>>
      tpu.enqueue_dma source(%arg9 : memref<128x128xf32, #tpu.memory_space<vmem>>) target(%dma_start3A_481 : memref<128x128xf32, #tpu.memory_space<hbm>>) target_semaphore(%run_scoped3A_475 : memref<!tpu.dma_semaphore, #tpu.memory_space<semaphore_mem>>)
      %dma_wait3A_482 = arith.constant 0 : i32
      %dma_wait3A_483 = tpu.memref_slice %arg4[%arg0, %run_scoped3A_125, %add3A_124, %dma_wait3A_482] : memref<2x3x10240x128xf32, #tpu.memory_space<hbm>> -> memref<1x1x128x128xf32, #tpu.memory_space<hbm>>
      %dma_wait3A_484 = tpu.memref_squeeze %dma_wait3A_483 : memref<1x1x128x128xf32, #tpu.memory_space<hbm>> -> memref<128x128xf32, #tpu.memory_space<hbm>>
      %dma_wait3A_485 = arith.constant 0 : i32
      %dma_wait3A_486 = tpu.memref_slice %arg4[%arg0, %run_scoped3A_125, %add3A_124, %dma_wait3A_485] : memref<2x3x10240x128xf32, #tpu.memory_space<hbm>> -> memref<1x1x128x128xf32, #tpu.memory_space<hbm>>
      %dma_wait3A_487 = tpu.memref_squeeze %dma_wait3A_486 : memref<1x1x128x128xf32, #tpu.memory_space<hbm>> -> memref<128x128xf32, #tpu.memory_space<hbm>>
      tpu.wait_dma2 semaphore(%run_scoped3A_475 : memref<!tpu.dma_semaphore, #tpu.memory_space<semaphore_mem>>) src(%arg9 : memref<128x128xf32, #tpu.memory_space<vmem>>) dst(%dma_wait3A_487 : memref<128x128xf32, #tpu.memory_space<hbm>>)
      tpu.yield
    }) : () -> ()
    %add3A_126 = arith.constant 384 : i32
    %add3A_127 = arith.addi %mul3A_2, %add3A_126 : i32
    %dma_wait3A_128 = arith.constant 0 : i32
    %dma_wait3A_129 = tpu.memref_slice %arg13[%add3A_127, %dma_wait3A_128] : memref<10240x128xf32, #tpu.memory_space<vmem_shared>> -> memref<128x128xf32, #tpu.memory_space<vmem_shared>>
    %dma_wait3A_130 = arith.constant 0 : i32
    %dma_wait3A_131 = tpu.memref_slice %arg13[%add3A_127, %dma_wait3A_130] : memref<10240x128xf32, #tpu.memory_space<vmem_shared>> -> memref<128x128xf32, #tpu.memory_space<vmem_shared>>
    tpu.wait_dma2 semaphore(%arg16 : memref<!tpu.dma_semaphore, #tpu.memory_space<semaphore_mem>>) src(%dma_wait3A_131 : memref<128x128xf32, #tpu.memory_space<vmem_shared>>) dst(%arg10 : memref<128x128xf32, #tpu.memory_space<vmem>>)
    %add3A_132 = arith.constant 512 : i32
    %add3A_133 = arith.addi %mul3A_2, %add3A_132 : i32
    %dma_start3A_134 = arith.constant 0 : i32
    %dma_start3A_135 = tpu.memref_slice %arg13[%add3A_133, %dma_start3A_134] : memref<10240x128xf32, #tpu.memory_space<vmem_shared>> -> memref<128x128xf32, #tpu.memory_space<vmem_shared>>
    %dma_start3A_136 = arith.constant 0 : i32
    %dma_start3A_137 = tpu.memref_slice %arg13[%add3A_133, %dma_start3A_136] : memref<10240x128xf32, #tpu.memory_space<vmem_shared>> -> memref<128x128xf32, #tpu.memory_space<vmem_shared>>
    tpu.enqueue_dma source(%dma_start3A_137 : memref<128x128xf32, #tpu.memory_space<vmem_shared>>) target(%arg9 : memref<128x128xf32, #tpu.memory_space<vmem>>) target_semaphore(%arg15 : memref<!tpu.dma_semaphore, #tpu.memory_space<semaphore_mem>>)
    %add3A_138 = arith.constant 384 : i32
    %add3A_139 = arith.addi %mul3A_2, %add3A_138 : i32
    %run_scoped3A_140 = arith.constant 0 : i32
    "tpu.region"() ({
      %run_scoped3A_475 = tpu.sem_alloc : memref<!tpu.dma_semaphore, #tpu.memory_space<semaphore_mem>>
      %dma_start3A_476 = arith.constant 0 : i32
      %dma_start3A_477 = tpu.memref_slice %arg4[%arg0, %run_scoped3A_140, %add3A_139, %dma_start3A_476] : memref<2x3x10240x128xf32, #tpu.memory_space<hbm>> -> memref<1x1x128x128xf32, #tpu.memory_space<hbm>>
      %dma_start3A_478 = tpu.memref_squeeze %dma_start3A_477 : memref<1x1x128x128xf32, #tpu.memory_space<hbm>> -> memref<128x128xf32, #tpu.memory_space<hbm>>
      %dma_start3A_479 = arith.constant 0 : i32
      %dma_start3A_480 = tpu.memref_slice %arg4[%arg0, %run_scoped3A_140, %add3A_139, %dma_start3A_479] : memref<2x3x10240x128xf32, #tpu.memory_space<hbm>> -> memref<1x1x128x128xf32, #tpu.memory_space<hbm>>
      %dma_start3A_481 = tpu.memref_squeeze %dma_start3A_480 : memref<1x1x128x128xf32, #tpu.memory_space<hbm>> -> memref<128x128xf32, #tpu.memory_space<hbm>>
      tpu.enqueue_dma source(%arg10 : memref<128x128xf32, #tpu.memory_space<vmem>>) target(%dma_start3A_481 : memref<128x128xf32, #tpu.memory_space<hbm>>) target_semaphore(%run_scoped3A_475 : memref<!tpu.dma_semaphore, #tpu.memory_space<semaphore_mem>>)
      %dma_wait3A_482 = arith.constant 0 : i32
      %dma_wait3A_483 = tpu.memref_slice %arg4[%arg0, %run_scoped3A_140, %add3A_139, %dma_wait3A_482] : memref<2x3x10240x128xf32, #tpu.memory_space<hbm>> -> memref<1x1x128x128xf32, #tpu.memory_space<hbm>>
      %dma_wait3A_484 = tpu.memref_squeeze %dma_wait3A_483 : memref<1x1x128x128xf32, #tpu.memory_space<hbm>> -> memref<128x128xf32, #tpu.memory_space<hbm>>
      %dma_wait3A_485 = arith.constant 0 : i32
      %dma_wait3A_486 = tpu.memref_slice %arg4[%arg0, %run_scoped3A_140, %add3A_139, %dma_wait3A_485] : memref<2x3x10240x128xf32, #tpu.memory_space<hbm>> -> memref<1x1x128x128xf32, #tpu.memory_space<hbm>>
      %dma_wait3A_487 = tpu.memref_squeeze %dma_wait3A_486 : memref<1x1x128x128xf32, #tpu.memory_space<hbm>> -> memref<128x128xf32, #tpu.memory_space<hbm>>
      tpu.wait_dma2 semaphore(%run_scoped3A_475 : memref<!tpu.dma_semaphore, #tpu.memory_space<semaphore_mem>>) src(%arg10 : memref<128x128xf32, #tpu.memory_space<vmem>>) dst(%dma_wait3A_487 : memref<128x128xf32, #tpu.memory_space<hbm>>)
      tpu.yield
    }) : () -> ()
    %add3A_141 = arith.constant 512 : i32
    %add3A_142 = arith.addi %mul3A_2, %add3A_141 : i32
    %dma_wait3A_143 = arith.constant 0 : i32
    %dma_wait3A_144 = tpu.memref_slice %arg13[%add3A_142, %dma_wait3A_143] : memref<10240x128xf32, #tpu.memory_space<vmem_shared>> -> memref<128x128xf32, #tpu.memory_space<vmem_shared>>
    %dma_wait3A_145 = arith.constant 0 : i32
    %dma_wait3A_146 = tpu.memref_slice %arg13[%add3A_142, %dma_wait3A_145] : memref<10240x128xf32, #tpu.memory_space<vmem_shared>> -> memref<128x128xf32, #tpu.memory_space<vmem_shared>>
    tpu.wait_dma2 semaphore(%arg15 : memref<!tpu.dma_semaphore, #tpu.memory_space<semaphore_mem>>) src(%dma_wait3A_146 : memref<128x128xf32, #tpu.memory_space<vmem_shared>>) dst(%arg9 : memref<128x128xf32, #tpu.memory_space<vmem>>)
    %add3A_147 = arith.constant 512 : i32
    %add3A_148 = arith.addi %mul3A_2, %add3A_147 : i32
    %run_scoped3A_149 = arith.constant 0 : i32
    "tpu.region"() ({
      %run_scoped3A_475 = tpu.sem_alloc : memref<!tpu.dma_semaphore, #tpu.memory_space<semaphore_mem>>
      %dma_start3A_476 = arith.constant 0 : i32
      %dma_start3A_477 = tpu.memref_slice %arg4[%arg0, %run_scoped3A_149, %add3A_148, %dma_start3A_476] : memref<2x3x10240x128xf32, #tpu.memory_space<hbm>> -> memref<1x1x128x128xf32, #tpu.memory_space<hbm>>
      %dma_start3A_478 = tpu.memref_squeeze %dma_start3A_477 : memref<1x1x128x128xf32, #tpu.memory_space<hbm>> -> memref<128x128xf32, #tpu.memory_space<hbm>>
      %dma_start3A_479 = arith.constant 0 : i32
      %dma_start3A_480 = tpu.memref_slice %arg4[%arg0, %run_scoped3A_149, %add3A_148, %dma_start3A_479] : memref<2x3x10240x128xf32, #tpu.memory_space<hbm>> -> memref<1x1x128x128xf32, #tpu.memory_space<hbm>>
      %dma_start3A_481 = tpu.memref_squeeze %dma_start3A_480 : memref<1x1x128x128xf32, #tpu.memory_space<hbm>> -> memref<128x128xf32, #tpu.memory_space<hbm>>
      tpu.enqueue_dma source(%arg9 : memref<128x128xf32, #tpu.memory_space<vmem>>) target(%dma_start3A_481 : memref<128x128xf32, #tpu.memory_space<hbm>>) target_semaphore(%run_scoped3A_475 : memref<!tpu.dma_semaphore, #tpu.memory_space<semaphore_mem>>)
      %dma_wait3A_482 = arith.constant 0 : i32
      %dma_wait3A_483 = tpu.memref_slice %arg4[%arg0, %run_scoped3A_149, %add3A_148, %dma_wait3A_482] : memref<2x3x10240x128xf32, #tpu.memory_space<hbm>> -> memref<1x1x128x128xf32, #tpu.memory_space<hbm>>
      %dma_wait3A_484 = tpu.memref_squeeze %dma_wait3A_483 : memref<1x1x128x128xf32, #tpu.memory_space<hbm>> -> memref<128x128xf32, #tpu.memory_space<hbm>>
      %dma_wait3A_485 = arith.constant 0 : i32
      %dma_wait3A_486 = tpu.memref_slice %arg4[%arg0, %run_scoped3A_149, %add3A_148, %dma_wait3A_485] : memref<2x3x10240x128xf32, #tpu.memory_space<hbm>> -> memref<1x1x128x128xf32, #tpu.memory_space<hbm>>
      %dma_wait3A_487 = tpu.memref_squeeze %dma_wait3A_486 : memref<1x1x128x128xf32, #tpu.memory_space<hbm>> -> memref<128x128xf32, #tpu.memory_space<hbm>>
      tpu.wait_dma2 semaphore(%run_scoped3A_475 : memref<!tpu.dma_semaphore, #tpu.memory_space<semaphore_mem>>) src(%arg9 : memref<128x128xf32, #tpu.memory_space<vmem>>) dst(%dma_wait3A_487 : memref<128x128xf32, #tpu.memory_space<hbm>>)
      tpu.yield
    }) : () -> ()
    %dma_wait3A_150 = tpu.memref_slice %arg14[%mul3A_2] : memref<10240xf32, #tpu.memory_space<vmem_shared>> -> memref<640xf32, #tpu.memory_space<vmem_shared>>
    %dma_wait3A_151 = tpu.memref_slice %arg14[%mul3A_2] : memref<10240xf32, #tpu.memory_space<vmem_shared>> -> memref<640xf32, #tpu.memory_space<vmem_shared>>
    tpu.wait_dma2 semaphore(%arg19 : memref<!tpu.dma_semaphore, #tpu.memory_space<semaphore_mem>>) src(%dma_wait3A_151 : memref<640xf32, #tpu.memory_space<vmem_shared>>) dst(%arg12 : memref<640xf32, #tpu.memory_space<vmem>>)
    %mul3A_152 = arith.constant 3 : i32
    %mul3A_153 = arith.muli %arg0, %mul3A_152 : i32
    %add3A_154 = arith.constant 0 : i32
    %add3A_155 = arith.addi %mul3A_153, %add3A_154 : i32
    %mul3A_156 = arith.constant 16 : i32
    %mul3A_157 = arith.muli %add3A_155, %mul3A_156 : i32
    %add3A_158 = arith.addi %mul3A_157, %arg1 : i32
    %mul3A_159 = arith.constant 640 : i32
    %mul3A_160 = arith.muli %add3A_158, %mul3A_159 : i32
    "tpu.region"() ({
      %run_scoped3A_475 = tpu.sem_alloc : memref<!tpu.dma_semaphore, #tpu.memory_space<semaphore_mem>>
      %dma_start3A_476 = tpu.memref_slice %arg5[%mul3A_160] : memref<61440xf32, #tpu.memory_space<hbm>> -> memref<640xf32, #tpu.memory_space<hbm>>
      %dma_start3A_477 = tpu.memref_slice %arg5[%mul3A_160] : memref<61440xf32, #tpu.memory_space<hbm>> -> memref<640xf32, #tpu.memory_space<hbm>>
      tpu.enqueue_dma source(%arg12 : memref<640xf32, #tpu.memory_space<vmem>>) target(%dma_start3A_477 : memref<640xf32, #tpu.memory_space<hbm>>) target_semaphore(%run_scoped3A_475 : memref<!tpu.dma_semaphore, #tpu.memory_space<semaphore_mem>>)
      %dma_wait3A_478 = tpu.memref_slice %arg5[%mul3A_160] : memref<61440xf32, #tpu.memory_space<hbm>> -> memref<640xf32, #tpu.memory_space<hbm>>
      %dma_wait3A_479 = tpu.memref_slice %arg5[%mul3A_160] : memref<61440xf32, #tpu.memory_space<hbm>> -> memref<640xf32, #tpu.memory_space<hbm>>
      tpu.wait_dma2 semaphore(%run_scoped3A_475 : memref<!tpu.dma_semaphore, #tpu.memory_space<semaphore_mem>>) src(%arg12 : memref<640xf32, #tpu.memory_space<vmem>>) dst(%dma_wait3A_479 : memref<640xf32, #tpu.memory_space<hbm>>)
      tpu.yield
    }) : () -> ()
    %scan3A_161 = arith.constant 0 : i32
    %scan3A_162 = arith.constant 0 : i32
    %scan3A_163 = arith.constant 1024 : i32
    %scan3A_164 = arith.addi %scan3A_162, %scan3A_163 : i32
    %scan3A_165 = arith.constant 1 : i32
    scf.for %scan3A_475 = %scan3A_162 to %scan3A_164 step %scan3A_165  : i32 {
      %jit3A = arith.constant 8 : i32
      %div3A = arith.divsi %scan3A_475, %jit3A : i32
      %sign3A = arith.constant 0 : i32
      %sign3A_476 = arith.cmpi sgt, %scan3A_475, %sign3A : i32
      %sign3A_477 = arith.extui %sign3A_476 : i1 to i32
      %sign3A_478 = arith.constant 0 : i32
      %sign3A_479 = arith.cmpi slt, %scan3A_475, %sign3A_478 : i32
      %sign3A_480 = arith.extui %sign3A_479 : i1 to i32
      %sign3A_481 = arith.subi %sign3A_477, %sign3A_480 : i32
      %sign3A_482 = arith.constant 0 : i32
      %sign3A_483 = arith.cmpi sgt, %jit3A, %sign3A_482 : i32
      %sign3A_484 = arith.extui %sign3A_483 : i1 to i32
      %sign3A_485 = arith.constant 0 : i32
      %sign3A_486 = arith.cmpi slt, %jit3A, %sign3A_485 : i32
      %sign3A_487 = arith.extui %sign3A_486 : i1 to i32
      %sign3A_488 = arith.subi %sign3A_484, %sign3A_487 : i32
      %ne3A = arith.cmpi ne, %sign3A_481, %sign3A_488 : i32
      %rem3A = arith.remsi %scan3A_475, %jit3A : i32
      %ne3A_489 = arith.constant 0 : i32
      %ne3A_490 = arith.cmpi ne, %rem3A, %ne3A_489 : i32
      %and3A = arith.andi %ne3A, %ne3A_490 : i1
      %sub3A = arith.constant 1 : i32
      %sub3A_491 = arith.subi %div3A, %sub3A : i32
      %select_n3A = arith.select %and3A, %sub3A_491, %div3A : i32
      %jit3A_492 = arith.constant 8 : i32
      %eq3A = arith.constant 0 : i32
      %eq3A_493 = arith.cmpi eq, %jit3A_492, %eq3A : i32
      %jit3A_494 = arith.constant 1 : i32
      %select_n3A_495 = arith.select %eq3A_493, %jit3A_494, %jit3A_492 : i32
      %rem3A_496 = arith.remsi %scan3A_475, %select_n3A_495 : i32
      %ne3A_497 = arith.constant 0 : i32
      %ne3A_498 = arith.cmpi ne, %rem3A_496, %ne3A_497 : i32
      %lt3A = arith.constant 0 : i32
      %lt3A_499 = arith.cmpi slt, %rem3A_496, %lt3A : i32
      %lt3A_500 = arith.constant 0 : i32
      %lt3A_501 = arith.cmpi slt, %select_n3A_495, %lt3A_500 : i32
      %ne3A_502 = arith.xori %lt3A_499, %lt3A_501 : i1
      %and3A_503 = arith.andi %ne3A_502, %ne3A_498 : i1
      %add3A_504 = arith.addi %rem3A_496, %select_n3A_495 : i32
      %select_n3A_505 = arith.select %and3A_503, %add3A_504, %rem3A_496 : i32
      %mul3A_506 = arith.constant 16 : i32
      %mul3A_507 = arith.muli %select_n3A_505, %mul3A_506 : i32
      %broadcast_in_dim3A = arith.constant 0.000000e+00 : f32
      %broadcast_in_dim3A_508 = vector.broadcast %broadcast_in_dim3A : f32 to vector<16xf32>
      %swap3A = arith.index_cast %select_n3A : i32 to index
      %swap3A_509 = arith.index_cast %mul3A_507 : i32 to index
      %swap3A_510 = tpu.vector_load %arg9[%swap3A, %swap3A_509] {strides = array<i32>} : memref<128x128xf32, #tpu.memory_space<vmem>>, vector<1x16xf32>,
      %swap3A_511 = vector.shape_cast %swap3A_510 : vector<1x16xf32> to vector<16xf32>
      %swap3A_512 = vector.shape_cast %broadcast_in_dim3A_508 : vector<16xf32> to vector<1x16xf32>
      tpu.vector_store %arg9[%swap3A, %swap3A_509], %swap3A_512 {strides = array<i32>} : memref<128x128xf32, #tpu.memory_space<vmem>>, vector<1x16xf32>,
    }
    %scan3A_166 = arith.constant 1024 : i32
    %add3A_167 = arith.constant 0 : i32
    %add3A_168 = arith.addi %mul3A_2, %add3A_167 : i32
    "tpu.region"() ({
      %run_scoped3A_475 = tpu.sem_alloc : memref<!tpu.dma_semaphore, #tpu.memory_space<semaphore_mem>>
      %dma_start3A_476 = arith.constant 0 : i32
      %dma_start3A_477 = tpu.memref_slice %arg13[%add3A_168, %dma_start3A_476] : memref<10240x128xf32, #tpu.memory_space<vmem_shared>> -> memref<128x128xf32, #tpu.memory_space<vmem_shared>>
      %dma_start3A_478 = arith.constant 0 : i32
      %dma_start3A_479 = tpu.memref_slice %arg13[%add3A_168, %dma_start3A_478] : memref<10240x128xf32, #tpu.memory_space<vmem_shared>> -> memref<128x128xf32, #tpu.memory_space<vmem_shared>>
      tpu.enqueue_dma source(%arg9 : memref<128x128xf32, #tpu.memory_space<vmem>>) target(%dma_start3A_479 : memref<128x128xf32, #tpu.memory_space<vmem_shared>>) target_semaphore(%run_scoped3A_475 : memref<!tpu.dma_semaphore, #tpu.memory_space<semaphore_mem>>)
      %dma_wait3A_480 = arith.constant 0 : i32
      %dma_wait3A_481 = tpu.memref_slice %arg13[%add3A_168, %dma_wait3A_480] : memref<10240x128xf32, #tpu.memory_space<vmem_shared>> -> memref<128x128xf32, #tpu.memory_space<vmem_shared>>
      %dma_wait3A_482 = arith.constant 0 : i32
      %dma_wait3A_483 = tpu.memref_slice %arg13[%add3A_168, %dma_wait3A_482] : memref<10240x128xf32, #tpu.memory_space<vmem_shared>> -> memref<128x128xf32, #tpu.memory_space<vmem_shared>>
      tpu.wait_dma2 semaphore(%run_scoped3A_475 : memref<!tpu.dma_semaphore, #tpu.memory_space<semaphore_mem>>) src(%arg9 : memref<128x128xf32, #tpu.memory_space<vmem>>) dst(%dma_wait3A_483 : memref<128x128xf32, #tpu.memory_space<vmem_shared>>)
      tpu.yield
    }) : () -> ()
    %add3A_169 = arith.constant 128 : i32
    %add3A_170 = arith.addi %mul3A_2, %add3A_169 : i32
    "tpu.region"() ({
      %run_scoped3A_475 = tpu.sem_alloc : memref<!tpu.dma_semaphore, #tpu.memory_space<semaphore_mem>>
      %dma_start3A_476 = arith.constant 0 : i32
      %dma_start3A_477 = tpu.memref_slice %arg13[%add3A_170, %dma_start3A_476] : memref<10240x128xf32, #tpu.memory_space<vmem_shared>> -> memref<128x128xf32, #tpu.memory_space<vmem_shared>>
      %dma_start3A_478 = arith.constant 0 : i32
      %dma_start3A_479 = tpu.memref_slice %arg13[%add3A_170, %dma_start3A_478] : memref<10240x128xf32, #tpu.memory_space<vmem_shared>> -> memref<128x128xf32, #tpu.memory_space<vmem_shared>>
      tpu.enqueue_dma source(%arg9 : memref<128x128xf32, #tpu.memory_space<vmem>>) target(%dma_start3A_479 : memref<128x128xf32, #tpu.memory_space<vmem_shared>>) target_semaphore(%run_scoped3A_475 : memref<!tpu.dma_semaphore, #tpu.memory_space<semaphore_mem>>)
      %dma_wait3A_480 = arith.constant 0 : i32
      %dma_wait3A_481 = tpu.memref_slice %arg13[%add3A_170, %dma_wait3A_480] : memref<10240x128xf32, #tpu.memory_space<vmem_shared>> -> memref<128x128xf32, #tpu.memory_space<vmem_shared>>
      %dma_wait3A_482 = arith.constant 0 : i32
      %dma_wait3A_483 = tpu.memref_slice %arg13[%add3A_170, %dma_wait3A_482] : memref<10240x128xf32, #tpu.memory_space<vmem_shared>> -> memref<128x128xf32, #tpu.memory_space<vmem_shared>>
      tpu.wait_dma2 semaphore(%run_scoped3A_475 : memref<!tpu.dma_semaphore, #tpu.memory_space<semaphore_mem>>) src(%arg9 : memref<128x128xf32, #tpu.memory_space<vmem>>) dst(%dma_wait3A_483 : memref<128x128xf32, #tpu.memory_space<vmem_shared>>)
      tpu.yield
    }) : () -> ()
    %add3A_171 = arith.constant 256 : i32
    %add3A_172 = arith.addi %mul3A_2, %add3A_171 : i32
    "tpu.region"() ({
      %run_scoped3A_475 = tpu.sem_alloc : memref<!tpu.dma_semaphore, #tpu.memory_space<semaphore_mem>>
      %dma_start3A_476 = arith.constant 0 : i32
      %dma_start3A_477 = tpu.memref_slice %arg13[%add3A_172, %dma_start3A_476] : memref<10240x128xf32, #tpu.memory_space<vmem_shared>> -> memref<128x128xf32, #tpu.memory_space<vmem_shared>>
      %dma_start3A_478 = arith.constant 0 : i32
      %dma_start3A_479 = tpu.memref_slice %arg13[%add3A_172, %dma_start3A_478] : memref<10240x128xf32, #tpu.memory_space<vmem_shared>> -> memref<128x128xf32, #tpu.memory_space<vmem_shared>>
      tpu.enqueue_dma source(%arg9 : memref<128x128xf32, #tpu.memory_space<vmem>>) target(%dma_start3A_479 : memref<128x128xf32, #tpu.memory_space<vmem_shared>>) target_semaphore(%run_scoped3A_475 : memref<!tpu.dma_semaphore, #tpu.memory_space<semaphore_mem>>)
      %dma_wait3A_480 = arith.constant 0 : i32
      %dma_wait3A_481 = tpu.memref_slice %arg13[%add3A_172, %dma_wait3A_480] : memref<10240x128xf32, #tpu.memory_space<vmem_shared>> -> memref<128x128xf32, #tpu.memory_space<vmem_shared>>
      %dma_wait3A_482 = arith.constant 0 : i32
      %dma_wait3A_483 = tpu.memref_slice %arg13[%add3A_172, %dma_wait3A_482] : memref<10240x128xf32, #tpu.memory_space<vmem_shared>> -> memref<128x128xf32, #tpu.memory_space<vmem_shared>>
      tpu.wait_dma2 semaphore(%run_scoped3A_475 : memref<!tpu.dma_semaphore, #tpu.memory_space<semaphore_mem>>) src(%arg9 : memref<128x128xf32, #tpu.memory_space<vmem>>) dst(%dma_wait3A_483 : memref<128x128xf32, #tpu.memory_space<vmem_shared>>)
      tpu.yield
    }) : () -> ()
    %add3A_173 = arith.constant 384 : i32
    %add3A_174 = arith.addi %mul3A_2, %add3A_173 : i32
    "tpu.region"() ({
      %run_scoped3A_475 = tpu.sem_alloc : memref<!tpu.dma_semaphore, #tpu.memory_space<semaphore_mem>>
      %dma_start3A_476 = arith.constant 0 : i32
      %dma_start3A_477 = tpu.memref_slice %arg13[%add3A_174, %dma_start3A_476] : memref<10240x128xf32, #tpu.memory_space<vmem_shared>> -> memref<128x128xf32, #tpu.memory_space<vmem_shared>>
      %dma_start3A_478 = arith.constant 0 : i32
      %dma_start3A_479 = tpu.memref_slice %arg13[%add3A_174, %dma_start3A_478] : memref<10240x128xf32, #tpu.memory_space<vmem_shared>> -> memref<128x128xf32, #tpu.memory_space<vmem_shared>>
      tpu.enqueue_dma source(%arg9 : memref<128x128xf32, #tpu.memory_space<vmem>>) target(%dma_start3A_479 : memref<128x128xf32, #tpu.memory_space<vmem_shared>>) target_semaphore(%run_scoped3A_475 : memref<!tpu.dma_semaphore, #tpu.memory_space<semaphore_mem>>)
      %dma_wait3A_480 = arith.constant 0 : i32
      %dma_wait3A_481 = tpu.memref_slice %arg13[%add3A_174, %dma_wait3A_480] : memref<10240x128xf32, #tpu.memory_space<vmem_shared>> -> memref<128x128xf32, #tpu.memory_space<vmem_shared>>
      %dma_wait3A_482 = arith.constant 0 : i32
      %dma_wait3A_483 = tpu.memref_slice %arg13[%add3A_174, %dma_wait3A_482] : memref<10240x128xf32, #tpu.memory_space<vmem_shared>> -> memref<128x128xf32, #tpu.memory_space<vmem_shared>>
      tpu.wait_dma2 semaphore(%run_scoped3A_475 : memref<!tpu.dma_semaphore, #tpu.memory_space<semaphore_mem>>) src(%arg9 : memref<128x128xf32, #tpu.memory_space<vmem>>) dst(%dma_wait3A_483 : memref<128x128xf32, #tpu.memory_space<vmem_shared>>)
      tpu.yield
    }) : () -> ()
    %add3A_175 = arith.constant 512 : i32
    %add3A_176 = arith.addi %mul3A_2, %add3A_175 : i32
    "tpu.region"() ({
      %run_scoped3A_475 = tpu.sem_alloc : memref<!tpu.dma_semaphore, #tpu.memory_space<semaphore_mem>>
      %dma_start3A_476 = arith.constant 0 : i32
      %dma_start3A_477 = tpu.memref_slice %arg13[%add3A_176, %dma_start3A_476] : memref<10240x128xf32, #tpu.memory_space<vmem_shared>> -> memref<128x128xf32, #tpu.memory_space<vmem_shared>>
      %dma_start3A_478 = arith.constant 0 : i32
      %dma_start3A_479 = tpu.memref_slice %arg13[%add3A_176, %dma_start3A_478] : memref<10240x128xf32, #tpu.memory_space<vmem_shared>> -> memref<128x128xf32, #tpu.memory_space<vmem_shared>>
      tpu.enqueue_dma source(%arg9 : memref<128x128xf32, #tpu.memory_space<vmem>>) target(%dma_start3A_479 : memref<128x128xf32, #tpu.memory_space<vmem_shared>>) target_semaphore(%run_scoped3A_475 : memref<!tpu.dma_semaphore, #tpu.memory_space<semaphore_mem>>)
      %dma_wait3A_480 = arith.constant 0 : i32
      %dma_wait3A_481 = tpu.memref_slice %arg13[%add3A_176, %dma_wait3A_480] : memref<10240x128xf32, #tpu.memory_space<vmem_shared>> -> memref<128x128xf32, #tpu.memory_space<vmem_shared>>
      %dma_wait3A_482 = arith.constant 0 : i32
      %dma_wait3A_483 = tpu.memref_slice %arg13[%add3A_176, %dma_wait3A_482] : memref<10240x128xf32, #tpu.memory_space<vmem_shared>> -> memref<128x128xf32, #tpu.memory_space<vmem_shared>>
      tpu.wait_dma2 semaphore(%run_scoped3A_475 : memref<!tpu.dma_semaphore, #tpu.memory_space<semaphore_mem>>) src(%arg9 : memref<128x128xf32, #tpu.memory_space<vmem>>) dst(%dma_wait3A_483 : memref<128x128xf32, #tpu.memory_space<vmem_shared>>)
      tpu.yield
    }) : () -> ()
    %scan3A_177 = arith.constant 0 : i32
    %scan3A_178 = arith.constant 0 : i32
    %scan3A_179 = arith.constant 40 : i32
    %scan3A_180 = arith.addi %scan3A_178, %scan3A_179 : i32
    %scan3A_181 = arith.constant 1 : i32
    scf.for %scan3A_475 = %scan3A_178 to %scan3A_180 step %scan3A_181  : i32 {
      %broadcast_in_dim3A = arith.constant 0.000000e+00 : f32
      %broadcast_in_dim3A_476 = vector.broadcast %broadcast_in_dim3A : f32 to vector<16xf32>
      %mul3A_477 = arith.constant 16 : i32
      %mul3A_478 = arith.muli %scan3A_475, %mul3A_477 : i32
      %swap3A = arith.index_cast %mul3A_478 : i32 to index
      %swap3A_479 = tpu.vector_load %arg12[%swap3A] {strides = array<i32>} : memref<640xf32, #tpu.memory_space<vmem>>, vector<16xf32>,
      %swap3A_480 = vector.shape_cast %swap3A_479 : vector<16xf32> to vector<16xf32>
      %swap3A_481 = vector.shape_cast %broadcast_in_dim3A_476 : vector<16xf32> to vector<16xf32>
      tpu.vector_store %arg12[%swap3A], %swap3A_481 {strides = array<i32>} : memref<640xf32, #tpu.memory_space<vmem>>, vector<16xf32>,
    }
    %scan3A_182 = arith.constant 40 : i32
    "tpu.region"() ({
      %run_scoped3A_475 = tpu.sem_alloc : memref<!tpu.dma_semaphore, #tpu.memory_space<semaphore_mem>>
      %dma_start3A_476 = tpu.memref_slice %arg14[%mul3A_2] : memref<10240xf32, #tpu.memory_space<vmem_shared>> -> memref<640xf32, #tpu.memory_space<vmem_shared>>
      %dma_start3A_477 = tpu.memref_slice %arg14[%mul3A_2] : memref<10240xf32, #tpu.memory_space<vmem_shared>> -> memref<640xf32, #tpu.memory_space<vmem_shared>>
      tpu.enqueue_dma source(%arg12 : memref<640xf32, #tpu.memory_space<vmem>>) target(%dma_start3A_477 : memref<640xf32, #tpu.memory_space<vmem_shared>>) target_semaphore(%run_scoped3A_475 : memref<!tpu.dma_semaphore, #tpu.memory_space<semaphore_mem>>)
      %dma_wait3A_478 = tpu.memref_slice %arg14[%mul3A_2] : memref<10240xf32, #tpu.memory_space<vmem_shared>> -> memref<640xf32, #tpu.memory_space<vmem_shared>>
      %dma_wait3A_479 = tpu.memref_slice %arg14[%mul3A_2] : memref<10240xf32, #tpu.memory_space<vmem_shared>> -> memref<640xf32, #tpu.memory_space<vmem_shared>>
      tpu.wait_dma2 semaphore(%run_scoped3A_475 : memref<!tpu.dma_semaphore, #tpu.memory_space<semaphore_mem>>) src(%arg12 : memref<640xf32, #tpu.memory_space<vmem>>) dst(%dma_wait3A_479 : memref<640xf32, #tpu.memory_space<vmem_shared>>)
      tpu.yield
    }) : () -> ()
    %barrier3A_183 = arith.constant 0 : index
    tpu.barrier barrier_id(%barrier3A_183)
    %run_scoped3A_184 = arith.constant 1 : i32
    "tpu.region"() ({
      %run_scoped3A_475 = tpu.sem_alloc : memref<!tpu.dma_semaphore, #tpu.memory_space<semaphore_mem>>
      %dma_start3A_476 = arith.constant 0 : i32
      %dma_start3A_477 = arith.constant 0 : i32
      %dma_start3A_478 = tpu.memref_slice %arg3[%run_scoped3A_184, %add3A, %dma_start3A_476, %dma_start3A_477] : memref<3x32x25x128xi32, #tpu.memory_space<hbm>> -> memref<1x1x25x128xi32, #tpu.memory_space<hbm>>
      %dma_start3A_479 = tpu.memref_squeeze %dma_start3A_478 : memref<1x1x25x128xi32, #tpu.memory_space<hbm>> -> memref<25x128xi32, #tpu.memory_space<hbm>>
      %dma_start3A_480 = arith.constant 0 : i32
      %dma_start3A_481 = arith.constant 0 : i32
      %dma_start3A_482 = tpu.memref_slice %arg3[%run_scoped3A_184, %add3A, %dma_start3A_480, %dma_start3A_481] : memref<3x32x25x128xi32, #tpu.memory_space<hbm>> -> memref<1x1x25x128xi32, #tpu.memory_space<hbm>>
      %dma_start3A_483 = tpu.memref_squeeze %dma_start3A_482 : memref<1x1x25x128xi32, #tpu.memory_space<hbm>> -> memref<25x128xi32, #tpu.memory_space<hbm>>
      tpu.enqueue_dma source(%dma_start3A_483 : memref<25x128xi32, #tpu.memory_space<hbm>>) target(%arg6 : memref<25x128xi32, #tpu.memory_space<vmem>>) target_semaphore(%run_scoped3A_475 : memref<!tpu.dma_semaphore, #tpu.memory_space<semaphore_mem>>)
      %dma_wait3A_484 = arith.constant 0 : i32
      %dma_wait3A_485 = arith.constant 0 : i32
      %dma_wait3A_486 = tpu.memref_slice %arg3[%run_scoped3A_184, %add3A, %dma_wait3A_484, %dma_wait3A_485] : memref<3x32x25x128xi32, #tpu.memory_space<hbm>> -> memref<1x1x25x128xi32, #tpu.memory_space<hbm>>
      %dma_wait3A_487 = tpu.memref_squeeze %dma_wait3A_486 : memref<1x1x25x128xi32, #tpu.memory_space<hbm>> -> memref<25x128xi32, #tpu.memory_space<hbm>>
      %dma_wait3A_488 = arith.constant 0 : i32
      %dma_wait3A_489 = arith.constant 0 : i32
      %dma_wait3A_490 = tpu.memref_slice %arg3[%run_scoped3A_184, %add3A, %dma_wait3A_488, %dma_wait3A_489] : memref<3x32x25x128xi32, #tpu.memory_space<hbm>> -> memref<1x1x25x128xi32, #tpu.memory_space<hbm>>
      %dma_wait3A_491 = tpu.memref_squeeze %dma_wait3A_490 : memref<1x1x25x128xi32, #tpu.memory_space<hbm>> -> memref<25x128xi32, #tpu.memory_space<hbm>>
      tpu.wait_dma2 semaphore(%run_scoped3A_475 : memref<!tpu.dma_semaphore, #tpu.memory_space<semaphore_mem>>) src(%dma_wait3A_491 : memref<25x128xi32, #tpu.memory_space<hbm>>) dst(%arg6 : memref<25x128xi32, #tpu.memory_space<vmem>>)
      tpu.yield
    }) : () -> ()
    %scan3A_185 = arith.constant 0 : i32
    %scan3A_186 = arith.constant 0 : i32
    %scan3A_187 = arith.constant 200 : i32
    %scan3A_188 = arith.addi %scan3A_186, %scan3A_187 : i32
    %scan3A_189 = arith.constant 1 : i32
    scf.for %scan3A_475 = %scan3A_186 to %scan3A_188 step %scan3A_189  : i32 {
      %jit3A = arith.constant 8 : i32
      %div3A = arith.divsi %scan3A_475, %jit3A : i32
      %sign3A = arith.constant 0 : i32
      %sign3A_476 = arith.cmpi sgt, %scan3A_475, %sign3A : i32
      %sign3A_477 = arith.extui %sign3A_476 : i1 to i32
      %sign3A_478 = arith.constant 0 : i32
      %sign3A_479 = arith.cmpi slt, %scan3A_475, %sign3A_478 : i32
      %sign3A_480 = arith.extui %sign3A_479 : i1 to i32
      %sign3A_481 = arith.subi %sign3A_477, %sign3A_480 : i32
      %sign3A_482 = arith.constant 0 : i32
      %sign3A_483 = arith.cmpi sgt, %jit3A, %sign3A_482 : i32
      %sign3A_484 = arith.extui %sign3A_483 : i1 to i32
      %sign3A_485 = arith.constant 0 : i32
      %sign3A_486 = arith.cmpi slt, %jit3A, %sign3A_485 : i32
      %sign3A_487 = arith.extui %sign3A_486 : i1 to i32
      %sign3A_488 = arith.subi %sign3A_484, %sign3A_487 : i32
      %ne3A = arith.cmpi ne, %sign3A_481, %sign3A_488 : i32
      %rem3A = arith.remsi %scan3A_475, %jit3A : i32
      %ne3A_489 = arith.constant 0 : i32
      %ne3A_490 = arith.cmpi ne, %rem3A, %ne3A_489 : i32
      %and3A = arith.andi %ne3A, %ne3A_490 : i1
      %sub3A = arith.constant 1 : i32
      %sub3A_491 = arith.subi %div3A, %sub3A : i32
      %select_n3A = arith.select %and3A, %sub3A_491, %div3A : i32
      %jit3A_492 = arith.constant 8 : i32
      %eq3A = arith.constant 0 : i32
      %eq3A_493 = arith.cmpi eq, %jit3A_492, %eq3A : i32
      %jit3A_494 = arith.constant 1 : i32
      %select_n3A_495 = arith.select %eq3A_493, %jit3A_494, %jit3A_492 : i32
      %rem3A_496 = arith.remsi %scan3A_475, %select_n3A_495 : i32
      %ne3A_497 = arith.constant 0 : i32
      %ne3A_498 = arith.cmpi ne, %rem3A_496, %ne3A_497 : i32
      %lt3A = arith.constant 0 : i32
      %lt3A_499 = arith.cmpi slt, %rem3A_496, %lt3A : i32
      %lt3A_500 = arith.constant 0 : i32
      %lt3A_501 = arith.cmpi slt, %select_n3A_495, %lt3A_500 : i32
      %ne3A_502 = arith.xori %lt3A_499, %lt3A_501 : i1
      %and3A_503 = arith.andi %ne3A_502, %ne3A_498 : i1
      %add3A_504 = arith.addi %rem3A_496, %select_n3A_495 : i32
      %select_n3A_505 = arith.select %and3A_503, %add3A_504, %rem3A_496 : i32
      %mul3A_506 = arith.constant 16 : i32
      %mul3A_507 = arith.muli %select_n3A_505, %mul3A_506 : i32
      %get3A = arith.index_cast %select_n3A : i32 to index
      %get3A_508 = arith.index_cast %mul3A_507 : i32 to index
      %get3A_509 = tpu.vector_load %arg6[%get3A, %get3A_508] {strides = array<i32>} : memref<25x128xi32, #tpu.memory_space<vmem>>, vector<1x16xi32>,
      %get3A_510 = vector.shape_cast %get3A_509 : vector<1x16xi32> to vector<16xi32>
      %shift_right_logical3A = arith.constant 14 : i32
      %shift_right_logical3A_511 = vector.broadcast %shift_right_logical3A : i32 to vector<16xi32>
      %shift_right_logical3A_512 = arith.shrui %get3A_510, %shift_right_logical3A_511 : vector<16xi32>
      %swap3A = arith.index_cast %select_n3A : i32 to index
      %swap3A_513 = arith.index_cast %mul3A_507 : i32 to index
      %swap3A_514 = tpu.vector_load %arg7[%swap3A, %swap3A_513] {strides = array<i32>} : memref<25x128xi32, #tpu.memory_space<vmem>>, vector<1x16xi32>,
      %swap3A_515 = vector.shape_cast %swap3A_514 : vector<1x16xi32> to vector<16xi32>
      %swap3A_516 = vector.shape_cast %shift_right_logical3A_512 : vector<16xi32> to vector<1x16xi32>
      tpu.vector_store %arg7[%swap3A, %swap3A_513], %swap3A_516 {strides = array<i32>} : memref<25x128xi32, #tpu.memory_space<vmem>>, vector<1x16xi32>,
      %and3A_517 = arith.constant 16383 : i32
      %and3A_518 = vector.broadcast %and3A_517 : i32 to vector<16xi32>
      %and3A_519 = arith.andi %get3A_510, %and3A_518 : vector<16xi32>
      %swap3A_520 = arith.index_cast %select_n3A : i32 to index
      %swap3A_521 = arith.index_cast %mul3A_507 : i32 to index
      %swap3A_522 = tpu.vector_load %arg8[%swap3A_520, %swap3A_521] {strides = array<i32>} : memref<25x128xi32, #tpu.memory_space<vmem>>, vector<1x16xi32>,
      %swap3A_523 = vector.shape_cast %swap3A_522 : vector<1x16xi32> to vector<16xi32>
      %swap3A_524 = vector.shape_cast %and3A_519 : vector<16xi32> to vector<1x16xi32>
      tpu.vector_store %arg8[%swap3A_520, %swap3A_521], %swap3A_524 {strides = array<i32>} : memref<25x128xi32, #tpu.memory_space<vmem>>, vector<1x16xi32>,
    }
    %scan3A_190 = arith.constant 200 : i32
    %dma_start3A_191 = arith.constant 0 : i32
    %dma_start3A_192 = arith.constant 0 : i32
    %dma_start3A_193 = tpu.memref_slice %arg7[%dma_start3A_191, %dma_start3A_192] : memref<25x128xi32, #tpu.memory_space<vmem>> -> memref<1x128xi32, #tpu.memory_space<vmem>>
    %dma_start3A_194 = tpu.memref_squeeze %dma_start3A_193 : memref<1x128xi32, #tpu.memory_space<vmem>> -> memref<128xi32, #tpu.memory_space<vmem>>
    %dma_start3A_195 = arith.constant 0 : i32
    %dma_start3A_196 = arith.constant 0 : i32
    %dma_start3A_197 = tpu.memref_slice %arg2[%dma_start3A_195, %dma_start3A_196] : memref<10000x128xf32, #tpu.memory_space<hbm>> -> memref<10000x128xf32, #tpu.memory_space<hbm>>
    tpu.enqueue_indirect_dma source(%dma_start3A_197 : memref<10000x128xf32, #tpu.memory_space<hbm>>) target(%arg9 : memref<128x128xf32, #tpu.memory_space<vmem>>) offsets(%dma_start3A_194 : memref<128xi32, #tpu.memory_space<vmem>>) semaphore(%arg15 : memref<!tpu.dma_semaphore, #tpu.memory_space<semaphore_mem>>)
    %dma_start3A_198 = arith.constant 1 : i32
    %dma_start3A_199 = arith.constant 0 : i32
    %dma_start3A_200 = tpu.memref_slice %arg7[%dma_start3A_198, %dma_start3A_199] : memref<25x128xi32, #tpu.memory_space<vmem>> -> memref<1x128xi32, #tpu.memory_space<vmem>>
    %dma_start3A_201 = tpu.memref_squeeze %dma_start3A_200 : memref<1x128xi32, #tpu.memory_space<vmem>> -> memref<128xi32, #tpu.memory_space<vmem>>
    %dma_start3A_202 = arith.constant 0 : i32
    %dma_start3A_203 = arith.constant 0 : i32
    %dma_start3A_204 = tpu.memref_slice %arg2[%dma_start3A_202, %dma_start3A_203] : memref<10000x128xf32, #tpu.memory_space<hbm>> -> memref<10000x128xf32, #tpu.memory_space<hbm>>
    tpu.enqueue_indirect_dma source(%dma_start3A_204 : memref<10000x128xf32, #tpu.memory_space<hbm>>) target(%arg10 : memref<128x128xf32, #tpu.memory_space<vmem>>) offsets(%dma_start3A_201 : memref<128xi32, #tpu.memory_space<vmem>>) semaphore(%arg16 : memref<!tpu.dma_semaphore, #tpu.memory_space<semaphore_mem>>)
    %scan3A_205 = arith.constant 0 : i32
    %scan3A_206 = arith.constant 0 : i32
    %scan3A_207 = arith.constant 12 : i32
    %scan3A_208 = arith.addi %scan3A_206, %scan3A_207 : i32
    %scan3A_209 = arith.constant 1 : i32
    scf.for %scan3A_475 = %scan3A_206 to %scan3A_208 step %scan3A_209  : i32 {
      %mul3A_476 = arith.constant 2 : i32
      %mul3A_477 = arith.muli %scan3A_475, %mul3A_476 : i32
      %dma_wait3A_478 = arith.constant 0 : i32
      %dma_wait3A_479 = tpu.memref_slice %arg7[%mul3A_477, %dma_wait3A_478] : memref<25x128xi32, #tpu.memory_space<vmem>> -> memref<1x128xi32, #tpu.memory_space<vmem>>
      %dma_wait3A_480 = tpu.memref_squeeze %dma_wait3A_479 : memref<1x128xi32, #tpu.memory_space<vmem>> -> memref<128xi32, #tpu.memory_space<vmem>>
      %dma_wait3A_481 = arith.constant 0 : i32
      %dma_wait3A_482 = arith.constant 0 : i32
      %dma_wait3A_483 = tpu.memref_slice %arg2[%dma_wait3A_481, %dma_wait3A_482] : memref<10000x128xf32, #tpu.memory_space<hbm>> -> memref<10000x128xf32, #tpu.memory_space<hbm>>
      tpu.wait_indirect_dma semaphore(%arg15 : memref<!tpu.dma_semaphore, #tpu.memory_space<semaphore_mem>>) src(%dma_wait3A_483 : memref<10000x128xf32, #tpu.memory_space<hbm>>) dst(%arg9 : memref<128x128xf32, #tpu.memory_space<vmem>>)
      %dma_start3A_484 = arith.constant 0 : i32
      %dma_start3A_485 = tpu.memref_slice %arg8[%mul3A_477, %dma_start3A_484] : memref<25x128xi32, #tpu.memory_space<vmem>> -> memref<1x128xi32, #tpu.memory_space<vmem>>
      %dma_start3A_486 = tpu.memref_squeeze %dma_start3A_485 : memref<1x128xi32, #tpu.memory_space<vmem>> -> memref<128xi32, #tpu.memory_space<vmem>>
      %dma_start3A_487 = arith.constant 0 : i32
      %dma_start3A_488 = arith.constant 0 : i32
      %dma_start3A_489 = tpu.memref_slice %arg13[%dma_start3A_487, %dma_start3A_488] : memref<10240x128xf32, #tpu.memory_space<vmem_shared>> -> memref<10240x128xf32, #tpu.memory_space<vmem_shared>>
      tpu.enqueue_indirect_dma source(%arg9 : memref<128x128xf32, #tpu.memory_space<vmem>>) target(%dma_start3A_489 : memref<10240x128xf32, #tpu.memory_space<vmem_shared>>) offsets(%dma_start3A_486 : memref<128xi32, #tpu.memory_space<vmem>>) semaphore(%arg17 : memref<!tpu.dma_semaphore, #tpu.memory_space<semaphore_mem>>) {add = true}
      %dma_start3A_490 = arith.constant 0 : i32
      %dma_start3A_491 = tpu.memref_slice %arg8[%mul3A_477, %dma_start3A_490] : memref<25x128xi32, #tpu.memory_space<vmem>> -> memref<1x128xi32, #tpu.memory_space<vmem>>
      %dma_start3A_492 = tpu.memref_squeeze %dma_start3A_491 : memref<1x128xi32, #tpu.memory_space<vmem>> -> memref<128xi32, #tpu.memory_space<vmem>>
      %dma_start3A_493 = arith.constant 0 : i32
      %dma_start3A_494 = tpu.memref_slice %arg14[%dma_start3A_493] : memref<10240xf32, #tpu.memory_space<vmem_shared>> -> memref<10240xf32, #tpu.memory_space<vmem_shared>>
      tpu.enqueue_indirect_dma source(%arg11 : memref<128xf32, #tpu.memory_space<vmem>>) target(%dma_start3A_494 : memref<10240xf32, #tpu.memory_space<vmem_shared>>) offsets(%dma_start3A_492 : memref<128xi32, #tpu.memory_space<vmem>>) semaphore(%arg19 : memref<!tpu.dma_semaphore, #tpu.memory_space<semaphore_mem>>) {add = true}
      %add3A_495 = arith.constant 1 : i32
      %add3A_496 = arith.addi %mul3A_477, %add3A_495 : i32
      %dma_wait3A_497 = arith.constant 0 : i32
      %dma_wait3A_498 = tpu.memref_slice %arg7[%add3A_496, %dma_wait3A_497] : memref<25x128xi32, #tpu.memory_space<vmem>> -> memref<1x128xi32, #tpu.memory_space<vmem>>
      %dma_wait3A_499 = tpu.memref_squeeze %dma_wait3A_498 : memref<1x128xi32, #tpu.memory_space<vmem>> -> memref<128xi32, #tpu.memory_space<vmem>>
      %dma_wait3A_500 = arith.constant 0 : i32
      %dma_wait3A_501 = arith.constant 0 : i32
      %dma_wait3A_502 = tpu.memref_slice %arg2[%dma_wait3A_500, %dma_wait3A_501] : memref<10000x128xf32, #tpu.memory_space<hbm>> -> memref<10000x128xf32, #tpu.memory_space<hbm>>
      tpu.wait_indirect_dma semaphore(%arg16 : memref<!tpu.dma_semaphore, #tpu.memory_space<semaphore_mem>>) src(%dma_wait3A_502 : memref<10000x128xf32, #tpu.memory_space<hbm>>) dst(%arg10 : memref<128x128xf32, #tpu.memory_space<vmem>>)
      %dma_wait3A_503 = arith.constant 0 : i32
      %dma_wait3A_504 = tpu.memref_slice %arg8[%mul3A_477, %dma_wait3A_503] : memref<25x128xi32, #tpu.memory_space<vmem>> -> memref<1x128xi32, #tpu.memory_space<vmem>>
      %dma_wait3A_505 = tpu.memref_squeeze %dma_wait3A_504 : memref<1x128xi32, #tpu.memory_space<vmem>> -> memref<128xi32, #tpu.memory_space<vmem>>
      %dma_wait3A_506 = arith.constant 0 : i32
      %dma_wait3A_507 = arith.constant 0 : i32
      %dma_wait3A_508 = tpu.memref_slice %arg13[%dma_wait3A_506, %dma_wait3A_507] : memref<10240x128xf32, #tpu.memory_space<vmem_shared>> -> memref<10240x128xf32, #tpu.memory_space<vmem_shared>>
      tpu.wait_indirect_dma semaphore(%arg17 : memref<!tpu.dma_semaphore, #tpu.memory_space<semaphore_mem>>) src(%arg9 : memref<128x128xf32, #tpu.memory_space<vmem>>) dst(%dma_wait3A_508 : memref<10240x128xf32, #tpu.memory_space<vmem_shared>>)
      %add3A_509 = arith.constant 2 : i32
      %add3A_510 = arith.addi %mul3A_477, %add3A_509 : i32
      %dma_start3A_511 = arith.constant 0 : i32
      %dma_start3A_512 = tpu.memref_slice %arg7[%add3A_510, %dma_start3A_511] : memref<25x128xi32, #tpu.memory_space<vmem>> -> memref<1x128xi32, #tpu.memory_space<vmem>>
      %dma_start3A_513 = tpu.memref_squeeze %dma_start3A_512 : memref<1x128xi32, #tpu.memory_space<vmem>> -> memref<128xi32, #tpu.memory_space<vmem>>
      %dma_start3A_514 = arith.constant 0 : i32
      %dma_start3A_515 = arith.constant 0 : i32
      %dma_start3A_516 = tpu.memref_slice %arg2[%dma_start3A_514, %dma_start3A_515] : memref<10000x128xf32, #tpu.memory_space<hbm>> -> memref<10000x128xf32, #tpu.memory_space<hbm>>
      tpu.enqueue_indirect_dma source(%dma_start3A_516 : memref<10000x128xf32, #tpu.memory_space<hbm>>) target(%arg9 : memref<128x128xf32, #tpu.memory_space<vmem>>) offsets(%dma_start3A_513 : memref<128xi32, #tpu.memory_space<vmem>>) semaphore(%arg15 : memref<!tpu.dma_semaphore, #tpu.memory_space<semaphore_mem>>)
      %add3A_517 = arith.constant 1 : i32
      %add3A_518 = arith.addi %mul3A_477, %add3A_517 : i32
      %dma_start3A_519 = arith.constant 0 : i32
      %dma_start3A_520 = tpu.memref_slice %arg8[%add3A_518, %dma_start3A_519] : memref<25x128xi32, #tpu.memory_space<vmem>> -> memref<1x128xi32, #tpu.memory_space<vmem>>
      %dma_start3A_521 = tpu.memref_squeeze %dma_start3A_520 : memref<1x128xi32, #tpu.memory_space<vmem>> -> memref<128xi32, #tpu.memory_space<vmem>>
      %dma_start3A_522 = arith.constant 0 : i32
      %dma_start3A_523 = arith.constant 0 : i32
      %dma_start3A_524 = tpu.memref_slice %arg13[%dma_start3A_522, %dma_start3A_523] : memref<10240x128xf32, #tpu.memory_space<vmem_shared>> -> memref<10240x128xf32, #tpu.memory_space<vmem_shared>>
      tpu.enqueue_indirect_dma source(%arg10 : memref<128x128xf32, #tpu.memory_space<vmem>>) target(%dma_start3A_524 : memref<10240x128xf32, #tpu.memory_space<vmem_shared>>) offsets(%dma_start3A_521 : memref<128xi32, #tpu.memory_space<vmem>>) semaphore(%arg18 : memref<!tpu.dma_semaphore, #tpu.memory_space<semaphore_mem>>) {add = true}
      %add3A_525 = arith.constant 1 : i32
      %add3A_526 = arith.addi %mul3A_477, %add3A_525 : i32
      %dma_start3A_527 = arith.constant 0 : i32
      %dma_start3A_528 = tpu.memref_slice %arg8[%add3A_526, %dma_start3A_527] : memref<25x128xi32, #tpu.memory_space<vmem>> -> memref<1x128xi32, #tpu.memory_space<vmem>>
      %dma_start3A_529 = tpu.memref_squeeze %dma_start3A_528 : memref<1x128xi32, #tpu.memory_space<vmem>> -> memref<128xi32, #tpu.memory_space<vmem>>
      %dma_start3A_530 = arith.constant 0 : i32
      %dma_start3A_531 = tpu.memref_slice %arg14[%dma_start3A_530] : memref<10240xf32, #tpu.memory_space<vmem_shared>> -> memref<10240xf32, #tpu.memory_space<vmem_shared>>
      tpu.enqueue_indirect_dma source(%arg11 : memref<128xf32, #tpu.memory_space<vmem>>) target(%dma_start3A_531 : memref<10240xf32, #tpu.memory_space<vmem_shared>>) offsets(%dma_start3A_529 : memref<128xi32, #tpu.memory_space<vmem>>) semaphore(%arg19 : memref<!tpu.dma_semaphore, #tpu.memory_space<semaphore_mem>>) {add = true}
      %add3A_532 = arith.constant 1 : i32
      %add3A_533 = arith.addi %mul3A_477, %add3A_532 : i32
      %dma_wait3A_534 = arith.constant 0 : i32
      %dma_wait3A_535 = tpu.memref_slice %arg8[%add3A_533, %dma_wait3A_534] : memref<25x128xi32, #tpu.memory_space<vmem>> -> memref<1x128xi32, #tpu.memory_space<vmem>>
      %dma_wait3A_536 = tpu.memref_squeeze %dma_wait3A_535 : memref<1x128xi32, #tpu.memory_space<vmem>> -> memref<128xi32, #tpu.memory_space<vmem>>
      %dma_wait3A_537 = arith.constant 0 : i32
      %dma_wait3A_538 = arith.constant 0 : i32
      %dma_wait3A_539 = tpu.memref_slice %arg13[%dma_wait3A_537, %dma_wait3A_538] : memref<10240x128xf32, #tpu.memory_space<vmem_shared>> -> memref<10240x128xf32, #tpu.memory_space<vmem_shared>>
      tpu.wait_indirect_dma semaphore(%arg18 : memref<!tpu.dma_semaphore, #tpu.memory_space<semaphore_mem>>) src(%arg10 : memref<128x128xf32, #tpu.memory_space<vmem>>) dst(%dma_wait3A_539 : memref<10240x128xf32, #tpu.memory_space<vmem_shared>>)
      %add3A_540 = arith.constant 3 : i32
      %add3A_541 = arith.addi %mul3A_477, %add3A_540 : i32
      %lt3A = arith.constant 25 : i32
      %lt3A_542 = arith.cmpi slt, %add3A_541, %lt3A : i32
      %convert_element_type3A = arith.extui %lt3A_542 : i1 to i32
      %cond3A = arith.constant 0 : i32
      %cond3A_543 = arith.cmpi ne, %convert_element_type3A, %cond3A : i32
      scf.if %cond3A_543 {
        %add3A_544 = arith.constant 3 : i32
        %add3A_545 = arith.addi %mul3A_477, %add3A_544 : i32
        %dma_start3A_546 = arith.constant 0 : i32
        %dma_start3A_547 = tpu.memref_slice %arg7[%add3A_545, %dma_start3A_546] : memref<25x128xi32, #tpu.memory_space<vmem>> -> memref<1x128xi32, #tpu.memory_space<vmem>>
        %dma_start3A_548 = tpu.memref_squeeze %dma_start3A_547 : memref<1x128xi32, #tpu.memory_space<vmem>> -> memref<128xi32, #tpu.memory_space<vmem>>
        %dma_start3A_549 = arith.constant 0 : i32
        %dma_start3A_550 = arith.constant 0 : i32
        %dma_start3A_551 = tpu.memref_slice %arg2[%dma_start3A_549, %dma_start3A_550] : memref<10000x128xf32, #tpu.memory_space<hbm>> -> memref<10000x128xf32, #tpu.memory_space<hbm>>
        tpu.enqueue_indirect_dma source(%dma_start3A_551 : memref<10000x128xf32, #tpu.memory_space<hbm>>) target(%arg10 : memref<128x128xf32, #tpu.memory_space<vmem>>) offsets(%dma_start3A_548 : memref<128xi32, #tpu.memory_space<vmem>>) semaphore(%arg16 : memref<!tpu.dma_semaphore, #tpu.memory_space<semaphore_mem>>)
      } else {
      }
    }
    %scan3A_210 = arith.constant 12 : i32
    %dma_wait3A_211 = arith.constant 24 : i32
    %dma_wait3A_212 = arith.constant 0 : i32
    %dma_wait3A_213 = tpu.memref_slice %arg7[%dma_wait3A_211, %dma_wait3A_212] : memref<25x128xi32, #tpu.memory_space<vmem>> -> memref<1x128xi32, #tpu.memory_space<vmem>>
    %dma_wait3A_214 = tpu.memref_squeeze %dma_wait3A_213 : memref<1x128xi32, #tpu.memory_space<vmem>> -> memref<128xi32, #tpu.memory_space<vmem>>
    %dma_wait3A_215 = arith.constant 0 : i32
    %dma_wait3A_216 = arith.constant 0 : i32
    %dma_wait3A_217 = tpu.memref_slice %arg2[%dma_wait3A_215, %dma_wait3A_216] : memref<10000x128xf32, #tpu.memory_space<hbm>> -> memref<10000x128xf32, #tpu.memory_space<hbm>>
    tpu.wait_indirect_dma semaphore(%arg15 : memref<!tpu.dma_semaphore, #tpu.memory_space<semaphore_mem>>) src(%dma_wait3A_217 : memref<10000x128xf32, #tpu.memory_space<hbm>>) dst(%arg9 : memref<128x128xf32, #tpu.memory_space<vmem>>)
    %run_scoped3A_218 = arith.constant 24 : i32
    "tpu.region"() ({
      %run_scoped3A_475 = tpu.sem_alloc : memref<!tpu.dma_semaphore, #tpu.memory_space<semaphore_mem>>
      %dma_start3A_476 = arith.constant 0 : i32
      %dma_start3A_477 = tpu.memref_slice %arg8[%run_scoped3A_218, %dma_start3A_476] : memref<25x128xi32, #tpu.memory_space<vmem>> -> memref<1x128xi32, #tpu.memory_space<vmem>>
      %dma_start3A_478 = tpu.memref_squeeze %dma_start3A_477 : memref<1x128xi32, #tpu.memory_space<vmem>> -> memref<128xi32, #tpu.memory_space<vmem>>
      %dma_start3A_479 = arith.constant 0 : i32
      %dma_start3A_480 = arith.constant 0 : i32
      %dma_start3A_481 = tpu.memref_slice %arg13[%dma_start3A_479, %dma_start3A_480] : memref<10240x128xf32, #tpu.memory_space<vmem_shared>> -> memref<10240x128xf32, #tpu.memory_space<vmem_shared>>
      tpu.enqueue_indirect_dma source(%arg9 : memref<128x128xf32, #tpu.memory_space<vmem>>) target(%dma_start3A_481 : memref<10240x128xf32, #tpu.memory_space<vmem_shared>>) offsets(%dma_start3A_478 : memref<128xi32, #tpu.memory_space<vmem>>) semaphore(%run_scoped3A_475 : memref<!tpu.dma_semaphore, #tpu.memory_space<semaphore_mem>>) {add = true}
      %dma_wait3A_482 = arith.constant 0 : i32
      %dma_wait3A_483 = tpu.memref_slice %arg8[%run_scoped3A_218, %dma_wait3A_482] : memref<25x128xi32, #tpu.memory_space<vmem>> -> memref<1x128xi32, #tpu.memory_space<vmem>>
      %dma_wait3A_484 = tpu.memref_squeeze %dma_wait3A_483 : memref<1x128xi32, #tpu.memory_space<vmem>> -> memref<128xi32, #tpu.memory_space<vmem>>
      %dma_wait3A_485 = arith.constant 0 : i32
      %dma_wait3A_486 = arith.constant 0 : i32
      %dma_wait3A_487 = tpu.memref_slice %arg13[%dma_wait3A_485, %dma_wait3A_486] : memref<10240x128xf32, #tpu.memory_space<vmem_shared>> -> memref<10240x128xf32, #tpu.memory_space<vmem_shared>>
      tpu.wait_indirect_dma semaphore(%run_scoped3A_475 : memref<!tpu.dma_semaphore, #tpu.memory_space<semaphore_mem>>) src(%arg9 : memref<128x128xf32, #tpu.memory_space<vmem>>) dst(%dma_wait3A_487 : memref<10240x128xf32, #tpu.memory_space<vmem_shared>>)
      tpu.yield
    }) : () -> ()
    %dma_start3A_219 = arith.constant 24 : i32
    %dma_start3A_220 = arith.constant 0 : i32
    %dma_start3A_221 = tpu.memref_slice %arg8[%dma_start3A_219, %dma_start3A_220] : memref<25x128xi32, #tpu.memory_space<vmem>> -> memref<1x128xi32, #tpu.memory_space<vmem>>
    %dma_start3A_222 = tpu.memref_squeeze %dma_start3A_221 : memref<1x128xi32, #tpu.memory_space<vmem>> -> memref<128xi32, #tpu.memory_space<vmem>>
    %dma_start3A_223 = arith.constant 0 : i32
    %dma_start3A_224 = tpu.memref_slice %arg14[%dma_start3A_223] : memref<10240xf32, #tpu.memory_space<vmem_shared>> -> memref<10240xf32, #tpu.memory_space<vmem_shared>>
    tpu.enqueue_indirect_dma source(%arg11 : memref<128xf32, #tpu.memory_space<vmem>>) target(%dma_start3A_224 : memref<10240xf32, #tpu.memory_space<vmem_shared>>) offsets(%dma_start3A_222 : memref<128xi32, #tpu.memory_space<vmem>>) semaphore(%arg19 : memref<!tpu.dma_semaphore, #tpu.memory_space<semaphore_mem>>) {add = true}
    %scan3A_225 = arith.constant 0 : i32
    %scan3A_226 = arith.constant 0 : i32
    %scan3A_227 = arith.constant 25 : i32
    %scan3A_228 = arith.addi %scan3A_226, %scan3A_227 : i32
    %scan3A_229 = arith.constant 1 : i32
    scf.for %scan3A_475 = %scan3A_226 to %scan3A_228 step %scan3A_229  : i32 {
      %dma_wait3A_476 = arith.constant 0 : i32
      %dma_wait3A_477 = tpu.memref_slice %arg8[%scan3A_475, %dma_wait3A_476] : memref<25x128xi32, #tpu.memory_space<vmem>> -> memref<1x128xi32, #tpu.memory_space<vmem>>
      %dma_wait3A_478 = tpu.memref_squeeze %dma_wait3A_477 : memref<1x128xi32, #tpu.memory_space<vmem>> -> memref<128xi32, #tpu.memory_space<vmem>>
      %dma_wait3A_479 = arith.constant 0 : i32
      %dma_wait3A_480 = tpu.memref_slice %arg14[%dma_wait3A_479] : memref<10240xf32, #tpu.memory_space<vmem_shared>> -> memref<10240xf32, #tpu.memory_space<vmem_shared>>
      tpu.wait_indirect_dma semaphore(%arg19 : memref<!tpu.dma_semaphore, #tpu.memory_space<semaphore_mem>>) src(%arg11 : memref<128xf32, #tpu.memory_space<vmem>>) dst(%dma_wait3A_480 : memref<10240xf32, #tpu.memory_space<vmem_shared>>)
    }
    %scan3A_230 = arith.constant 25 : i32
    %barrier3A_231 = arith.constant 0 : index
    tpu.barrier barrier_id(%barrier3A_231)
    %dma_start3A_232 = arith.constant 0 : i32
    %dma_start3A_233 = tpu.memref_slice %arg13[%mul3A_2, %dma_start3A_232] : memref<10240x128xf32, #tpu.memory_space<vmem_shared>> -> memref<128x128xf32, #tpu.memory_space<vmem_shared>>
    %dma_start3A_234 = arith.constant 0 : i32
    %dma_start3A_235 = tpu.memref_slice %arg13[%mul3A_2, %dma_start3A_234] : memref<10240x128xf32, #tpu.memory_space<vmem_shared>> -> memref<128x128xf32, #tpu.memory_space<vmem_shared>>
    tpu.enqueue_dma source(%dma_start3A_235 : memref<128x128xf32, #tpu.memory_space<vmem_shared>>) target(%arg9 : memref<128x128xf32, #tpu.memory_space<vmem>>) target_semaphore(%arg15 : memref<!tpu.dma_semaphore, #tpu.memory_space<semaphore_mem>>)
    %dma_start3A_236 = tpu.memref_slice %arg14[%mul3A_2] : memref<10240xf32, #tpu.memory_space<vmem_shared>> -> memref<640xf32, #tpu.memory_space<vmem_shared>>
    %dma_start3A_237 = tpu.memref_slice %arg14[%mul3A_2] : memref<10240xf32, #tpu.memory_space<vmem_shared>> -> memref<640xf32, #tpu.memory_space<vmem_shared>>
    tpu.enqueue_dma source(%dma_start3A_237 : memref<640xf32, #tpu.memory_space<vmem_shared>>) target(%arg12 : memref<640xf32, #tpu.memory_space<vmem>>) target_semaphore(%arg19 : memref<!tpu.dma_semaphore, #tpu.memory_space<semaphore_mem>>)
    %add3A_238 = arith.constant 0 : i32
    %add3A_239 = arith.addi %mul3A_2, %add3A_238 : i32
    %dma_wait3A_240 = arith.constant 0 : i32
    %dma_wait3A_241 = tpu.memref_slice %arg13[%add3A_239, %dma_wait3A_240] : memref<10240x128xf32, #tpu.memory_space<vmem_shared>> -> memref<128x128xf32, #tpu.memory_space<vmem_shared>>
    %dma_wait3A_242 = arith.constant 0 : i32
    %dma_wait3A_243 = tpu.memref_slice %arg13[%add3A_239, %dma_wait3A_242] : memref<10240x128xf32, #tpu.memory_space<vmem_shared>> -> memref<128x128xf32, #tpu.memory_space<vmem_shared>>
    tpu.wait_dma2 semaphore(%arg15 : memref<!tpu.dma_semaphore, #tpu.memory_space<semaphore_mem>>) src(%dma_wait3A_243 : memref<128x128xf32, #tpu.memory_space<vmem_shared>>) dst(%arg9 : memref<128x128xf32, #tpu.memory_space<vmem>>)
    %add3A_244 = arith.constant 128 : i32
    %add3A_245 = arith.addi %mul3A_2, %add3A_244 : i32
    %dma_start3A_246 = arith.constant 0 : i32
    %dma_start3A_247 = tpu.memref_slice %arg13[%add3A_245, %dma_start3A_246] : memref<10240x128xf32, #tpu.memory_space<vmem_shared>> -> memref<128x128xf32, #tpu.memory_space<vmem_shared>>
    %dma_start3A_248 = arith.constant 0 : i32
    %dma_start3A_249 = tpu.memref_slice %arg13[%add3A_245, %dma_start3A_248] : memref<10240x128xf32, #tpu.memory_space<vmem_shared>> -> memref<128x128xf32, #tpu.memory_space<vmem_shared>>
    tpu.enqueue_dma source(%dma_start3A_249 : memref<128x128xf32, #tpu.memory_space<vmem_shared>>) target(%arg10 : memref<128x128xf32, #tpu.memory_space<vmem>>) target_semaphore(%arg16 : memref<!tpu.dma_semaphore, #tpu.memory_space<semaphore_mem>>)
    %add3A_250 = arith.constant 0 : i32
    %add3A_251 = arith.addi %mul3A_2, %add3A_250 : i32
    %run_scoped3A_252 = arith.constant 1 : i32
    "tpu.region"() ({
      %run_scoped3A_475 = tpu.sem_alloc : memref<!tpu.dma_semaphore, #tpu.memory_space<semaphore_mem>>
      %dma_start3A_476 = arith.constant 0 : i32
      %dma_start3A_477 = tpu.memref_slice %arg4[%arg0, %run_scoped3A_252, %add3A_251, %dma_start3A_476] : memref<2x3x10240x128xf32, #tpu.memory_space<hbm>> -> memref<1x1x128x128xf32, #tpu.memory_space<hbm>>
      %dma_start3A_478 = tpu.memref_squeeze %dma_start3A_477 : memref<1x1x128x128xf32, #tpu.memory_space<hbm>> -> memref<128x128xf32, #tpu.memory_space<hbm>>
      %dma_start3A_479 = arith.constant 0 : i32
      %dma_start3A_480 = tpu.memref_slice %arg4[%arg0, %run_scoped3A_252, %add3A_251, %dma_start3A_479] : memref<2x3x10240x128xf32, #tpu.memory_space<hbm>> -> memref<1x1x128x128xf32, #tpu.memory_space<hbm>>
      %dma_start3A_481 = tpu.memref_squeeze %dma_start3A_480 : memref<1x1x128x128xf32, #tpu.memory_space<hbm>> -> memref<128x128xf32, #tpu.memory_space<hbm>>
      tpu.enqueue_dma source(%arg9 : memref<128x128xf32, #tpu.memory_space<vmem>>) target(%dma_start3A_481 : memref<128x128xf32, #tpu.memory_space<hbm>>) target_semaphore(%run_scoped3A_475 : memref<!tpu.dma_semaphore, #tpu.memory_space<semaphore_mem>>)
      %dma_wait3A_482 = arith.constant 0 : i32
      %dma_wait3A_483 = tpu.memref_slice %arg4[%arg0, %run_scoped3A_252, %add3A_251, %dma_wait3A_482] : memref<2x3x10240x128xf32, #tpu.memory_space<hbm>> -> memref<1x1x128x128xf32, #tpu.memory_space<hbm>>
      %dma_wait3A_484 = tpu.memref_squeeze %dma_wait3A_483 : memref<1x1x128x128xf32, #tpu.memory_space<hbm>> -> memref<128x128xf32, #tpu.memory_space<hbm>>
      %dma_wait3A_485 = arith.constant 0 : i32
      %dma_wait3A_486 = tpu.memref_slice %arg4[%arg0, %run_scoped3A_252, %add3A_251, %dma_wait3A_485] : memref<2x3x10240x128xf32, #tpu.memory_space<hbm>> -> memref<1x1x128x128xf32, #tpu.memory_space<hbm>>
      %dma_wait3A_487 = tpu.memref_squeeze %dma_wait3A_486 : memref<1x1x128x128xf32, #tpu.memory_space<hbm>> -> memref<128x128xf32, #tpu.memory_space<hbm>>
      tpu.wait_dma2 semaphore(%run_scoped3A_475 : memref<!tpu.dma_semaphore, #tpu.memory_space<semaphore_mem>>) src(%arg9 : memref<128x128xf32, #tpu.memory_space<vmem>>) dst(%dma_wait3A_487 : memref<128x128xf32, #tpu.memory_space<hbm>>)
      tpu.yield
    }) : () -> ()
    %add3A_253 = arith.constant 128 : i32
    %add3A_254 = arith.addi %mul3A_2, %add3A_253 : i32
    %dma_wait3A_255 = arith.constant 0 : i32
    %dma_wait3A_256 = tpu.memref_slice %arg13[%add3A_254, %dma_wait3A_255] : memref<10240x128xf32, #tpu.memory_space<vmem_shared>> -> memref<128x128xf32, #tpu.memory_space<vmem_shared>>
    %dma_wait3A_257 = arith.constant 0 : i32
    %dma_wait3A_258 = tpu.memref_slice %arg13[%add3A_254, %dma_wait3A_257] : memref<10240x128xf32, #tpu.memory_space<vmem_shared>> -> memref<128x128xf32, #tpu.memory_space<vmem_shared>>
    tpu.wait_dma2 semaphore(%arg16 : memref<!tpu.dma_semaphore, #tpu.memory_space<semaphore_mem>>) src(%dma_wait3A_258 : memref<128x128xf32, #tpu.memory_space<vmem_shared>>) dst(%arg10 : memref<128x128xf32, #tpu.memory_space<vmem>>)
    %add3A_259 = arith.constant 256 : i32
    %add3A_260 = arith.addi %mul3A_2, %add3A_259 : i32
    %dma_start3A_261 = arith.constant 0 : i32
    %dma_start3A_262 = tpu.memref_slice %arg13[%add3A_260, %dma_start3A_261] : memref<10240x128xf32, #tpu.memory_space<vmem_shared>> -> memref<128x128xf32, #tpu.memory_space<vmem_shared>>
    %dma_start3A_263 = arith.constant 0 : i32
    %dma_start3A_264 = tpu.memref_slice %arg13[%add3A_260, %dma_start3A_263] : memref<10240x128xf32, #tpu.memory_space<vmem_shared>> -> memref<128x128xf32, #tpu.memory_space<vmem_shared>>
    tpu.enqueue_dma source(%dma_start3A_264 : memref<128x128xf32, #tpu.memory_space<vmem_shared>>) target(%arg9 : memref<128x128xf32, #tpu.memory_space<vmem>>) target_semaphore(%arg15 : memref<!tpu.dma_semaphore, #tpu.memory_space<semaphore_mem>>)
    %add3A_265 = arith.constant 128 : i32
    %add3A_266 = arith.addi %mul3A_2, %add3A_265 : i32
    %run_scoped3A_267 = arith.constant 1 : i32
    "tpu.region"() ({
      %run_scoped3A_475 = tpu.sem_alloc : memref<!tpu.dma_semaphore, #tpu.memory_space<semaphore_mem>>
      %dma_start3A_476 = arith.constant 0 : i32
      %dma_start3A_477 = tpu.memref_slice %arg4[%arg0, %run_scoped3A_267, %add3A_266, %dma_start3A_476] : memref<2x3x10240x128xf32, #tpu.memory_space<hbm>> -> memref<1x1x128x128xf32, #tpu.memory_space<hbm>>
      %dma_start3A_478 = tpu.memref_squeeze %dma_start3A_477 : memref<1x1x128x128xf32, #tpu.memory_space<hbm>> -> memref<128x128xf32, #tpu.memory_space<hbm>>
      %dma_start3A_479 = arith.constant 0 : i32
      %dma_start3A_480 = tpu.memref_slice %arg4[%arg0, %run_scoped3A_267, %add3A_266, %dma_start3A_479] : memref<2x3x10240x128xf32, #tpu.memory_space<hbm>> -> memref<1x1x128x128xf32, #tpu.memory_space<hbm>>
      %dma_start3A_481 = tpu.memref_squeeze %dma_start3A_480 : memref<1x1x128x128xf32, #tpu.memory_space<hbm>> -> memref<128x128xf32, #tpu.memory_space<hbm>>
      tpu.enqueue_dma source(%arg10 : memref<128x128xf32, #tpu.memory_space<vmem>>) target(%dma_start3A_481 : memref<128x128xf32, #tpu.memory_space<hbm>>) target_semaphore(%run_scoped3A_475 : memref<!tpu.dma_semaphore, #tpu.memory_space<semaphore_mem>>)
      %dma_wait3A_482 = arith.constant 0 : i32
      %dma_wait3A_483 = tpu.memref_slice %arg4[%arg0, %run_scoped3A_267, %add3A_266, %dma_wait3A_482] : memref<2x3x10240x128xf32, #tpu.memory_space<hbm>> -> memref<1x1x128x128xf32, #tpu.memory_space<hbm>>
      %dma_wait3A_484 = tpu.memref_squeeze %dma_wait3A_483 : memref<1x1x128x128xf32, #tpu.memory_space<hbm>> -> memref<128x128xf32, #tpu.memory_space<hbm>>
      %dma_wait3A_485 = arith.constant 0 : i32
      %dma_wait3A_486 = tpu.memref_slice %arg4[%arg0, %run_scoped3A_267, %add3A_266, %dma_wait3A_485] : memref<2x3x10240x128xf32, #tpu.memory_space<hbm>> -> memref<1x1x128x128xf32, #tpu.memory_space<hbm>>
      %dma_wait3A_487 = tpu.memref_squeeze %dma_wait3A_486 : memref<1x1x128x128xf32, #tpu.memory_space<hbm>> -> memref<128x128xf32, #tpu.memory_space<hbm>>
      tpu.wait_dma2 semaphore(%run_scoped3A_475 : memref<!tpu.dma_semaphore, #tpu.memory_space<semaphore_mem>>) src(%arg10 : memref<128x128xf32, #tpu.memory_space<vmem>>) dst(%dma_wait3A_487 : memref<128x128xf32, #tpu.memory_space<hbm>>)
      tpu.yield
    }) : () -> ()
    %add3A_268 = arith.constant 256 : i32
    %add3A_269 = arith.addi %mul3A_2, %add3A_268 : i32
    %dma_wait3A_270 = arith.constant 0 : i32
    %dma_wait3A_271 = tpu.memref_slice %arg13[%add3A_269, %dma_wait3A_270] : memref<10240x128xf32, #tpu.memory_space<vmem_shared>> -> memref<128x128xf32, #tpu.memory_space<vmem_shared>>
    %dma_wait3A_272 = arith.constant 0 : i32
    %dma_wait3A_273 = tpu.memref_slice %arg13[%add3A_269, %dma_wait3A_272] : memref<10240x128xf32, #tpu.memory_space<vmem_shared>> -> memref<128x128xf32, #tpu.memory_space<vmem_shared>>
    tpu.wait_dma2 semaphore(%arg15 : memref<!tpu.dma_semaphore, #tpu.memory_space<semaphore_mem>>) src(%dma_wait3A_273 : memref<128x128xf32, #tpu.memory_space<vmem_shared>>) dst(%arg9 : memref<128x128xf32, #tpu.memory_space<vmem>>)
    %add3A_274 = arith.constant 384 : i32
    %add3A_275 = arith.addi %mul3A_2, %add3A_274 : i32
    %dma_start3A_276 = arith.constant 0 : i32
    %dma_start3A_277 = tpu.memref_slice %arg13[%add3A_275, %dma_start3A_276] : memref<10240x128xf32, #tpu.memory_space<vmem_shared>> -> memref<128x128xf32, #tpu.memory_space<vmem_shared>>
    %dma_start3A_278 = arith.constant 0 : i32
    %dma_start3A_279 = tpu.memref_slice %arg13[%add3A_275, %dma_start3A_278] : memref<10240x128xf32, #tpu.memory_space<vmem_shared>> -> memref<128x128xf32, #tpu.memory_space<vmem_shared>>
    tpu.enqueue_dma source(%dma_start3A_279 : memref<128x128xf32, #tpu.memory_space<vmem_shared>>) target(%arg10 : memref<128x128xf32, #tpu.memory_space<vmem>>) target_semaphore(%arg16 : memref<!tpu.dma_semaphore, #tpu.memory_space<semaphore_mem>>)
    %add3A_280 = arith.constant 256 : i32
    %add3A_281 = arith.addi %mul3A_2, %add3A_280 : i32
    %run_scoped3A_282 = arith.constant 1 : i32
    "tpu.region"() ({
      %run_scoped3A_475 = tpu.sem_alloc : memref<!tpu.dma_semaphore, #tpu.memory_space<semaphore_mem>>
      %dma_start3A_476 = arith.constant 0 : i32
      %dma_start3A_477 = tpu.memref_slice %arg4[%arg0, %run_scoped3A_282, %add3A_281, %dma_start3A_476] : memref<2x3x10240x128xf32, #tpu.memory_space<hbm>> -> memref<1x1x128x128xf32, #tpu.memory_space<hbm>>
      %dma_start3A_478 = tpu.memref_squeeze %dma_start3A_477 : memref<1x1x128x128xf32, #tpu.memory_space<hbm>> -> memref<128x128xf32, #tpu.memory_space<hbm>>
      %dma_start3A_479 = arith.constant 0 : i32
      %dma_start3A_480 = tpu.memref_slice %arg4[%arg0, %run_scoped3A_282, %add3A_281, %dma_start3A_479] : memref<2x3x10240x128xf32, #tpu.memory_space<hbm>> -> memref<1x1x128x128xf32, #tpu.memory_space<hbm>>
      %dma_start3A_481 = tpu.memref_squeeze %dma_start3A_480 : memref<1x1x128x128xf32, #tpu.memory_space<hbm>> -> memref<128x128xf32, #tpu.memory_space<hbm>>
      tpu.enqueue_dma source(%arg9 : memref<128x128xf32, #tpu.memory_space<vmem>>) target(%dma_start3A_481 : memref<128x128xf32, #tpu.memory_space<hbm>>) target_semaphore(%run_scoped3A_475 : memref<!tpu.dma_semaphore, #tpu.memory_space<semaphore_mem>>)
      %dma_wait3A_482 = arith.constant 0 : i32
      %dma_wait3A_483 = tpu.memref_slice %arg4[%arg0, %run_scoped3A_282, %add3A_281, %dma_wait3A_482] : memref<2x3x10240x128xf32, #tpu.memory_space<hbm>> -> memref<1x1x128x128xf32, #tpu.memory_space<hbm>>
      %dma_wait3A_484 = tpu.memref_squeeze %dma_wait3A_483 : memref<1x1x128x128xf32, #tpu.memory_space<hbm>> -> memref<128x128xf32, #tpu.memory_space<hbm>>
      %dma_wait3A_485 = arith.constant 0 : i32
      %dma_wait3A_486 = tpu.memref_slice %arg4[%arg0, %run_scoped3A_282, %add3A_281, %dma_wait3A_485] : memref<2x3x10240x128xf32, #tpu.memory_space<hbm>> -> memref<1x1x128x128xf32, #tpu.memory_space<hbm>>
      %dma_wait3A_487 = tpu.memref_squeeze %dma_wait3A_486 : memref<1x1x128x128xf32, #tpu.memory_space<hbm>> -> memref<128x128xf32, #tpu.memory_space<hbm>>
      tpu.wait_dma2 semaphore(%run_scoped3A_475 : memref<!tpu.dma_semaphore, #tpu.memory_space<semaphore_mem>>) src(%arg9 : memref<128x128xf32, #tpu.memory_space<vmem>>) dst(%dma_wait3A_487 : memref<128x128xf32, #tpu.memory_space<hbm>>)
      tpu.yield
    }) : () -> ()
    %add3A_283 = arith.constant 384 : i32
    %add3A_284 = arith.addi %mul3A_2, %add3A_283 : i32
    %dma_wait3A_285 = arith.constant 0 : i32
    %dma_wait3A_286 = tpu.memref_slice %arg13[%add3A_284, %dma_wait3A_285] : memref<10240x128xf32, #tpu.memory_space<vmem_shared>> -> memref<128x128xf32, #tpu.memory_space<vmem_shared>>
    %dma_wait3A_287 = arith.constant 0 : i32
    %dma_wait3A_288 = tpu.memref_slice %arg13[%add3A_284, %dma_wait3A_287] : memref<10240x128xf32, #tpu.memory_space<vmem_shared>> -> memref<128x128xf32, #tpu.memory_space<vmem_shared>>
    tpu.wait_dma2 semaphore(%arg16 : memref<!tpu.dma_semaphore, #tpu.memory_space<semaphore_mem>>) src(%dma_wait3A_288 : memref<128x128xf32, #tpu.memory_space<vmem_shared>>) dst(%arg10 : memref<128x128xf32, #tpu.memory_space<vmem>>)
    %add3A_289 = arith.constant 512 : i32
    %add3A_290 = arith.addi %mul3A_2, %add3A_289 : i32
    %dma_start3A_291 = arith.constant 0 : i32
    %dma_start3A_292 = tpu.memref_slice %arg13[%add3A_290, %dma_start3A_291] : memref<10240x128xf32, #tpu.memory_space<vmem_shared>> -> memref<128x128xf32, #tpu.memory_space<vmem_shared>>
    %dma_start3A_293 = arith.constant 0 : i32
    %dma_start3A_294 = tpu.memref_slice %arg13[%add3A_290, %dma_start3A_293] : memref<10240x128xf32, #tpu.memory_space<vmem_shared>> -> memref<128x128xf32, #tpu.memory_space<vmem_shared>>
    tpu.enqueue_dma source(%dma_start3A_294 : memref<128x128xf32, #tpu.memory_space<vmem_shared>>) target(%arg9 : memref<128x128xf32, #tpu.memory_space<vmem>>) target_semaphore(%arg15 : memref<!tpu.dma_semaphore, #tpu.memory_space<semaphore_mem>>)
    %add3A_295 = arith.constant 384 : i32
    %add3A_296 = arith.addi %mul3A_2, %add3A_295 : i32
    %run_scoped3A_297 = arith.constant 1 : i32
    "tpu.region"() ({
      %run_scoped3A_475 = tpu.sem_alloc : memref<!tpu.dma_semaphore, #tpu.memory_space<semaphore_mem>>
      %dma_start3A_476 = arith.constant 0 : i32
      %dma_start3A_477 = tpu.memref_slice %arg4[%arg0, %run_scoped3A_297, %add3A_296, %dma_start3A_476] : memref<2x3x10240x128xf32, #tpu.memory_space<hbm>> -> memref<1x1x128x128xf32, #tpu.memory_space<hbm>>
      %dma_start3A_478 = tpu.memref_squeeze %dma_start3A_477 : memref<1x1x128x128xf32, #tpu.memory_space<hbm>> -> memref<128x128xf32, #tpu.memory_space<hbm>>
      %dma_start3A_479 = arith.constant 0 : i32
      %dma_start3A_480 = tpu.memref_slice %arg4[%arg0, %run_scoped3A_297, %add3A_296, %dma_start3A_479] : memref<2x3x10240x128xf32, #tpu.memory_space<hbm>> -> memref<1x1x128x128xf32, #tpu.memory_space<hbm>>
      %dma_start3A_481 = tpu.memref_squeeze %dma_start3A_480 : memref<1x1x128x128xf32, #tpu.memory_space<hbm>> -> memref<128x128xf32, #tpu.memory_space<hbm>>
      tpu.enqueue_dma source(%arg10 : memref<128x128xf32, #tpu.memory_space<vmem>>) target(%dma_start3A_481 : memref<128x128xf32, #tpu.memory_space<hbm>>) target_semaphore(%run_scoped3A_475 : memref<!tpu.dma_semaphore, #tpu.memory_space<semaphore_mem>>)
      %dma_wait3A_482 = arith.constant 0 : i32
      %dma_wait3A_483 = tpu.memref_slice %arg4[%arg0, %run_scoped3A_297, %add3A_296, %dma_wait3A_482] : memref<2x3x10240x128xf32, #tpu.memory_space<hbm>> -> memref<1x1x128x128xf32, #tpu.memory_space<hbm>>
      %dma_wait3A_484 = tpu.memref_squeeze %dma_wait3A_483 : memref<1x1x128x128xf32, #tpu.memory_space<hbm>> -> memref<128x128xf32, #tpu.memory_space<hbm>>
      %dma_wait3A_485 = arith.constant 0 : i32
      %dma_wait3A_486 = tpu.memref_slice %arg4[%arg0, %run_scoped3A_297, %add3A_296, %dma_wait3A_485] : memref<2x3x10240x128xf32, #tpu.memory_space<hbm>> -> memref<1x1x128x128xf32, #tpu.memory_space<hbm>>
      %dma_wait3A_487 = tpu.memref_squeeze %dma_wait3A_486 : memref<1x1x128x128xf32, #tpu.memory_space<hbm>> -> memref<128x128xf32, #tpu.memory_space<hbm>>
      tpu.wait_dma2 semaphore(%run_scoped3A_475 : memref<!tpu.dma_semaphore, #tpu.memory_space<semaphore_mem>>) src(%arg10 : memref<128x128xf32, #tpu.memory_space<vmem>>) dst(%dma_wait3A_487 : memref<128x128xf32, #tpu.memory_space<hbm>>)
      tpu.yield
    }) : () -> ()
    %add3A_298 = arith.constant 512 : i32
    %add3A_299 = arith.addi %mul3A_2, %add3A_298 : i32
    %dma_wait3A_300 = arith.constant 0 : i32
    %dma_wait3A_301 = tpu.memref_slice %arg13[%add3A_299, %dma_wait3A_300] : memref<10240x128xf32, #tpu.memory_space<vmem_shared>> -> memref<128x128xf32, #tpu.memory_space<vmem_shared>>
    %dma_wait3A_302 = arith.constant 0 : i32
    %dma_wait3A_303 = tpu.memref_slice %arg13[%add3A_299, %dma_wait3A_302] : memref<10240x128xf32, #tpu.memory_space<vmem_shared>> -> memref<128x128xf32, #tpu.memory_space<vmem_shared>>
    tpu.wait_dma2 semaphore(%arg15 : memref<!tpu.dma_semaphore, #tpu.memory_space<semaphore_mem>>) src(%dma_wait3A_303 : memref<128x128xf32, #tpu.memory_space<vmem_shared>>) dst(%arg9 : memref<128x128xf32, #tpu.memory_space<vmem>>)
    %add3A_304 = arith.constant 512 : i32
    %add3A_305 = arith.addi %mul3A_2, %add3A_304 : i32
    %run_scoped3A_306 = arith.constant 1 : i32
    "tpu.region"() ({
      %run_scoped3A_475 = tpu.sem_alloc : memref<!tpu.dma_semaphore, #tpu.memory_space<semaphore_mem>>
      %dma_start3A_476 = arith.constant 0 : i32
      %dma_start3A_477 = tpu.memref_slice %arg4[%arg0, %run_scoped3A_306, %add3A_305, %dma_start3A_476] : memref<2x3x10240x128xf32, #tpu.memory_space<hbm>> -> memref<1x1x128x128xf32, #tpu.memory_space<hbm>>
      %dma_start3A_478 = tpu.memref_squeeze %dma_start3A_477 : memref<1x1x128x128xf32, #tpu.memory_space<hbm>> -> memref<128x128xf32, #tpu.memory_space<hbm>>
      %dma_start3A_479 = arith.constant 0 : i32
      %dma_start3A_480 = tpu.memref_slice %arg4[%arg0, %run_scoped3A_306, %add3A_305, %dma_start3A_479] : memref<2x3x10240x128xf32, #tpu.memory_space<hbm>> -> memref<1x1x128x128xf32, #tpu.memory_space<hbm>>
      %dma_start3A_481 = tpu.memref_squeeze %dma_start3A_480 : memref<1x1x128x128xf32, #tpu.memory_space<hbm>> -> memref<128x128xf32, #tpu.memory_space<hbm>>
      tpu.enqueue_dma source(%arg9 : memref<128x128xf32, #tpu.memory_space<vmem>>) target(%dma_start3A_481 : memref<128x128xf32, #tpu.memory_space<hbm>>) target_semaphore(%run_scoped3A_475 : memref<!tpu.dma_semaphore, #tpu.memory_space<semaphore_mem>>)
      %dma_wait3A_482 = arith.constant 0 : i32
      %dma_wait3A_483 = tpu.memref_slice %arg4[%arg0, %run_scoped3A_306, %add3A_305, %dma_wait3A_482] : memref<2x3x10240x128xf32, #tpu.memory_space<hbm>> -> memref<1x1x128x128xf32, #tpu.memory_space<hbm>>
      %dma_wait3A_484 = tpu.memref_squeeze %dma_wait3A_483 : memref<1x1x128x128xf32, #tpu.memory_space<hbm>> -> memref<128x128xf32, #tpu.memory_space<hbm>>
      %dma_wait3A_485 = arith.constant 0 : i32
      %dma_wait3A_486 = tpu.memref_slice %arg4[%arg0, %run_scoped3A_306, %add3A_305, %dma_wait3A_485] : memref<2x3x10240x128xf32, #tpu.memory_space<hbm>> -> memref<1x1x128x128xf32, #tpu.memory_space<hbm>>
      %dma_wait3A_487 = tpu.memref_squeeze %dma_wait3A_486 : memref<1x1x128x128xf32, #tpu.memory_space<hbm>> -> memref<128x128xf32, #tpu.memory_space<hbm>>
      tpu.wait_dma2 semaphore(%run_scoped3A_475 : memref<!tpu.dma_semaphore, #tpu.memory_space<semaphore_mem>>) src(%arg9 : memref<128x128xf32, #tpu.memory_space<vmem>>) dst(%dma_wait3A_487 : memref<128x128xf32, #tpu.memory_space<hbm>>)
      tpu.yield
    }) : () -> ()
    %dma_wait3A_307 = tpu.memref_slice %arg14[%mul3A_2] : memref<10240xf32, #tpu.memory_space<vmem_shared>> -> memref<640xf32, #tpu.memory_space<vmem_shared>>
    %dma_wait3A_308 = tpu.memref_slice %arg14[%mul3A_2] : memref<10240xf32, #tpu.memory_space<vmem_shared>> -> memref<640xf32, #tpu.memory_space<vmem_shared>>
    tpu.wait_dma2 semaphore(%arg19 : memref<!tpu.dma_semaphore, #tpu.memory_space<semaphore_mem>>) src(%dma_wait3A_308 : memref<640xf32, #tpu.memory_space<vmem_shared>>) dst(%arg12 : memref<640xf32, #tpu.memory_space<vmem>>)
    %mul3A_309 = arith.constant 3 : i32
    %mul3A_310 = arith.muli %arg0, %mul3A_309 : i32
    %add3A_311 = arith.constant 1 : i32
    %add3A_312 = arith.addi %mul3A_310, %add3A_311 : i32
    %mul3A_313 = arith.constant 16 : i32
    %mul3A_314 = arith.muli %add3A_312, %mul3A_313 : i32
    %add3A_315 = arith.addi %mul3A_314, %arg1 : i32
    %mul3A_316 = arith.constant 640 : i32
    %mul3A_317 = arith.muli %add3A_315, %mul3A_316 : i32
    "tpu.region"() ({
      %run_scoped3A_475 = tpu.sem_alloc : memref<!tpu.dma_semaphore, #tpu.memory_space<semaphore_mem>>
      %dma_start3A_476 = tpu.memref_slice %arg5[%mul3A_317] : memref<61440xf32, #tpu.memory_space<hbm>> -> memref<640xf32, #tpu.memory_space<hbm>>
      %dma_start3A_477 = tpu.memref_slice %arg5[%mul3A_317] : memref<61440xf32, #tpu.memory_space<hbm>> -> memref<640xf32, #tpu.memory_space<hbm>>
      tpu.enqueue_dma source(%arg12 : memref<640xf32, #tpu.memory_space<vmem>>) target(%dma_start3A_477 : memref<640xf32, #tpu.memory_space<hbm>>) target_semaphore(%run_scoped3A_475 : memref<!tpu.dma_semaphore, #tpu.memory_space<semaphore_mem>>)
      %dma_wait3A_478 = tpu.memref_slice %arg5[%mul3A_317] : memref<61440xf32, #tpu.memory_space<hbm>> -> memref<640xf32, #tpu.memory_space<hbm>>
      %dma_wait3A_479 = tpu.memref_slice %arg5[%mul3A_317] : memref<61440xf32, #tpu.memory_space<hbm>> -> memref<640xf32, #tpu.memory_space<hbm>>
      tpu.wait_dma2 semaphore(%run_scoped3A_475 : memref<!tpu.dma_semaphore, #tpu.memory_space<semaphore_mem>>) src(%arg12 : memref<640xf32, #tpu.memory_space<vmem>>) dst(%dma_wait3A_479 : memref<640xf32, #tpu.memory_space<hbm>>)
      tpu.yield
    }) : () -> ()
    %scan3A_318 = arith.constant 0 : i32
    %scan3A_319 = arith.constant 0 : i32
    %scan3A_320 = arith.constant 1024 : i32
    %scan3A_321 = arith.addi %scan3A_319, %scan3A_320 : i32
    %scan3A_322 = arith.constant 1 : i32
    scf.for %scan3A_475 = %scan3A_319 to %scan3A_321 step %scan3A_322  : i32 {
      %jit3A = arith.constant 8 : i32
      %div3A = arith.divsi %scan3A_475, %jit3A : i32
      %sign3A = arith.constant 0 : i32
      %sign3A_476 = arith.cmpi sgt, %scan3A_475, %sign3A : i32
      %sign3A_477 = arith.extui %sign3A_476 : i1 to i32
      %sign3A_478 = arith.constant 0 : i32
      %sign3A_479 = arith.cmpi slt, %scan3A_475, %sign3A_478 : i32
      %sign3A_480 = arith.extui %sign3A_479 : i1 to i32
      %sign3A_481 = arith.subi %sign3A_477, %sign3A_480 : i32
      %sign3A_482 = arith.constant 0 : i32
      %sign3A_483 = arith.cmpi sgt, %jit3A, %sign3A_482 : i32
      %sign3A_484 = arith.extui %sign3A_483 : i1 to i32
      %sign3A_485 = arith.constant 0 : i32
      %sign3A_486 = arith.cmpi slt, %jit3A, %sign3A_485 : i32
      %sign3A_487 = arith.extui %sign3A_486 : i1 to i32
      %sign3A_488 = arith.subi %sign3A_484, %sign3A_487 : i32
      %ne3A = arith.cmpi ne, %sign3A_481, %sign3A_488 : i32
      %rem3A = arith.remsi %scan3A_475, %jit3A : i32
      %ne3A_489 = arith.constant 0 : i32
      %ne3A_490 = arith.cmpi ne, %rem3A, %ne3A_489 : i32
      %and3A = arith.andi %ne3A, %ne3A_490 : i1
      %sub3A = arith.constant 1 : i32
      %sub3A_491 = arith.subi %div3A, %sub3A : i32
      %select_n3A = arith.select %and3A, %sub3A_491, %div3A : i32
      %jit3A_492 = arith.constant 8 : i32
      %eq3A = arith.constant 0 : i32
      %eq3A_493 = arith.cmpi eq, %jit3A_492, %eq3A : i32
      %jit3A_494 = arith.constant 1 : i32
      %select_n3A_495 = arith.select %eq3A_493, %jit3A_494, %jit3A_492 : i32
      %rem3A_496 = arith.remsi %scan3A_475, %select_n3A_495 : i32
      %ne3A_497 = arith.constant 0 : i32
      %ne3A_498 = arith.cmpi ne, %rem3A_496, %ne3A_497 : i32
      %lt3A = arith.constant 0 : i32
      %lt3A_499 = arith.cmpi slt, %rem3A_496, %lt3A : i32
      %lt3A_500 = arith.constant 0 : i32
      %lt3A_501 = arith.cmpi slt, %select_n3A_495, %lt3A_500 : i32
      %ne3A_502 = arith.xori %lt3A_499, %lt3A_501 : i1
      %and3A_503 = arith.andi %ne3A_502, %ne3A_498 : i1
      %add3A_504 = arith.addi %rem3A_496, %select_n3A_495 : i32
      %select_n3A_505 = arith.select %and3A_503, %add3A_504, %rem3A_496 : i32
      %mul3A_506 = arith.constant 16 : i32
      %mul3A_507 = arith.muli %select_n3A_505, %mul3A_506 : i32
      %broadcast_in_dim3A = arith.constant 0.000000e+00 : f32
      %broadcast_in_dim3A_508 = vector.broadcast %broadcast_in_dim3A : f32 to vector<16xf32>
      %swap3A = arith.index_cast %select_n3A : i32 to index
      %swap3A_509 = arith.index_cast %mul3A_507 : i32 to index
      %swap3A_510 = tpu.vector_load %arg9[%swap3A, %swap3A_509] {strides = array<i32>} : memref<128x128xf32, #tpu.memory_space<vmem>>, vector<1x16xf32>,
      %swap3A_511 = vector.shape_cast %swap3A_510 : vector<1x16xf32> to vector<16xf32>
      %swap3A_512 = vector.shape_cast %broadcast_in_dim3A_508 : vector<16xf32> to vector<1x16xf32>
      tpu.vector_store %arg9[%swap3A, %swap3A_509], %swap3A_512 {strides = array<i32>} : memref<128x128xf32, #tpu.memory_space<vmem>>, vector<1x16xf32>,
    }
    %scan3A_323 = arith.constant 1024 : i32
    %add3A_324 = arith.constant 0 : i32
    %add3A_325 = arith.addi %mul3A_2, %add3A_324 : i32
    "tpu.region"() ({
      %run_scoped3A_475 = tpu.sem_alloc : memref<!tpu.dma_semaphore, #tpu.memory_space<semaphore_mem>>
      %dma_start3A_476 = arith.constant 0 : i32
      %dma_start3A_477 = tpu.memref_slice %arg13[%add3A_325, %dma_start3A_476] : memref<10240x128xf32, #tpu.memory_space<vmem_shared>> -> memref<128x128xf32, #tpu.memory_space<vmem_shared>>
      %dma_start3A_478 = arith.constant 0 : i32
      %dma_start3A_479 = tpu.memref_slice %arg13[%add3A_325, %dma_start3A_478] : memref<10240x128xf32, #tpu.memory_space<vmem_shared>> -> memref<128x128xf32, #tpu.memory_space<vmem_shared>>
      tpu.enqueue_dma source(%arg9 : memref<128x128xf32, #tpu.memory_space<vmem>>) target(%dma_start3A_479 : memref<128x128xf32, #tpu.memory_space<vmem_shared>>) target_semaphore(%run_scoped3A_475 : memref<!tpu.dma_semaphore, #tpu.memory_space<semaphore_mem>>)
      %dma_wait3A_480 = arith.constant 0 : i32
      %dma_wait3A_481 = tpu.memref_slice %arg13[%add3A_325, %dma_wait3A_480] : memref<10240x128xf32, #tpu.memory_space<vmem_shared>> -> memref<128x128xf32, #tpu.memory_space<vmem_shared>>
      %dma_wait3A_482 = arith.constant 0 : i32
      %dma_wait3A_483 = tpu.memref_slice %arg13[%add3A_325, %dma_wait3A_482] : memref<10240x128xf32, #tpu.memory_space<vmem_shared>> -> memref<128x128xf32, #tpu.memory_space<vmem_shared>>
      tpu.wait_dma2 semaphore(%run_scoped3A_475 : memref<!tpu.dma_semaphore, #tpu.memory_space<semaphore_mem>>) src(%arg9 : memref<128x128xf32, #tpu.memory_space<vmem>>) dst(%dma_wait3A_483 : memref<128x128xf32, #tpu.memory_space<vmem_shared>>)
      tpu.yield
    }) : () -> ()
    %add3A_326 = arith.constant 128 : i32
    %add3A_327 = arith.addi %mul3A_2, %add3A_326 : i32
    "tpu.region"() ({
      %run_scoped3A_475 = tpu.sem_alloc : memref<!tpu.dma_semaphore, #tpu.memory_space<semaphore_mem>>
      %dma_start3A_476 = arith.constant 0 : i32
      %dma_start3A_477 = tpu.memref_slice %arg13[%add3A_327, %dma_start3A_476] : memref<10240x128xf32, #tpu.memory_space<vmem_shared>> -> memref<128x128xf32, #tpu.memory_space<vmem_shared>>
      %dma_start3A_478 = arith.constant 0 : i32
      %dma_start3A_479 = tpu.memref_slice %arg13[%add3A_327, %dma_start3A_478] : memref<10240x128xf32, #tpu.memory_space<vmem_shared>> -> memref<128x128xf32, #tpu.memory_space<vmem_shared>>
      tpu.enqueue_dma source(%arg9 : memref<128x128xf32, #tpu.memory_space<vmem>>) target(%dma_start3A_479 : memref<128x128xf32, #tpu.memory_space<vmem_shared>>) target_semaphore(%run_scoped3A_475 : memref<!tpu.dma_semaphore, #tpu.memory_space<semaphore_mem>>)
      %dma_wait3A_480 = arith.constant 0 : i32
      %dma_wait3A_481 = tpu.memref_slice %arg13[%add3A_327, %dma_wait3A_480] : memref<10240x128xf32, #tpu.memory_space<vmem_shared>> -> memref<128x128xf32, #tpu.memory_space<vmem_shared>>
      %dma_wait3A_482 = arith.constant 0 : i32
      %dma_wait3A_483 = tpu.memref_slice %arg13[%add3A_327, %dma_wait3A_482] : memref<10240x128xf32, #tpu.memory_space<vmem_shared>> -> memref<128x128xf32, #tpu.memory_space<vmem_shared>>
      tpu.wait_dma2 semaphore(%run_scoped3A_475 : memref<!tpu.dma_semaphore, #tpu.memory_space<semaphore_mem>>) src(%arg9 : memref<128x128xf32, #tpu.memory_space<vmem>>) dst(%dma_wait3A_483 : memref<128x128xf32, #tpu.memory_space<vmem_shared>>)
      tpu.yield
    }) : () -> ()
    %add3A_328 = arith.constant 256 : i32
    %add3A_329 = arith.addi %mul3A_2, %add3A_328 : i32
    "tpu.region"() ({
      %run_scoped3A_475 = tpu.sem_alloc : memref<!tpu.dma_semaphore, #tpu.memory_space<semaphore_mem>>
      %dma_start3A_476 = arith.constant 0 : i32
      %dma_start3A_477 = tpu.memref_slice %arg13[%add3A_329, %dma_start3A_476] : memref<10240x128xf32, #tpu.memory_space<vmem_shared>> -> memref<128x128xf32, #tpu.memory_space<vmem_shared>>
      %dma_start3A_478 = arith.constant 0 : i32
      %dma_start3A_479 = tpu.memref_slice %arg13[%add3A_329, %dma_start3A_478] : memref<10240x128xf32, #tpu.memory_space<vmem_shared>> -> memref<128x128xf32, #tpu.memory_space<vmem_shared>>
      tpu.enqueue_dma source(%arg9 : memref<128x128xf32, #tpu.memory_space<vmem>>) target(%dma_start3A_479 : memref<128x128xf32, #tpu.memory_space<vmem_shared>>) target_semaphore(%run_scoped3A_475 : memref<!tpu.dma_semaphore, #tpu.memory_space<semaphore_mem>>)
      %dma_wait3A_480 = arith.constant 0 : i32
      %dma_wait3A_481 = tpu.memref_slice %arg13[%add3A_329, %dma_wait3A_480] : memref<10240x128xf32, #tpu.memory_space<vmem_shared>> -> memref<128x128xf32, #tpu.memory_space<vmem_shared>>
      %dma_wait3A_482 = arith.constant 0 : i32
      %dma_wait3A_483 = tpu.memref_slice %arg13[%add3A_329, %dma_wait3A_482] : memref<10240x128xf32, #tpu.memory_space<vmem_shared>> -> memref<128x128xf32, #tpu.memory_space<vmem_shared>>
      tpu.wait_dma2 semaphore(%run_scoped3A_475 : memref<!tpu.dma_semaphore, #tpu.memory_space<semaphore_mem>>) src(%arg9 : memref<128x128xf32, #tpu.memory_space<vmem>>) dst(%dma_wait3A_483 : memref<128x128xf32, #tpu.memory_space<vmem_shared>>)
      tpu.yield
    }) : () -> ()
    %add3A_330 = arith.constant 384 : i32
    %add3A_331 = arith.addi %mul3A_2, %add3A_330 : i32
    "tpu.region"() ({
      %run_scoped3A_475 = tpu.sem_alloc : memref<!tpu.dma_semaphore, #tpu.memory_space<semaphore_mem>>
      %dma_start3A_476 = arith.constant 0 : i32
      %dma_start3A_477 = tpu.memref_slice %arg13[%add3A_331, %dma_start3A_476] : memref<10240x128xf32, #tpu.memory_space<vmem_shared>> -> memref<128x128xf32, #tpu.memory_space<vmem_shared>>
      %dma_start3A_478 = arith.constant 0 : i32
      %dma_start3A_479 = tpu.memref_slice %arg13[%add3A_331, %dma_start3A_478] : memref<10240x128xf32, #tpu.memory_space<vmem_shared>> -> memref<128x128xf32, #tpu.memory_space<vmem_shared>>
      tpu.enqueue_dma source(%arg9 : memref<128x128xf32, #tpu.memory_space<vmem>>) target(%dma_start3A_479 : memref<128x128xf32, #tpu.memory_space<vmem_shared>>) target_semaphore(%run_scoped3A_475 : memref<!tpu.dma_semaphore, #tpu.memory_space<semaphore_mem>>)
      %dma_wait3A_480 = arith.constant 0 : i32
      %dma_wait3A_481 = tpu.memref_slice %arg13[%add3A_331, %dma_wait3A_480] : memref<10240x128xf32, #tpu.memory_space<vmem_shared>> -> memref<128x128xf32, #tpu.memory_space<vmem_shared>>
      %dma_wait3A_482 = arith.constant 0 : i32
      %dma_wait3A_483 = tpu.memref_slice %arg13[%add3A_331, %dma_wait3A_482] : memref<10240x128xf32, #tpu.memory_space<vmem_shared>> -> memref<128x128xf32, #tpu.memory_space<vmem_shared>>
      tpu.wait_dma2 semaphore(%run_scoped3A_475 : memref<!tpu.dma_semaphore, #tpu.memory_space<semaphore_mem>>) src(%arg9 : memref<128x128xf32, #tpu.memory_space<vmem>>) dst(%dma_wait3A_483 : memref<128x128xf32, #tpu.memory_space<vmem_shared>>)
      tpu.yield
    }) : () -> ()
    %add3A_332 = arith.constant 512 : i32
    %add3A_333 = arith.addi %mul3A_2, %add3A_332 : i32
    "tpu.region"() ({
      %run_scoped3A_475 = tpu.sem_alloc : memref<!tpu.dma_semaphore, #tpu.memory_space<semaphore_mem>>
      %dma_start3A_476 = arith.constant 0 : i32
      %dma_start3A_477 = tpu.memref_slice %arg13[%add3A_333, %dma_start3A_476] : memref<10240x128xf32, #tpu.memory_space<vmem_shared>> -> memref<128x128xf32, #tpu.memory_space<vmem_shared>>
      %dma_start3A_478 = arith.constant 0 : i32
      %dma_start3A_479 = tpu.memref_slice %arg13[%add3A_333, %dma_start3A_478] : memref<10240x128xf32, #tpu.memory_space<vmem_shared>> -> memref<128x128xf32, #tpu.memory_space<vmem_shared>>
      tpu.enqueue_dma source(%arg9 : memref<128x128xf32, #tpu.memory_space<vmem>>) target(%dma_start3A_479 : memref<128x128xf32, #tpu.memory_space<vmem_shared>>) target_semaphore(%run_scoped3A_475 : memref<!tpu.dma_semaphore, #tpu.memory_space<semaphore_mem>>)
      %dma_wait3A_480 = arith.constant 0 : i32
      %dma_wait3A_481 = tpu.memref_slice %arg13[%add3A_333, %dma_wait3A_480] : memref<10240x128xf32, #tpu.memory_space<vmem_shared>> -> memref<128x128xf32, #tpu.memory_space<vmem_shared>>
      %dma_wait3A_482 = arith.constant 0 : i32
      %dma_wait3A_483 = tpu.memref_slice %arg13[%add3A_333, %dma_wait3A_482] : memref<10240x128xf32, #tpu.memory_space<vmem_shared>> -> memref<128x128xf32, #tpu.memory_space<vmem_shared>>
      tpu.wait_dma2 semaphore(%run_scoped3A_475 : memref<!tpu.dma_semaphore, #tpu.memory_space<semaphore_mem>>) src(%arg9 : memref<128x128xf32, #tpu.memory_space<vmem>>) dst(%dma_wait3A_483 : memref<128x128xf32, #tpu.memory_space<vmem_shared>>)
      tpu.yield
    }) : () -> ()
    %scan3A_334 = arith.constant 0 : i32
    %scan3A_335 = arith.constant 0 : i32
    %scan3A_336 = arith.constant 40 : i32
    %scan3A_337 = arith.addi %scan3A_335, %scan3A_336 : i32
    %scan3A_338 = arith.constant 1 : i32
    scf.for %scan3A_475 = %scan3A_335 to %scan3A_337 step %scan3A_338  : i32 {
      %broadcast_in_dim3A = arith.constant 0.000000e+00 : f32
      %broadcast_in_dim3A_476 = vector.broadcast %broadcast_in_dim3A : f32 to vector<16xf32>
      %mul3A_477 = arith.constant 16 : i32
      %mul3A_478 = arith.muli %scan3A_475, %mul3A_477 : i32
      %swap3A = arith.index_cast %mul3A_478 : i32 to index
      %swap3A_479 = tpu.vector_load %arg12[%swap3A] {strides = array<i32>} : memref<640xf32, #tpu.memory_space<vmem>>, vector<16xf32>,
      %swap3A_480 = vector.shape_cast %swap3A_479 : vector<16xf32> to vector<16xf32>
      %swap3A_481 = vector.shape_cast %broadcast_in_dim3A_476 : vector<16xf32> to vector<16xf32>
      tpu.vector_store %arg12[%swap3A], %swap3A_481 {strides = array<i32>} : memref<640xf32, #tpu.memory_space<vmem>>, vector<16xf32>,
    }
    %scan3A_339 = arith.constant 40 : i32
    "tpu.region"() ({
      %run_scoped3A_475 = tpu.sem_alloc : memref<!tpu.dma_semaphore, #tpu.memory_space<semaphore_mem>>
      %dma_start3A_476 = tpu.memref_slice %arg14[%mul3A_2] : memref<10240xf32, #tpu.memory_space<vmem_shared>> -> memref<640xf32, #tpu.memory_space<vmem_shared>>
      %dma_start3A_477 = tpu.memref_slice %arg14[%mul3A_2] : memref<10240xf32, #tpu.memory_space<vmem_shared>> -> memref<640xf32, #tpu.memory_space<vmem_shared>>
      tpu.enqueue_dma source(%arg12 : memref<640xf32, #tpu.memory_space<vmem>>) target(%dma_start3A_477 : memref<640xf32, #tpu.memory_space<vmem_shared>>) target_semaphore(%run_scoped3A_475 : memref<!tpu.dma_semaphore, #tpu.memory_space<semaphore_mem>>)
      %dma_wait3A_478 = tpu.memref_slice %arg14[%mul3A_2] : memref<10240xf32, #tpu.memory_space<vmem_shared>> -> memref<640xf32, #tpu.memory_space<vmem_shared>>
      %dma_wait3A_479 = tpu.memref_slice %arg14[%mul3A_2] : memref<10240xf32, #tpu.memory_space<vmem_shared>> -> memref<640xf32, #tpu.memory_space<vmem_shared>>
      tpu.wait_dma2 semaphore(%run_scoped3A_475 : memref<!tpu.dma_semaphore, #tpu.memory_space<semaphore_mem>>) src(%arg12 : memref<640xf32, #tpu.memory_space<vmem>>) dst(%dma_wait3A_479 : memref<640xf32, #tpu.memory_space<vmem_shared>>)
      tpu.yield
    }) : () -> ()
    %barrier3A_340 = arith.constant 0 : index
    tpu.barrier barrier_id(%barrier3A_340)
    %run_scoped3A_341 = arith.constant 2 : i32
    "tpu.region"() ({
      %run_scoped3A_475 = tpu.sem_alloc : memref<!tpu.dma_semaphore, #tpu.memory_space<semaphore_mem>>
      %dma_start3A_476 = arith.constant 0 : i32
      %dma_start3A_477 = arith.constant 0 : i32
      %dma_start3A_478 = tpu.memref_slice %arg3[%run_scoped3A_341, %add3A, %dma_start3A_476, %dma_start3A_477] : memref<3x32x25x128xi32, #tpu.memory_space<hbm>> -> memref<1x1x25x128xi32, #tpu.memory_space<hbm>>
      %dma_start3A_479 = tpu.memref_squeeze %dma_start3A_478 : memref<1x1x25x128xi32, #tpu.memory_space<hbm>> -> memref<25x128xi32, #tpu.memory_space<hbm>>
      %dma_start3A_480 = arith.constant 0 : i32
      %dma_start3A_481 = arith.constant 0 : i32
      %dma_start3A_482 = tpu.memref_slice %arg3[%run_scoped3A_341, %add3A, %dma_start3A_480, %dma_start3A_481] : memref<3x32x25x128xi32, #tpu.memory_space<hbm>> -> memref<1x1x25x128xi32, #tpu.memory_space<hbm>>
      %dma_start3A_483 = tpu.memref_squeeze %dma_start3A_482 : memref<1x1x25x128xi32, #tpu.memory_space<hbm>> -> memref<25x128xi32, #tpu.memory_space<hbm>>
      tpu.enqueue_dma source(%dma_start3A_483 : memref<25x128xi32, #tpu.memory_space<hbm>>) target(%arg6 : memref<25x128xi32, #tpu.memory_space<vmem>>) target_semaphore(%run_scoped3A_475 : memref<!tpu.dma_semaphore, #tpu.memory_space<semaphore_mem>>)
      %dma_wait3A_484 = arith.constant 0 : i32
      %dma_wait3A_485 = arith.constant 0 : i32
      %dma_wait3A_486 = tpu.memref_slice %arg3[%run_scoped3A_341, %add3A, %dma_wait3A_484, %dma_wait3A_485] : memref<3x32x25x128xi32, #tpu.memory_space<hbm>> -> memref<1x1x25x128xi32, #tpu.memory_space<hbm>>
      %dma_wait3A_487 = tpu.memref_squeeze %dma_wait3A_486 : memref<1x1x25x128xi32, #tpu.memory_space<hbm>> -> memref<25x128xi32, #tpu.memory_space<hbm>>
      %dma_wait3A_488 = arith.constant 0 : i32
      %dma_wait3A_489 = arith.constant 0 : i32
      %dma_wait3A_490 = tpu.memref_slice %arg3[%run_scoped3A_341, %add3A, %dma_wait3A_488, %dma_wait3A_489] : memref<3x32x25x128xi32, #tpu.memory_space<hbm>> -> memref<1x1x25x128xi32, #tpu.memory_space<hbm>>
      %dma_wait3A_491 = tpu.memref_squeeze %dma_wait3A_490 : memref<1x1x25x128xi32, #tpu.memory_space<hbm>> -> memref<25x128xi32, #tpu.memory_space<hbm>>
      tpu.wait_dma2 semaphore(%run_scoped3A_475 : memref<!tpu.dma_semaphore, #tpu.memory_space<semaphore_mem>>) src(%dma_wait3A_491 : memref<25x128xi32, #tpu.memory_space<hbm>>) dst(%arg6 : memref<25x128xi32, #tpu.memory_space<vmem>>)
      tpu.yield
    }) : () -> ()
    %scan3A_342 = arith.constant 0 : i32
    %scan3A_343 = arith.constant 0 : i32
    %scan3A_344 = arith.constant 200 : i32
    %scan3A_345 = arith.addi %scan3A_343, %scan3A_344 : i32
    %scan3A_346 = arith.constant 1 : i32
    scf.for %scan3A_475 = %scan3A_343 to %scan3A_345 step %scan3A_346  : i32 {
      %jit3A = arith.constant 8 : i32
      %div3A = arith.divsi %scan3A_475, %jit3A : i32
      %sign3A = arith.constant 0 : i32
      %sign3A_476 = arith.cmpi sgt, %scan3A_475, %sign3A : i32
      %sign3A_477 = arith.extui %sign3A_476 : i1 to i32
      %sign3A_478 = arith.constant 0 : i32
      %sign3A_479 = arith.cmpi slt, %scan3A_475, %sign3A_478 : i32
      %sign3A_480 = arith.extui %sign3A_479 : i1 to i32
      %sign3A_481 = arith.subi %sign3A_477, %sign3A_480 : i32
      %sign3A_482 = arith.constant 0 : i32
      %sign3A_483 = arith.cmpi sgt, %jit3A, %sign3A_482 : i32
      %sign3A_484 = arith.extui %sign3A_483 : i1 to i32
      %sign3A_485 = arith.constant 0 : i32
      %sign3A_486 = arith.cmpi slt, %jit3A, %sign3A_485 : i32
      %sign3A_487 = arith.extui %sign3A_486 : i1 to i32
      %sign3A_488 = arith.subi %sign3A_484, %sign3A_487 : i32
      %ne3A = arith.cmpi ne, %sign3A_481, %sign3A_488 : i32
      %rem3A = arith.remsi %scan3A_475, %jit3A : i32
      %ne3A_489 = arith.constant 0 : i32
      %ne3A_490 = arith.cmpi ne, %rem3A, %ne3A_489 : i32
      %and3A = arith.andi %ne3A, %ne3A_490 : i1
      %sub3A = arith.constant 1 : i32
      %sub3A_491 = arith.subi %div3A, %sub3A : i32
      %select_n3A = arith.select %and3A, %sub3A_491, %div3A : i32
      %jit3A_492 = arith.constant 8 : i32
      %eq3A = arith.constant 0 : i32
      %eq3A_493 = arith.cmpi eq, %jit3A_492, %eq3A : i32
      %jit3A_494 = arith.constant 1 : i32
      %select_n3A_495 = arith.select %eq3A_493, %jit3A_494, %jit3A_492 : i32
      %rem3A_496 = arith.remsi %scan3A_475, %select_n3A_495 : i32
      %ne3A_497 = arith.constant 0 : i32
      %ne3A_498 = arith.cmpi ne, %rem3A_496, %ne3A_497 : i32
      %lt3A = arith.constant 0 : i32
      %lt3A_499 = arith.cmpi slt, %rem3A_496, %lt3A : i32
      %lt3A_500 = arith.constant 0 : i32
      %lt3A_501 = arith.cmpi slt, %select_n3A_495, %lt3A_500 : i32
      %ne3A_502 = arith.xori %lt3A_499, %lt3A_501 : i1
      %and3A_503 = arith.andi %ne3A_502, %ne3A_498 : i1
      %add3A_504 = arith.addi %rem3A_496, %select_n3A_495 : i32
      %select_n3A_505 = arith.select %and3A_503, %add3A_504, %rem3A_496 : i32
      %mul3A_506 = arith.constant 16 : i32
      %mul3A_507 = arith.muli %select_n3A_505, %mul3A_506 : i32
      %get3A = arith.index_cast %select_n3A : i32 to index
      %get3A_508 = arith.index_cast %mul3A_507 : i32 to index
      %get3A_509 = tpu.vector_load %arg6[%get3A, %get3A_508] {strides = array<i32>} : memref<25x128xi32, #tpu.memory_space<vmem>>, vector<1x16xi32>,
      %get3A_510 = vector.shape_cast %get3A_509 : vector<1x16xi32> to vector<16xi32>
      %shift_right_logical3A = arith.constant 14 : i32
      %shift_right_logical3A_511 = vector.broadcast %shift_right_logical3A : i32 to vector<16xi32>
      %shift_right_logical3A_512 = arith.shrui %get3A_510, %shift_right_logical3A_511 : vector<16xi32>
      %swap3A = arith.index_cast %select_n3A : i32 to index
      %swap3A_513 = arith.index_cast %mul3A_507 : i32 to index
      %swap3A_514 = tpu.vector_load %arg7[%swap3A, %swap3A_513] {strides = array<i32>} : memref<25x128xi32, #tpu.memory_space<vmem>>, vector<1x16xi32>,
      %swap3A_515 = vector.shape_cast %swap3A_514 : vector<1x16xi32> to vector<16xi32>
      %swap3A_516 = vector.shape_cast %shift_right_logical3A_512 : vector<16xi32> to vector<1x16xi32>
      tpu.vector_store %arg7[%swap3A, %swap3A_513], %swap3A_516 {strides = array<i32>} : memref<25x128xi32, #tpu.memory_space<vmem>>, vector<1x16xi32>,
      %and3A_517 = arith.constant 16383 : i32
      %and3A_518 = vector.broadcast %and3A_517 : i32 to vector<16xi32>
      %and3A_519 = arith.andi %get3A_510, %and3A_518 : vector<16xi32>
      %swap3A_520 = arith.index_cast %select_n3A : i32 to index
      %swap3A_521 = arith.index_cast %mul3A_507 : i32 to index
      %swap3A_522 = tpu.vector_load %arg8[%swap3A_520, %swap3A_521] {strides = array<i32>} : memref<25x128xi32, #tpu.memory_space<vmem>>, vector<1x16xi32>,
      %swap3A_523 = vector.shape_cast %swap3A_522 : vector<1x16xi32> to vector<16xi32>
      %swap3A_524 = vector.shape_cast %and3A_519 : vector<16xi32> to vector<1x16xi32>
      tpu.vector_store %arg8[%swap3A_520, %swap3A_521], %swap3A_524 {strides = array<i32>} : memref<25x128xi32, #tpu.memory_space<vmem>>, vector<1x16xi32>,
    }
    %scan3A_347 = arith.constant 200 : i32
    %dma_start3A_348 = arith.constant 0 : i32
    %dma_start3A_349 = arith.constant 0 : i32
    %dma_start3A_350 = tpu.memref_slice %arg7[%dma_start3A_348, %dma_start3A_349] : memref<25x128xi32, #tpu.memory_space<vmem>> -> memref<1x128xi32, #tpu.memory_space<vmem>>
    %dma_start3A_351 = tpu.memref_squeeze %dma_start3A_350 : memref<1x128xi32, #tpu.memory_space<vmem>> -> memref<128xi32, #tpu.memory_space<vmem>>
    %dma_start3A_352 = arith.constant 0 : i32
    %dma_start3A_353 = arith.constant 0 : i32
    %dma_start3A_354 = tpu.memref_slice %arg2[%dma_start3A_352, %dma_start3A_353] : memref<10000x128xf32, #tpu.memory_space<hbm>> -> memref<10000x128xf32, #tpu.memory_space<hbm>>
    tpu.enqueue_indirect_dma source(%dma_start3A_354 : memref<10000x128xf32, #tpu.memory_space<hbm>>) target(%arg9 : memref<128x128xf32, #tpu.memory_space<vmem>>) offsets(%dma_start3A_351 : memref<128xi32, #tpu.memory_space<vmem>>) semaphore(%arg15 : memref<!tpu.dma_semaphore, #tpu.memory_space<semaphore_mem>>)
    %dma_start3A_355 = arith.constant 1 : i32
    %dma_start3A_356 = arith.constant 0 : i32
    %dma_start3A_357 = tpu.memref_slice %arg7[%dma_start3A_355, %dma_start3A_356] : memref<25x128xi32, #tpu.memory_space<vmem>> -> memref<1x128xi32, #tpu.memory_space<vmem>>
    %dma_start3A_358 = tpu.memref_squeeze %dma_start3A_357 : memref<1x128xi32, #tpu.memory_space<vmem>> -> memref<128xi32, #tpu.memory_space<vmem>>
    %dma_start3A_359 = arith.constant 0 : i32
    %dma_start3A_360 = arith.constant 0 : i32
    %dma_start3A_361 = tpu.memref_slice %arg2[%dma_start3A_359, %dma_start3A_360] : memref<10000x128xf32, #tpu.memory_space<hbm>> -> memref<10000x128xf32, #tpu.memory_space<hbm>>
    tpu.enqueue_indirect_dma source(%dma_start3A_361 : memref<10000x128xf32, #tpu.memory_space<hbm>>) target(%arg10 : memref<128x128xf32, #tpu.memory_space<vmem>>) offsets(%dma_start3A_358 : memref<128xi32, #tpu.memory_space<vmem>>) semaphore(%arg16 : memref<!tpu.dma_semaphore, #tpu.memory_space<semaphore_mem>>)
    %scan3A_362 = arith.constant 0 : i32
    %scan3A_363 = arith.constant 0 : i32
    %scan3A_364 = arith.constant 12 : i32
    %scan3A_365 = arith.addi %scan3A_363, %scan3A_364 : i32
    %scan3A_366 = arith.constant 1 : i32
    scf.for %scan3A_475 = %scan3A_363 to %scan3A_365 step %scan3A_366  : i32 {
      %mul3A_476 = arith.constant 2 : i32
      %mul3A_477 = arith.muli %scan3A_475, %mul3A_476 : i32
      %dma_wait3A_478 = arith.constant 0 : i32
      %dma_wait3A_479 = tpu.memref_slice %arg7[%mul3A_477, %dma_wait3A_478] : memref<25x128xi32, #tpu.memory_space<vmem>> -> memref<1x128xi32, #tpu.memory_space<vmem>>
      %dma_wait3A_480 = tpu.memref_squeeze %dma_wait3A_479 : memref<1x128xi32, #tpu.memory_space<vmem>> -> memref<128xi32, #tpu.memory_space<vmem>>
      %dma_wait3A_481 = arith.constant 0 : i32
      %dma_wait3A_482 = arith.constant 0 : i32
      %dma_wait3A_483 = tpu.memref_slice %arg2[%dma_wait3A_481, %dma_wait3A_482] : memref<10000x128xf32, #tpu.memory_space<hbm>> -> memref<10000x128xf32, #tpu.memory_space<hbm>>
      tpu.wait_indirect_dma semaphore(%arg15 : memref<!tpu.dma_semaphore, #tpu.memory_space<semaphore_mem>>) src(%dma_wait3A_483 : memref<10000x128xf32, #tpu.memory_space<hbm>>) dst(%arg9 : memref<128x128xf32, #tpu.memory_space<vmem>>)
      %dma_start3A_484 = arith.constant 0 : i32
      %dma_start3A_485 = tpu.memref_slice %arg8[%mul3A_477, %dma_start3A_484] : memref<25x128xi32, #tpu.memory_space<vmem>> -> memref<1x128xi32, #tpu.memory_space<vmem>>
      %dma_start3A_486 = tpu.memref_squeeze %dma_start3A_485 : memref<1x128xi32, #tpu.memory_space<vmem>> -> memref<128xi32, #tpu.memory_space<vmem>>
      %dma_start3A_487 = arith.constant 0 : i32
      %dma_start3A_488 = arith.constant 0 : i32
      %dma_start3A_489 = tpu.memref_slice %arg13[%dma_start3A_487, %dma_start3A_488] : memref<10240x128xf32, #tpu.memory_space<vmem_shared>> -> memref<10240x128xf32, #tpu.memory_space<vmem_shared>>
      tpu.enqueue_indirect_dma source(%arg9 : memref<128x128xf32, #tpu.memory_space<vmem>>) target(%dma_start3A_489 : memref<10240x128xf32, #tpu.memory_space<vmem_shared>>) offsets(%dma_start3A_486 : memref<128xi32, #tpu.memory_space<vmem>>) semaphore(%arg17 : memref<!tpu.dma_semaphore, #tpu.memory_space<semaphore_mem>>) {add = true}
      %dma_start3A_490 = arith.constant 0 : i32
      %dma_start3A_491 = tpu.memref_slice %arg8[%mul3A_477, %dma_start3A_490] : memref<25x128xi32, #tpu.memory_space<vmem>> -> memref<1x128xi32, #tpu.memory_space<vmem>>
      %dma_start3A_492 = tpu.memref_squeeze %dma_start3A_491 : memref<1x128xi32, #tpu.memory_space<vmem>> -> memref<128xi32, #tpu.memory_space<vmem>>
      %dma_start3A_493 = arith.constant 0 : i32
      %dma_start3A_494 = tpu.memref_slice %arg14[%dma_start3A_493] : memref<10240xf32, #tpu.memory_space<vmem_shared>> -> memref<10240xf32, #tpu.memory_space<vmem_shared>>
      tpu.enqueue_indirect_dma source(%arg11 : memref<128xf32, #tpu.memory_space<vmem>>) target(%dma_start3A_494 : memref<10240xf32, #tpu.memory_space<vmem_shared>>) offsets(%dma_start3A_492 : memref<128xi32, #tpu.memory_space<vmem>>) semaphore(%arg19 : memref<!tpu.dma_semaphore, #tpu.memory_space<semaphore_mem>>) {add = true}
      %add3A_495 = arith.constant 1 : i32
      %add3A_496 = arith.addi %mul3A_477, %add3A_495 : i32
      %dma_wait3A_497 = arith.constant 0 : i32
      %dma_wait3A_498 = tpu.memref_slice %arg7[%add3A_496, %dma_wait3A_497] : memref<25x128xi32, #tpu.memory_space<vmem>> -> memref<1x128xi32, #tpu.memory_space<vmem>>
      %dma_wait3A_499 = tpu.memref_squeeze %dma_wait3A_498 : memref<1x128xi32, #tpu.memory_space<vmem>> -> memref<128xi32, #tpu.memory_space<vmem>>
      %dma_wait3A_500 = arith.constant 0 : i32
      %dma_wait3A_501 = arith.constant 0 : i32
      %dma_wait3A_502 = tpu.memref_slice %arg2[%dma_wait3A_500, %dma_wait3A_501] : memref<10000x128xf32, #tpu.memory_space<hbm>> -> memref<10000x128xf32, #tpu.memory_space<hbm>>
      tpu.wait_indirect_dma semaphore(%arg16 : memref<!tpu.dma_semaphore, #tpu.memory_space<semaphore_mem>>) src(%dma_wait3A_502 : memref<10000x128xf32, #tpu.memory_space<hbm>>) dst(%arg10 : memref<128x128xf32, #tpu.memory_space<vmem>>)
      %dma_wait3A_503 = arith.constant 0 : i32
      %dma_wait3A_504 = tpu.memref_slice %arg8[%mul3A_477, %dma_wait3A_503] : memref<25x128xi32, #tpu.memory_space<vmem>> -> memref<1x128xi32, #tpu.memory_space<vmem>>
      %dma_wait3A_505 = tpu.memref_squeeze %dma_wait3A_504 : memref<1x128xi32, #tpu.memory_space<vmem>> -> memref<128xi32, #tpu.memory_space<vmem>>
      %dma_wait3A_506 = arith.constant 0 : i32
      %dma_wait3A_507 = arith.constant 0 : i32
      %dma_wait3A_508 = tpu.memref_slice %arg13[%dma_wait3A_506, %dma_wait3A_507] : memref<10240x128xf32, #tpu.memory_space<vmem_shared>> -> memref<10240x128xf32, #tpu.memory_space<vmem_shared>>
      tpu.wait_indirect_dma semaphore(%arg17 : memref<!tpu.dma_semaphore, #tpu.memory_space<semaphore_mem>>) src(%arg9 : memref<128x128xf32, #tpu.memory_space<vmem>>) dst(%dma_wait3A_508 : memref<10240x128xf32, #tpu.memory_space<vmem_shared>>)
      %add3A_509 = arith.constant 2 : i32
      %add3A_510 = arith.addi %mul3A_477, %add3A_509 : i32
      %dma_start3A_511 = arith.constant 0 : i32
      %dma_start3A_512 = tpu.memref_slice %arg7[%add3A_510, %dma_start3A_511] : memref<25x128xi32, #tpu.memory_space<vmem>> -> memref<1x128xi32, #tpu.memory_space<vmem>>
      %dma_start3A_513 = tpu.memref_squeeze %dma_start3A_512 : memref<1x128xi32, #tpu.memory_space<vmem>> -> memref<128xi32, #tpu.memory_space<vmem>>
      %dma_start3A_514 = arith.constant 0 : i32
      %dma_start3A_515 = arith.constant 0 : i32
      %dma_start3A_516 = tpu.memref_slice %arg2[%dma_start3A_514, %dma_start3A_515] : memref<10000x128xf32, #tpu.memory_space<hbm>> -> memref<10000x128xf32, #tpu.memory_space<hbm>>
      tpu.enqueue_indirect_dma source(%dma_start3A_516 : memref<10000x128xf32, #tpu.memory_space<hbm>>) target(%arg9 : memref<128x128xf32, #tpu.memory_space<vmem>>) offsets(%dma_start3A_513 : memref<128xi32, #tpu.memory_space<vmem>>) semaphore(%arg15 : memref<!tpu.dma_semaphore, #tpu.memory_space<semaphore_mem>>)
      %add3A_517 = arith.constant 1 : i32
      %add3A_518 = arith.addi %mul3A_477, %add3A_517 : i32
      %dma_start3A_519 = arith.constant 0 : i32
      %dma_start3A_520 = tpu.memref_slice %arg8[%add3A_518, %dma_start3A_519] : memref<25x128xi32, #tpu.memory_space<vmem>> -> memref<1x128xi32, #tpu.memory_space<vmem>>
      %dma_start3A_521 = tpu.memref_squeeze %dma_start3A_520 : memref<1x128xi32, #tpu.memory_space<vmem>> -> memref<128xi32, #tpu.memory_space<vmem>>
      %dma_start3A_522 = arith.constant 0 : i32
      %dma_start3A_523 = arith.constant 0 : i32
      %dma_start3A_524 = tpu.memref_slice %arg13[%dma_start3A_522, %dma_start3A_523] : memref<10240x128xf32, #tpu.memory_space<vmem_shared>> -> memref<10240x128xf32, #tpu.memory_space<vmem_shared>>
      tpu.enqueue_indirect_dma source(%arg10 : memref<128x128xf32, #tpu.memory_space<vmem>>) target(%dma_start3A_524 : memref<10240x128xf32, #tpu.memory_space<vmem_shared>>) offsets(%dma_start3A_521 : memref<128xi32, #tpu.memory_space<vmem>>) semaphore(%arg18 : memref<!tpu.dma_semaphore, #tpu.memory_space<semaphore_mem>>) {add = true}
      %add3A_525 = arith.constant 1 : i32
      %add3A_526 = arith.addi %mul3A_477, %add3A_525 : i32
      %dma_start3A_527 = arith.constant 0 : i32
      %dma_start3A_528 = tpu.memref_slice %arg8[%add3A_526, %dma_start3A_527] : memref<25x128xi32, #tpu.memory_space<vmem>> -> memref<1x128xi32, #tpu.memory_space<vmem>>
      %dma_start3A_529 = tpu.memref_squeeze %dma_start3A_528 : memref<1x128xi32, #tpu.memory_space<vmem>> -> memref<128xi32, #tpu.memory_space<vmem>>
      %dma_start3A_530 = arith.constant 0 : i32
      %dma_start3A_531 = tpu.memref_slice %arg14[%dma_start3A_530] : memref<10240xf32, #tpu.memory_space<vmem_shared>> -> memref<10240xf32, #tpu.memory_space<vmem_shared>>
      tpu.enqueue_indirect_dma source(%arg11 : memref<128xf32, #tpu.memory_space<vmem>>) target(%dma_start3A_531 : memref<10240xf32, #tpu.memory_space<vmem_shared>>) offsets(%dma_start3A_529 : memref<128xi32, #tpu.memory_space<vmem>>) semaphore(%arg19 : memref<!tpu.dma_semaphore, #tpu.memory_space<semaphore_mem>>) {add = true}
      %add3A_532 = arith.constant 1 : i32
      %add3A_533 = arith.addi %mul3A_477, %add3A_532 : i32
      %dma_wait3A_534 = arith.constant 0 : i32
      %dma_wait3A_535 = tpu.memref_slice %arg8[%add3A_533, %dma_wait3A_534] : memref<25x128xi32, #tpu.memory_space<vmem>> -> memref<1x128xi32, #tpu.memory_space<vmem>>
      %dma_wait3A_536 = tpu.memref_squeeze %dma_wait3A_535 : memref<1x128xi32, #tpu.memory_space<vmem>> -> memref<128xi32, #tpu.memory_space<vmem>>
      %dma_wait3A_537 = arith.constant 0 : i32
      %dma_wait3A_538 = arith.constant 0 : i32
      %dma_wait3A_539 = tpu.memref_slice %arg13[%dma_wait3A_537, %dma_wait3A_538] : memref<10240x128xf32, #tpu.memory_space<vmem_shared>> -> memref<10240x128xf32, #tpu.memory_space<vmem_shared>>
      tpu.wait_indirect_dma semaphore(%arg18 : memref<!tpu.dma_semaphore, #tpu.memory_space<semaphore_mem>>) src(%arg10 : memref<128x128xf32, #tpu.memory_space<vmem>>) dst(%dma_wait3A_539 : memref<10240x128xf32, #tpu.memory_space<vmem_shared>>)
      %add3A_540 = arith.constant 3 : i32
      %add3A_541 = arith.addi %mul3A_477, %add3A_540 : i32
      %lt3A = arith.constant 25 : i32
      %lt3A_542 = arith.cmpi slt, %add3A_541, %lt3A : i32
      %convert_element_type3A = arith.extui %lt3A_542 : i1 to i32
      %cond3A = arith.constant 0 : i32
      %cond3A_543 = arith.cmpi ne, %convert_element_type3A, %cond3A : i32
      scf.if %cond3A_543 {
        %add3A_544 = arith.constant 3 : i32
        %add3A_545 = arith.addi %mul3A_477, %add3A_544 : i32
        %dma_start3A_546 = arith.constant 0 : i32
        %dma_start3A_547 = tpu.memref_slice %arg7[%add3A_545, %dma_start3A_546] : memref<25x128xi32, #tpu.memory_space<vmem>> -> memref<1x128xi32, #tpu.memory_space<vmem>>
        %dma_start3A_548 = tpu.memref_squeeze %dma_start3A_547 : memref<1x128xi32, #tpu.memory_space<vmem>> -> memref<128xi32, #tpu.memory_space<vmem>>
        %dma_start3A_549 = arith.constant 0 : i32
        %dma_start3A_550 = arith.constant 0 : i32
        %dma_start3A_551 = tpu.memref_slice %arg2[%dma_start3A_549, %dma_start3A_550] : memref<10000x128xf32, #tpu.memory_space<hbm>> -> memref<10000x128xf32, #tpu.memory_space<hbm>>
        tpu.enqueue_indirect_dma source(%dma_start3A_551 : memref<10000x128xf32, #tpu.memory_space<hbm>>) target(%arg10 : memref<128x128xf32, #tpu.memory_space<vmem>>) offsets(%dma_start3A_548 : memref<128xi32, #tpu.memory_space<vmem>>) semaphore(%arg16 : memref<!tpu.dma_semaphore, #tpu.memory_space<semaphore_mem>>)
      } else {
      }
    }
    %scan3A_367 = arith.constant 12 : i32
    %dma_wait3A_368 = arith.constant 24 : i32
    %dma_wait3A_369 = arith.constant 0 : i32
    %dma_wait3A_370 = tpu.memref_slice %arg7[%dma_wait3A_368, %dma_wait3A_369] : memref<25x128xi32, #tpu.memory_space<vmem>> -> memref<1x128xi32, #tpu.memory_space<vmem>>
    %dma_wait3A_371 = tpu.memref_squeeze %dma_wait3A_370 : memref<1x128xi32, #tpu.memory_space<vmem>> -> memref<128xi32, #tpu.memory_space<vmem>>
    %dma_wait3A_372 = arith.constant 0 : i32
    %dma_wait3A_373 = arith.constant 0 : i32
    %dma_wait3A_374 = tpu.memref_slice %arg2[%dma_wait3A_372, %dma_wait3A_373] : memref<10000x128xf32, #tpu.memory_space<hbm>> -> memref<10000x128xf32, #tpu.memory_space<hbm>>
    tpu.wait_indirect_dma semaphore(%arg15 : memref<!tpu.dma_semaphore, #tpu.memory_space<semaphore_mem>>) src(%dma_wait3A_374 : memref<10000x128xf32, #tpu.memory_space<hbm>>) dst(%arg9 : memref<128x128xf32, #tpu.memory_space<vmem>>)
    %run_scoped3A_375 = arith.constant 24 : i32
    "tpu.region"() ({
      %run_scoped3A_475 = tpu.sem_alloc : memref<!tpu.dma_semaphore, #tpu.memory_space<semaphore_mem>>
      %dma_start3A_476 = arith.constant 0 : i32
      %dma_start3A_477 = tpu.memref_slice %arg8[%run_scoped3A_375, %dma_start3A_476] : memref<25x128xi32, #tpu.memory_space<vmem>> -> memref<1x128xi32, #tpu.memory_space<vmem>>
      %dma_start3A_478 = tpu.memref_squeeze %dma_start3A_477 : memref<1x128xi32, #tpu.memory_space<vmem>> -> memref<128xi32, #tpu.memory_space<vmem>>
      %dma_start3A_479 = arith.constant 0 : i32
      %dma_start3A_480 = arith.constant 0 : i32
      %dma_start3A_481 = tpu.memref_slice %arg13[%dma_start3A_479, %dma_start3A_480] : memref<10240x128xf32, #tpu.memory_space<vmem_shared>> -> memref<10240x128xf32, #tpu.memory_space<vmem_shared>>
      tpu.enqueue_indirect_dma source(%arg9 : memref<128x128xf32, #tpu.memory_space<vmem>>) target(%dma_start3A_481 : memref<10240x128xf32, #tpu.memory_space<vmem_shared>>) offsets(%dma_start3A_478 : memref<128xi32, #tpu.memory_space<vmem>>) semaphore(%run_scoped3A_475 : memref<!tpu.dma_semaphore, #tpu.memory_space<semaphore_mem>>) {add = true}
      %dma_wait3A_482 = arith.constant 0 : i32
      %dma_wait3A_483 = tpu.memref_slice %arg8[%run_scoped3A_375, %dma_wait3A_482] : memref<25x128xi32, #tpu.memory_space<vmem>> -> memref<1x128xi32, #tpu.memory_space<vmem>>
      %dma_wait3A_484 = tpu.memref_squeeze %dma_wait3A_483 : memref<1x128xi32, #tpu.memory_space<vmem>> -> memref<128xi32, #tpu.memory_space<vmem>>
      %dma_wait3A_485 = arith.constant 0 : i32
      %dma_wait3A_486 = arith.constant 0 : i32
      %dma_wait3A_487 = tpu.memref_slice %arg13[%dma_wait3A_485, %dma_wait3A_486] : memref<10240x128xf32, #tpu.memory_space<vmem_shared>> -> memref<10240x128xf32, #tpu.memory_space<vmem_shared>>
      tpu.wait_indirect_dma semaphore(%run_scoped3A_475 : memref<!tpu.dma_semaphore, #tpu.memory_space<semaphore_mem>>) src(%arg9 : memref<128x128xf32, #tpu.memory_space<vmem>>) dst(%dma_wait3A_487 : memref<10240x128xf32, #tpu.memory_space<vmem_shared>>)
      tpu.yield
    }) : () -> ()
    %dma_start3A_376 = arith.constant 24 : i32
    %dma_start3A_377 = arith.constant 0 : i32
    %dma_start3A_378 = tpu.memref_slice %arg8[%dma_start3A_376, %dma_start3A_377] : memref<25x128xi32, #tpu.memory_space<vmem>> -> memref<1x128xi32, #tpu.memory_space<vmem>>
    %dma_start3A_379 = tpu.memref_squeeze %dma_start3A_378 : memref<1x128xi32, #tpu.memory_space<vmem>> -> memref<128xi32, #tpu.memory_space<vmem>>
    %dma_start3A_380 = arith.constant 0 : i32
    %dma_start3A_381 = tpu.memref_slice %arg14[%dma_start3A_380] : memref<10240xf32, #tpu.memory_space<vmem_shared>> -> memref<10240xf32, #tpu.memory_space<vmem_shared>>
    tpu.enqueue_indirect_dma source(%arg11 : memref<128xf32, #tpu.memory_space<vmem>>) target(%dma_start3A_381 : memref<10240xf32, #tpu.memory_space<vmem_shared>>) offsets(%dma_start3A_379 : memref<128xi32, #tpu.memory_space<vmem>>) semaphore(%arg19 : memref<!tpu.dma_semaphore, #tpu.memory_space<semaphore_mem>>) {add = true}
    %scan3A_382 = arith.constant 0 : i32
    %scan3A_383 = arith.constant 0 : i32
    %scan3A_384 = arith.constant 25 : i32
    %scan3A_385 = arith.addi %scan3A_383, %scan3A_384 : i32
    %scan3A_386 = arith.constant 1 : i32
    scf.for %scan3A_475 = %scan3A_383 to %scan3A_385 step %scan3A_386  : i32 {
      %dma_wait3A_476 = arith.constant 0 : i32
      %dma_wait3A_477 = tpu.memref_slice %arg8[%scan3A_475, %dma_wait3A_476] : memref<25x128xi32, #tpu.memory_space<vmem>> -> memref<1x128xi32, #tpu.memory_space<vmem>>
      %dma_wait3A_478 = tpu.memref_squeeze %dma_wait3A_477 : memref<1x128xi32, #tpu.memory_space<vmem>> -> memref<128xi32, #tpu.memory_space<vmem>>
      %dma_wait3A_479 = arith.constant 0 : i32
      %dma_wait3A_480 = tpu.memref_slice %arg14[%dma_wait3A_479] : memref<10240xf32, #tpu.memory_space<vmem_shared>> -> memref<10240xf32, #tpu.memory_space<vmem_shared>>
      tpu.wait_indirect_dma semaphore(%arg19 : memref<!tpu.dma_semaphore, #tpu.memory_space<semaphore_mem>>) src(%arg11 : memref<128xf32, #tpu.memory_space<vmem>>) dst(%dma_wait3A_480 : memref<10240xf32, #tpu.memory_space<vmem_shared>>)
    }
    %scan3A_387 = arith.constant 25 : i32
    %barrier3A_388 = arith.constant 0 : index
    tpu.barrier barrier_id(%barrier3A_388)
    %dma_start3A_389 = arith.constant 0 : i32
    %dma_start3A_390 = tpu.memref_slice %arg13[%mul3A_2, %dma_start3A_389] : memref<10240x128xf32, #tpu.memory_space<vmem_shared>> -> memref<128x128xf32, #tpu.memory_space<vmem_shared>>
    %dma_start3A_391 = arith.constant 0 : i32
    %dma_start3A_392 = tpu.memref_slice %arg13[%mul3A_2, %dma_start3A_391] : memref<10240x128xf32, #tpu.memory_space<vmem_shared>> -> memref<128x128xf32, #tpu.memory_space<vmem_shared>>
    tpu.enqueue_dma source(%dma_start3A_392 : memref<128x128xf32, #tpu.memory_space<vmem_shared>>) target(%arg9 : memref<128x128xf32, #tpu.memory_space<vmem>>) target_semaphore(%arg15 : memref<!tpu.dma_semaphore, #tpu.memory_space<semaphore_mem>>)
    %dma_start3A_393 = tpu.memref_slice %arg14[%mul3A_2] : memref<10240xf32, #tpu.memory_space<vmem_shared>> -> memref<640xf32, #tpu.memory_space<vmem_shared>>
    %dma_start3A_394 = tpu.memref_slice %arg14[%mul3A_2] : memref<10240xf32, #tpu.memory_space<vmem_shared>> -> memref<640xf32, #tpu.memory_space<vmem_shared>>
    tpu.enqueue_dma source(%dma_start3A_394 : memref<640xf32, #tpu.memory_space<vmem_shared>>) target(%arg12 : memref<640xf32, #tpu.memory_space<vmem>>) target_semaphore(%arg19 : memref<!tpu.dma_semaphore, #tpu.memory_space<semaphore_mem>>)
    %add3A_395 = arith.constant 0 : i32
    %add3A_396 = arith.addi %mul3A_2, %add3A_395 : i32
    %dma_wait3A_397 = arith.constant 0 : i32
    %dma_wait3A_398 = tpu.memref_slice %arg13[%add3A_396, %dma_wait3A_397] : memref<10240x128xf32, #tpu.memory_space<vmem_shared>> -> memref<128x128xf32, #tpu.memory_space<vmem_shared>>
    %dma_wait3A_399 = arith.constant 0 : i32
    %dma_wait3A_400 = tpu.memref_slice %arg13[%add3A_396, %dma_wait3A_399] : memref<10240x128xf32, #tpu.memory_space<vmem_shared>> -> memref<128x128xf32, #tpu.memory_space<vmem_shared>>
    tpu.wait_dma2 semaphore(%arg15 : memref<!tpu.dma_semaphore, #tpu.memory_space<semaphore_mem>>) src(%dma_wait3A_400 : memref<128x128xf32, #tpu.memory_space<vmem_shared>>) dst(%arg9 : memref<128x128xf32, #tpu.memory_space<vmem>>)
    %add3A_401 = arith.constant 128 : i32
    %add3A_402 = arith.addi %mul3A_2, %add3A_401 : i32
    %dma_start3A_403 = arith.constant 0 : i32
    %dma_start3A_404 = tpu.memref_slice %arg13[%add3A_402, %dma_start3A_403] : memref<10240x128xf32, #tpu.memory_space<vmem_shared>> -> memref<128x128xf32, #tpu.memory_space<vmem_shared>>
    %dma_start3A_405 = arith.constant 0 : i32
    %dma_start3A_406 = tpu.memref_slice %arg13[%add3A_402, %dma_start3A_405] : memref<10240x128xf32, #tpu.memory_space<vmem_shared>> -> memref<128x128xf32, #tpu.memory_space<vmem_shared>>
    tpu.enqueue_dma source(%dma_start3A_406 : memref<128x128xf32, #tpu.memory_space<vmem_shared>>) target(%arg10 : memref<128x128xf32, #tpu.memory_space<vmem>>) target_semaphore(%arg16 : memref<!tpu.dma_semaphore, #tpu.memory_space<semaphore_mem>>)
    %add3A_407 = arith.constant 0 : i32
    %add3A_408 = arith.addi %mul3A_2, %add3A_407 : i32
    %run_scoped3A_409 = arith.constant 2 : i32
    "tpu.region"() ({
      %run_scoped3A_475 = tpu.sem_alloc : memref<!tpu.dma_semaphore, #tpu.memory_space<semaphore_mem>>
      %dma_start3A_476 = arith.constant 0 : i32
      %dma_start3A_477 = tpu.memref_slice %arg4[%arg0, %run_scoped3A_409, %add3A_408, %dma_start3A_476] : memref<2x3x10240x128xf32, #tpu.memory_space<hbm>> -> memref<1x1x128x128xf32, #tpu.memory_space<hbm>>
      %dma_start3A_478 = tpu.memref_squeeze %dma_start3A_477 : memref<1x1x128x128xf32, #tpu.memory_space<hbm>> -> memref<128x128xf32, #tpu.memory_space<hbm>>
      %dma_start3A_479 = arith.constant 0 : i32
      %dma_start3A_480 = tpu.memref_slice %arg4[%arg0, %run_scoped3A_409, %add3A_408, %dma_start3A_479] : memref<2x3x10240x128xf32, #tpu.memory_space<hbm>> -> memref<1x1x128x128xf32, #tpu.memory_space<hbm>>
      %dma_start3A_481 = tpu.memref_squeeze %dma_start3A_480 : memref<1x1x128x128xf32, #tpu.memory_space<hbm>> -> memref<128x128xf32, #tpu.memory_space<hbm>>
      tpu.enqueue_dma source(%arg9 : memref<128x128xf32, #tpu.memory_space<vmem>>) target(%dma_start3A_481 : memref<128x128xf32, #tpu.memory_space<hbm>>) target_semaphore(%run_scoped3A_475 : memref<!tpu.dma_semaphore, #tpu.memory_space<semaphore_mem>>)
      %dma_wait3A_482 = arith.constant 0 : i32
      %dma_wait3A_483 = tpu.memref_slice %arg4[%arg0, %run_scoped3A_409, %add3A_408, %dma_wait3A_482] : memref<2x3x10240x128xf32, #tpu.memory_space<hbm>> -> memref<1x1x128x128xf32, #tpu.memory_space<hbm>>
      %dma_wait3A_484 = tpu.memref_squeeze %dma_wait3A_483 : memref<1x1x128x128xf32, #tpu.memory_space<hbm>> -> memref<128x128xf32, #tpu.memory_space<hbm>>
      %dma_wait3A_485 = arith.constant 0 : i32
      %dma_wait3A_486 = tpu.memref_slice %arg4[%arg0, %run_scoped3A_409, %add3A_408, %dma_wait3A_485] : memref<2x3x10240x128xf32, #tpu.memory_space<hbm>> -> memref<1x1x128x128xf32, #tpu.memory_space<hbm>>
      %dma_wait3A_487 = tpu.memref_squeeze %dma_wait3A_486 : memref<1x1x128x128xf32, #tpu.memory_space<hbm>> -> memref<128x128xf32, #tpu.memory_space<hbm>>
      tpu.wait_dma2 semaphore(%run_scoped3A_475 : memref<!tpu.dma_semaphore, #tpu.memory_space<semaphore_mem>>) src(%arg9 : memref<128x128xf32, #tpu.memory_space<vmem>>) dst(%dma_wait3A_487 : memref<128x128xf32, #tpu.memory_space<hbm>>)
      tpu.yield
    }) : () -> ()
    %add3A_410 = arith.constant 128 : i32
    %add3A_411 = arith.addi %mul3A_2, %add3A_410 : i32
    %dma_wait3A_412 = arith.constant 0 : i32
    %dma_wait3A_413 = tpu.memref_slice %arg13[%add3A_411, %dma_wait3A_412] : memref<10240x128xf32, #tpu.memory_space<vmem_shared>> -> memref<128x128xf32, #tpu.memory_space<vmem_shared>>
    %dma_wait3A_414 = arith.constant 0 : i32
    %dma_wait3A_415 = tpu.memref_slice %arg13[%add3A_411, %dma_wait3A_414] : memref<10240x128xf32, #tpu.memory_space<vmem_shared>> -> memref<128x128xf32, #tpu.memory_space<vmem_shared>>
    tpu.wait_dma2 semaphore(%arg16 : memref<!tpu.dma_semaphore, #tpu.memory_space<semaphore_mem>>) src(%dma_wait3A_415 : memref<128x128xf32, #tpu.memory_space<vmem_shared>>) dst(%arg10 : memref<128x128xf32, #tpu.memory_space<vmem>>)
    %add3A_416 = arith.constant 256 : i32
    %add3A_417 = arith.addi %mul3A_2, %add3A_416 : i32
    %dma_start3A_418 = arith.constant 0 : i32
    %dma_start3A_419 = tpu.memref_slice %arg13[%add3A_417, %dma_start3A_418] : memref<10240x128xf32, #tpu.memory_space<vmem_shared>> -> memref<128x128xf32, #tpu.memory_space<vmem_shared>>
    %dma_start3A_420 = arith.constant 0 : i32
    %dma_start3A_421 = tpu.memref_slice %arg13[%add3A_417, %dma_start3A_420] : memref<10240x128xf32, #tpu.memory_space<vmem_shared>> -> memref<128x128xf32, #tpu.memory_space<vmem_shared>>
    tpu.enqueue_dma source(%dma_start3A_421 : memref<128x128xf32, #tpu.memory_space<vmem_shared>>) target(%arg9 : memref<128x128xf32, #tpu.memory_space<vmem>>) target_semaphore(%arg15 : memref<!tpu.dma_semaphore, #tpu.memory_space<semaphore_mem>>)
    %add3A_422 = arith.constant 128 : i32
    %add3A_423 = arith.addi %mul3A_2, %add3A_422 : i32
    %run_scoped3A_424 = arith.constant 2 : i32
    "tpu.region"() ({
      %run_scoped3A_475 = tpu.sem_alloc : memref<!tpu.dma_semaphore, #tpu.memory_space<semaphore_mem>>
      %dma_start3A_476 = arith.constant 0 : i32
      %dma_start3A_477 = tpu.memref_slice %arg4[%arg0, %run_scoped3A_424, %add3A_423, %dma_start3A_476] : memref<2x3x10240x128xf32, #tpu.memory_space<hbm>> -> memref<1x1x128x128xf32, #tpu.memory_space<hbm>>
      %dma_start3A_478 = tpu.memref_squeeze %dma_start3A_477 : memref<1x1x128x128xf32, #tpu.memory_space<hbm>> -> memref<128x128xf32, #tpu.memory_space<hbm>>
      %dma_start3A_479 = arith.constant 0 : i32
      %dma_start3A_480 = tpu.memref_slice %arg4[%arg0, %run_scoped3A_424, %add3A_423, %dma_start3A_479] : memref<2x3x10240x128xf32, #tpu.memory_space<hbm>> -> memref<1x1x128x128xf32, #tpu.memory_space<hbm>>
      %dma_start3A_481 = tpu.memref_squeeze %dma_start3A_480 : memref<1x1x128x128xf32, #tpu.memory_space<hbm>> -> memref<128x128xf32, #tpu.memory_space<hbm>>
      tpu.enqueue_dma source(%arg10 : memref<128x128xf32, #tpu.memory_space<vmem>>) target(%dma_start3A_481 : memref<128x128xf32, #tpu.memory_space<hbm>>) target_semaphore(%run_scoped3A_475 : memref<!tpu.dma_semaphore, #tpu.memory_space<semaphore_mem>>)
      %dma_wait3A_482 = arith.constant 0 : i32
      %dma_wait3A_483 = tpu.memref_slice %arg4[%arg0, %run_scoped3A_424, %add3A_423, %dma_wait3A_482] : memref<2x3x10240x128xf32, #tpu.memory_space<hbm>> -> memref<1x1x128x128xf32, #tpu.memory_space<hbm>>
      %dma_wait3A_484 = tpu.memref_squeeze %dma_wait3A_483 : memref<1x1x128x128xf32, #tpu.memory_space<hbm>> -> memref<128x128xf32, #tpu.memory_space<hbm>>
      %dma_wait3A_485 = arith.constant 0 : i32
      %dma_wait3A_486 = tpu.memref_slice %arg4[%arg0, %run_scoped3A_424, %add3A_423, %dma_wait3A_485] : memref<2x3x10240x128xf32, #tpu.memory_space<hbm>> -> memref<1x1x128x128xf32, #tpu.memory_space<hbm>>
      %dma_wait3A_487 = tpu.memref_squeeze %dma_wait3A_486 : memref<1x1x128x128xf32, #tpu.memory_space<hbm>> -> memref<128x128xf32, #tpu.memory_space<hbm>>
      tpu.wait_dma2 semaphore(%run_scoped3A_475 : memref<!tpu.dma_semaphore, #tpu.memory_space<semaphore_mem>>) src(%arg10 : memref<128x128xf32, #tpu.memory_space<vmem>>) dst(%dma_wait3A_487 : memref<128x128xf32, #tpu.memory_space<hbm>>)
      tpu.yield
    }) : () -> ()
    %add3A_425 = arith.constant 256 : i32
    %add3A_426 = arith.addi %mul3A_2, %add3A_425 : i32
    %dma_wait3A_427 = arith.constant 0 : i32
    %dma_wait3A_428 = tpu.memref_slice %arg13[%add3A_426, %dma_wait3A_427] : memref<10240x128xf32, #tpu.memory_space<vmem_shared>> -> memref<128x128xf32, #tpu.memory_space<vmem_shared>>
    %dma_wait3A_429 = arith.constant 0 : i32
    %dma_wait3A_430 = tpu.memref_slice %arg13[%add3A_426, %dma_wait3A_429] : memref<10240x128xf32, #tpu.memory_space<vmem_shared>> -> memref<128x128xf32, #tpu.memory_space<vmem_shared>>
    tpu.wait_dma2 semaphore(%arg15 : memref<!tpu.dma_semaphore, #tpu.memory_space<semaphore_mem>>) src(%dma_wait3A_430 : memref<128x128xf32, #tpu.memory_space<vmem_shared>>) dst(%arg9 : memref<128x128xf32, #tpu.memory_space<vmem>>)
    %add3A_431 = arith.constant 384 : i32
    %add3A_432 = arith.addi %mul3A_2, %add3A_431 : i32
    %dma_start3A_433 = arith.constant 0 : i32
    %dma_start3A_434 = tpu.memref_slice %arg13[%add3A_432, %dma_start3A_433] : memref<10240x128xf32, #tpu.memory_space<vmem_shared>> -> memref<128x128xf32, #tpu.memory_space<vmem_shared>>
    %dma_start3A_435 = arith.constant 0 : i32
    %dma_start3A_436 = tpu.memref_slice %arg13[%add3A_432, %dma_start3A_435] : memref<10240x128xf32, #tpu.memory_space<vmem_shared>> -> memref<128x128xf32, #tpu.memory_space<vmem_shared>>
    tpu.enqueue_dma source(%dma_start3A_436 : memref<128x128xf32, #tpu.memory_space<vmem_shared>>) target(%arg10 : memref<128x128xf32, #tpu.memory_space<vmem>>) target_semaphore(%arg16 : memref<!tpu.dma_semaphore, #tpu.memory_space<semaphore_mem>>)
    %add3A_437 = arith.constant 256 : i32
    %add3A_438 = arith.addi %mul3A_2, %add3A_437 : i32
    %run_scoped3A_439 = arith.constant 2 : i32
    "tpu.region"() ({
      %run_scoped3A_475 = tpu.sem_alloc : memref<!tpu.dma_semaphore, #tpu.memory_space<semaphore_mem>>
      %dma_start3A_476 = arith.constant 0 : i32
      %dma_start3A_477 = tpu.memref_slice %arg4[%arg0, %run_scoped3A_439, %add3A_438, %dma_start3A_476] : memref<2x3x10240x128xf32, #tpu.memory_space<hbm>> -> memref<1x1x128x128xf32, #tpu.memory_space<hbm>>
      %dma_start3A_478 = tpu.memref_squeeze %dma_start3A_477 : memref<1x1x128x128xf32, #tpu.memory_space<hbm>> -> memref<128x128xf32, #tpu.memory_space<hbm>>
      %dma_start3A_479 = arith.constant 0 : i32
      %dma_start3A_480 = tpu.memref_slice %arg4[%arg0, %run_scoped3A_439, %add3A_438, %dma_start3A_479] : memref<2x3x10240x128xf32, #tpu.memory_space<hbm>> -> memref<1x1x128x128xf32, #tpu.memory_space<hbm>>
      %dma_start3A_481 = tpu.memref_squeeze %dma_start3A_480 : memref<1x1x128x128xf32, #tpu.memory_space<hbm>> -> memref<128x128xf32, #tpu.memory_space<hbm>>
      tpu.enqueue_dma source(%arg9 : memref<128x128xf32, #tpu.memory_space<vmem>>) target(%dma_start3A_481 : memref<128x128xf32, #tpu.memory_space<hbm>>) target_semaphore(%run_scoped3A_475 : memref<!tpu.dma_semaphore, #tpu.memory_space<semaphore_mem>>)
      %dma_wait3A_482 = arith.constant 0 : i32
      %dma_wait3A_483 = tpu.memref_slice %arg4[%arg0, %run_scoped3A_439, %add3A_438, %dma_wait3A_482] : memref<2x3x10240x128xf32, #tpu.memory_space<hbm>> -> memref<1x1x128x128xf32, #tpu.memory_space<hbm>>
      %dma_wait3A_484 = tpu.memref_squeeze %dma_wait3A_483 : memref<1x1x128x128xf32, #tpu.memory_space<hbm>> -> memref<128x128xf32, #tpu.memory_space<hbm>>
      %dma_wait3A_485 = arith.constant 0 : i32
      %dma_wait3A_486 = tpu.memref_slice %arg4[%arg0, %run_scoped3A_439, %add3A_438, %dma_wait3A_485] : memref<2x3x10240x128xf32, #tpu.memory_space<hbm>> -> memref<1x1x128x128xf32, #tpu.memory_space<hbm>>
      %dma_wait3A_487 = tpu.memref_squeeze %dma_wait3A_486 : memref<1x1x128x128xf32, #tpu.memory_space<hbm>> -> memref<128x128xf32, #tpu.memory_space<hbm>>
      tpu.wait_dma2 semaphore(%run_scoped3A_475 : memref<!tpu.dma_semaphore, #tpu.memory_space<semaphore_mem>>) src(%arg9 : memref<128x128xf32, #tpu.memory_space<vmem>>) dst(%dma_wait3A_487 : memref<128x128xf32, #tpu.memory_space<hbm>>)
      tpu.yield
    }) : () -> ()
    %add3A_440 = arith.constant 384 : i32
    %add3A_441 = arith.addi %mul3A_2, %add3A_440 : i32
    %dma_wait3A_442 = arith.constant 0 : i32
    %dma_wait3A_443 = tpu.memref_slice %arg13[%add3A_441, %dma_wait3A_442] : memref<10240x128xf32, #tpu.memory_space<vmem_shared>> -> memref<128x128xf32, #tpu.memory_space<vmem_shared>>
    %dma_wait3A_444 = arith.constant 0 : i32
    %dma_wait3A_445 = tpu.memref_slice %arg13[%add3A_441, %dma_wait3A_444] : memref<10240x128xf32, #tpu.memory_space<vmem_shared>> -> memref<128x128xf32, #tpu.memory_space<vmem_shared>>
    tpu.wait_dma2 semaphore(%arg16 : memref<!tpu.dma_semaphore, #tpu.memory_space<semaphore_mem>>) src(%dma_wait3A_445 : memref<128x128xf32, #tpu.memory_space<vmem_shared>>) dst(%arg10 : memref<128x128xf32, #tpu.memory_space<vmem>>)
    %add3A_446 = arith.constant 512 : i32
    %add3A_447 = arith.addi %mul3A_2, %add3A_446 : i32
    %dma_start3A_448 = arith.constant 0 : i32
    %dma_start3A_449 = tpu.memref_slice %arg13[%add3A_447, %dma_start3A_448] : memref<10240x128xf32, #tpu.memory_space<vmem_shared>> -> memref<128x128xf32, #tpu.memory_space<vmem_shared>>
    %dma_start3A_450 = arith.constant 0 : i32
    %dma_start3A_451 = tpu.memref_slice %arg13[%add3A_447, %dma_start3A_450] : memref<10240x128xf32, #tpu.memory_space<vmem_shared>> -> memref<128x128xf32, #tpu.memory_space<vmem_shared>>
    tpu.enqueue_dma source(%dma_start3A_451 : memref<128x128xf32, #tpu.memory_space<vmem_shared>>) target(%arg9 : memref<128x128xf32, #tpu.memory_space<vmem>>) target_semaphore(%arg15 : memref<!tpu.dma_semaphore, #tpu.memory_space<semaphore_mem>>)
    %add3A_452 = arith.constant 384 : i32
    %add3A_453 = arith.addi %mul3A_2, %add3A_452 : i32
    %run_scoped3A_454 = arith.constant 2 : i32
    "tpu.region"() ({
      %run_scoped3A_475 = tpu.sem_alloc : memref<!tpu.dma_semaphore, #tpu.memory_space<semaphore_mem>>
      %dma_start3A_476 = arith.constant 0 : i32
      %dma_start3A_477 = tpu.memref_slice %arg4[%arg0, %run_scoped3A_454, %add3A_453, %dma_start3A_476] : memref<2x3x10240x128xf32, #tpu.memory_space<hbm>> -> memref<1x1x128x128xf32, #tpu.memory_space<hbm>>
      %dma_start3A_478 = tpu.memref_squeeze %dma_start3A_477 : memref<1x1x128x128xf32, #tpu.memory_space<hbm>> -> memref<128x128xf32, #tpu.memory_space<hbm>>
      %dma_start3A_479 = arith.constant 0 : i32
      %dma_start3A_480 = tpu.memref_slice %arg4[%arg0, %run_scoped3A_454, %add3A_453, %dma_start3A_479] : memref<2x3x10240x128xf32, #tpu.memory_space<hbm>> -> memref<1x1x128x128xf32, #tpu.memory_space<hbm>>
      %dma_start3A_481 = tpu.memref_squeeze %dma_start3A_480 : memref<1x1x128x128xf32, #tpu.memory_space<hbm>> -> memref<128x128xf32, #tpu.memory_space<hbm>>
      tpu.enqueue_dma source(%arg10 : memref<128x128xf32, #tpu.memory_space<vmem>>) target(%dma_start3A_481 : memref<128x128xf32, #tpu.memory_space<hbm>>) target_semaphore(%run_scoped3A_475 : memref<!tpu.dma_semaphore, #tpu.memory_space<semaphore_mem>>)
      %dma_wait3A_482 = arith.constant 0 : i32
      %dma_wait3A_483 = tpu.memref_slice %arg4[%arg0, %run_scoped3A_454, %add3A_453, %dma_wait3A_482] : memref<2x3x10240x128xf32, #tpu.memory_space<hbm>> -> memref<1x1x128x128xf32, #tpu.memory_space<hbm>>
      %dma_wait3A_484 = tpu.memref_squeeze %dma_wait3A_483 : memref<1x1x128x128xf32, #tpu.memory_space<hbm>> -> memref<128x128xf32, #tpu.memory_space<hbm>>
      %dma_wait3A_485 = arith.constant 0 : i32
      %dma_wait3A_486 = tpu.memref_slice %arg4[%arg0, %run_scoped3A_454, %add3A_453, %dma_wait3A_485] : memref<2x3x10240x128xf32, #tpu.memory_space<hbm>> -> memref<1x1x128x128xf32, #tpu.memory_space<hbm>>
      %dma_wait3A_487 = tpu.memref_squeeze %dma_wait3A_486 : memref<1x1x128x128xf32, #tpu.memory_space<hbm>> -> memref<128x128xf32, #tpu.memory_space<hbm>>
      tpu.wait_dma2 semaphore(%run_scoped3A_475 : memref<!tpu.dma_semaphore, #tpu.memory_space<semaphore_mem>>) src(%arg10 : memref<128x128xf32, #tpu.memory_space<vmem>>) dst(%dma_wait3A_487 : memref<128x128xf32, #tpu.memory_space<hbm>>)
      tpu.yield
    }) : () -> ()
    %add3A_455 = arith.constant 512 : i32
    %add3A_456 = arith.addi %mul3A_2, %add3A_455 : i32
    %dma_wait3A_457 = arith.constant 0 : i32
    %dma_wait3A_458 = tpu.memref_slice %arg13[%add3A_456, %dma_wait3A_457] : memref<10240x128xf32, #tpu.memory_space<vmem_shared>> -> memref<128x128xf32, #tpu.memory_space<vmem_shared>>
    %dma_wait3A_459 = arith.constant 0 : i32
    %dma_wait3A_460 = tpu.memref_slice %arg13[%add3A_456, %dma_wait3A_459] : memref<10240x128xf32, #tpu.memory_space<vmem_shared>> -> memref<128x128xf32, #tpu.memory_space<vmem_shared>>
    tpu.wait_dma2 semaphore(%arg15 : memref<!tpu.dma_semaphore, #tpu.memory_space<semaphore_mem>>) src(%dma_wait3A_460 : memref<128x128xf32, #tpu.memory_space<vmem_shared>>) dst(%arg9 : memref<128x128xf32, #tpu.memory_space<vmem>>)
    %add3A_461 = arith.constant 512 : i32
    %add3A_462 = arith.addi %mul3A_2, %add3A_461 : i32
    %run_scoped3A_463 = arith.constant 2 : i32
    "tpu.region"() ({
      %run_scoped3A_475 = tpu.sem_alloc : memref<!tpu.dma_semaphore, #tpu.memory_space<semaphore_mem>>
      %dma_start3A_476 = arith.constant 0 : i32
      %dma_start3A_477 = tpu.memref_slice %arg4[%arg0, %run_scoped3A_463, %add3A_462, %dma_start3A_476] : memref<2x3x10240x128xf32, #tpu.memory_space<hbm>> -> memref<1x1x128x128xf32, #tpu.memory_space<hbm>>
      %dma_start3A_478 = tpu.memref_squeeze %dma_start3A_477 : memref<1x1x128x128xf32, #tpu.memory_space<hbm>> -> memref<128x128xf32, #tpu.memory_space<hbm>>
      %dma_start3A_479 = arith.constant 0 : i32
      %dma_start3A_480 = tpu.memref_slice %arg4[%arg0, %run_scoped3A_463, %add3A_462, %dma_start3A_479] : memref<2x3x10240x128xf32, #tpu.memory_space<hbm>> -> memref<1x1x128x128xf32, #tpu.memory_space<hbm>>
      %dma_start3A_481 = tpu.memref_squeeze %dma_start3A_480 : memref<1x1x128x128xf32, #tpu.memory_space<hbm>> -> memref<128x128xf32, #tpu.memory_space<hbm>>
      tpu.enqueue_dma source(%arg9 : memref<128x128xf32, #tpu.memory_space<vmem>>) target(%dma_start3A_481 : memref<128x128xf32, #tpu.memory_space<hbm>>) target_semaphore(%run_scoped3A_475 : memref<!tpu.dma_semaphore, #tpu.memory_space<semaphore_mem>>)
      %dma_wait3A_482 = arith.constant 0 : i32
      %dma_wait3A_483 = tpu.memref_slice %arg4[%arg0, %run_scoped3A_463, %add3A_462, %dma_wait3A_482] : memref<2x3x10240x128xf32, #tpu.memory_space<hbm>> -> memref<1x1x128x128xf32, #tpu.memory_space<hbm>>
      %dma_wait3A_484 = tpu.memref_squeeze %dma_wait3A_483 : memref<1x1x128x128xf32, #tpu.memory_space<hbm>> -> memref<128x128xf32, #tpu.memory_space<hbm>>
      %dma_wait3A_485 = arith.constant 0 : i32
      %dma_wait3A_486 = tpu.memref_slice %arg4[%arg0, %run_scoped3A_463, %add3A_462, %dma_wait3A_485] : memref<2x3x10240x128xf32, #tpu.memory_space<hbm>> -> memref<1x1x128x128xf32, #tpu.memory_space<hbm>>
      %dma_wait3A_487 = tpu.memref_squeeze %dma_wait3A_486 : memref<1x1x128x128xf32, #tpu.memory_space<hbm>> -> memref<128x128xf32, #tpu.memory_space<hbm>>
      tpu.wait_dma2 semaphore(%run_scoped3A_475 : memref<!tpu.dma_semaphore, #tpu.memory_space<semaphore_mem>>) src(%arg9 : memref<128x128xf32, #tpu.memory_space<vmem>>) dst(%dma_wait3A_487 : memref<128x128xf32, #tpu.memory_space<hbm>>)
      tpu.yield
    }) : () -> ()
    %dma_wait3A_464 = tpu.memref_slice %arg14[%mul3A_2] : memref<10240xf32, #tpu.memory_space<vmem_shared>> -> memref<640xf32, #tpu.memory_space<vmem_shared>>
    %dma_wait3A_465 = tpu.memref_slice %arg14[%mul3A_2] : memref<10240xf32, #tpu.memory_space<vmem_shared>> -> memref<640xf32, #tpu.memory_space<vmem_shared>>
    tpu.wait_dma2 semaphore(%arg19 : memref<!tpu.dma_semaphore, #tpu.memory_space<semaphore_mem>>) src(%dma_wait3A_465 : memref<640xf32, #tpu.memory_space<vmem_shared>>) dst(%arg12 : memref<640xf32, #tpu.memory_space<vmem>>)
    %mul3A_466 = arith.constant 3 : i32
    %mul3A_467 = arith.muli %arg0, %mul3A_466 : i32
    %add3A_468 = arith.constant 2 : i32
    %add3A_469 = arith.addi %mul3A_467, %add3A_468 : i32
    %mul3A_470 = arith.constant 16 : i32
    %mul3A_471 = arith.muli %add3A_469, %mul3A_470 : i32
    %add3A_472 = arith.addi %mul3A_471, %arg1 : i32
    %mul3A_473 = arith.constant 640 : i32
    %mul3A_474 = arith.muli %add3A_472, %mul3A_473 : i32
    "tpu.region"() ({
      %run_scoped3A_475 = tpu.sem_alloc : memref<!tpu.dma_semaphore, #tpu.memory_space<semaphore_mem>>
      %dma_start3A_476 = tpu.memref_slice %arg5[%mul3A_474] : memref<61440xf32, #tpu.memory_space<hbm>> -> memref<640xf32, #tpu.memory_space<hbm>>
      %dma_start3A_477 = tpu.memref_slice %arg5[%mul3A_474] : memref<61440xf32, #tpu.memory_space<hbm>> -> memref<640xf32, #tpu.memory_space<hbm>>
      tpu.enqueue_dma source(%arg12 : memref<640xf32, #tpu.memory_space<vmem>>) target(%dma_start3A_477 : memref<640xf32, #tpu.memory_space<hbm>>) target_semaphore(%run_scoped3A_475 : memref<!tpu.dma_semaphore, #tpu.memory_space<semaphore_mem>>)
      %dma_wait3A_478 = tpu.memref_slice %arg5[%mul3A_474] : memref<61440xf32, #tpu.memory_space<hbm>> -> memref<640xf32, #tpu.memory_space<hbm>>
      %dma_wait3A_479 = tpu.memref_slice %arg5[%mul3A_474] : memref<61440xf32, #tpu.memory_space<hbm>> -> memref<640xf32, #tpu.memory_space<hbm>>
      tpu.wait_dma2 semaphore(%run_scoped3A_475 : memref<!tpu.dma_semaphore, #tpu.memory_space<semaphore_mem>>) src(%arg12 : memref<640xf32, #tpu.memory_space<vmem>>) dst(%dma_wait3A_479 : memref<640xf32, #tpu.memory_space<hbm>>)
      tpu.yield
    }) : () -> ()
    return
  }
}

module attributes {stable_mosaic.version = 14 : i64} {
  func.func @_tc_body(%arg0: i32, %arg1: memref<2x3x2048x128xf32, #tpu.memory_space<vmem>>, %arg2: memref<6x2048xf32, #tpu.memory_space<vmem>>, %arg3: memref<3x128x128xf32, #tpu.memory_space<vmem>>, %arg4: memref<1x128xf32, #tpu.memory_space<vmem>>, %arg5: memref<2048x128xf32, #tpu.memory_space<vmem>>) attributes {dimension_semantics = [#tpu.dimension_semantics<arbitrary>], iteration_bounds = array<i64: 5>, scalar_prefetch = 0 : i64, scratch_operands = 0 : i64, tpu.core_type = #tpu.core_type<tc>, window_params = [{transform_indices = @transform_0, window_bounds = array<i64: 2, 3, 2048, 128>}, {transform_indices = @transform_1, window_bounds = array<i64: 6, 2048>}, {pipeline_mode = #tpu.pipeline_mode<synchronous>, transform_indices = @transform_2, window_bounds = array<i64: 3, 128, 128>}, {pipeline_mode = #tpu.pipeline_mode<synchronous>, transform_indices = @transform_3, window_bounds = array<i64: 1, 128>}, {transform_indices = @transform_4, window_bounds = array<i64: 2048, 128>}]} {
    %get3A = arith.constant 0 : index
    %get3A_0 = arith.constant 0 : index
    %get3A_1 = vector.load %arg4[%get3A, %get3A_0] : memref<1x128xf32, #tpu.memory_space<vmem>>, vector<1x128xf32>
    %get3A_2 = vector.shape_cast %get3A_1 : vector<1x128xf32> to vector<128xf32>
    %broadcast_in_dim3A = vector.shape_cast %get3A_2 : vector<128xf32> to vector<1x128xf32>
    %broadcast_in_dim3A_3 = vector.shape_cast %broadcast_in_dim3A : vector<1x128xf32> to vector<1x128xf32>
    %broadcast_in_dim3A_4 = vector.broadcast %broadcast_in_dim3A_3 : vector<1x128xf32> to vector<2048x128xf32>
    %get3A_5 = arith.constant 0 : index
    %get3A_6 = arith.constant 0 : index
    %get3A_7 = arith.constant 0 : index
    %get3A_8 = arith.constant 0 : index
    %get3A_9 = vector.load %arg1[%get3A_5, %get3A_6, %get3A_7, %get3A_8] : memref<2x3x2048x128xf32, #tpu.memory_space<vmem>>, vector<1x1x2048x128xf32>
    %get3A_10 = vector.shape_cast %get3A_9 : vector<1x1x2048x128xf32> to vector<2048x128xf32>
    %get3A_11 = arith.constant 1 : index
    %get3A_12 = arith.constant 0 : index
    %get3A_13 = arith.constant 0 : index
    %get3A_14 = arith.constant 0 : index
    %get3A_15 = vector.load %arg1[%get3A_11, %get3A_12, %get3A_13, %get3A_14] : memref<2x3x2048x128xf32, #tpu.memory_space<vmem>>, vector<1x1x2048x128xf32>
    %get3A_16 = vector.shape_cast %get3A_15 : vector<1x1x2048x128xf32> to vector<2048x128xf32>
    %add3A = arith.addf %get3A_10, %get3A_16 : vector<2048x128xf32>
    %get3A_17 = arith.constant 0 : index
    %get3A_18 = arith.constant 0 : index
    %get3A_19 = vector.load %arg2[%get3A_17, %get3A_18] : memref<6x2048xf32, #tpu.memory_space<vmem>>, vector<1x2048xf32>
    %get3A_20 = vector.shape_cast %get3A_19 : vector<1x2048xf32> to vector<2048xf32>
    %get3A_21 = arith.constant 3 : index
    %get3A_22 = arith.constant 0 : index
    %get3A_23 = vector.load %arg2[%get3A_21, %get3A_22] : memref<6x2048xf32, #tpu.memory_space<vmem>>, vector<1x2048xf32>
    %get3A_24 = vector.shape_cast %get3A_23 : vector<1x2048xf32> to vector<2048xf32>
    %add3A_25 = arith.addf %get3A_20, %get3A_24 : vector<2048xf32>
    %max3A = arith.constant 1.000000e+00 : f32
    %max3A_26 = vector.broadcast %max3A : f32 to vector<2048xf32>
    %max3A_27 = arith.maximumf %add3A_25, %max3A_26 : vector<2048xf32>
    %reshape3A = vector.shape_cast %max3A_27 : vector<2048xf32> to vector<2048x1xf32>
    %div3A = vector.broadcast %reshape3A : vector<2048x1xf32> to vector<2048x128xf32>
    %div3A_28 = arith.divf %add3A, %div3A : vector<2048x128xf32>
    %get3A_29 = arith.constant 0 : index
    %get3A_30 = arith.constant 0 : index
    %get3A_31 = arith.constant 0 : index
    %get3A_32 = vector.load %arg3[%get3A_29, %get3A_30, %get3A_31] : memref<3x128x128xf32, #tpu.memory_space<vmem>>, vector<1x128x128xf32>
    %get3A_33 = vector.shape_cast %get3A_32 : vector<1x128x128xf32> to vector<128x128xf32>
    %dot_general3A = arith.constant dense<0.000000e+00> : vector<2048x128xf32>
    %dot_general3A_34 = tpu.matmul %div3A_28, %get3A_33, %dot_general3A {dimension_numbers = #tpu.dot_dimension_numbers<[1], [0], [0], [1], [0, 0, 1, 1], [], []>, transpose_lhs_hint = false} : vector<2048x128xf32>, vector<128x128xf32>, vector<2048x128xf32> -> vector<2048x128xf32>
    %add3A_35 = arith.addf %broadcast_in_dim3A_4, %dot_general3A_34 : vector<2048x128xf32>
    %get3A_36 = arith.constant 0 : index
    %get3A_37 = arith.constant 1 : index
    %get3A_38 = arith.constant 0 : index
    %get3A_39 = arith.constant 0 : index
    %get3A_40 = vector.load %arg1[%get3A_36, %get3A_37, %get3A_38, %get3A_39] : memref<2x3x2048x128xf32, #tpu.memory_space<vmem>>, vector<1x1x2048x128xf32>
    %get3A_41 = vector.shape_cast %get3A_40 : vector<1x1x2048x128xf32> to vector<2048x128xf32>
    %get3A_42 = arith.constant 1 : index
    %get3A_43 = arith.constant 1 : index
    %get3A_44 = arith.constant 0 : index
    %get3A_45 = arith.constant 0 : index
    %get3A_46 = vector.load %arg1[%get3A_42, %get3A_43, %get3A_44, %get3A_45] : memref<2x3x2048x128xf32, #tpu.memory_space<vmem>>, vector<1x1x2048x128xf32>
    %get3A_47 = vector.shape_cast %get3A_46 : vector<1x1x2048x128xf32> to vector<2048x128xf32>
    %add3A_48 = arith.addf %get3A_41, %get3A_47 : vector<2048x128xf32>
    %get3A_49 = arith.constant 1 : index
    %get3A_50 = arith.constant 0 : index
    %get3A_51 = vector.load %arg2[%get3A_49, %get3A_50] : memref<6x2048xf32, #tpu.memory_space<vmem>>, vector<1x2048xf32>
    %get3A_52 = vector.shape_cast %get3A_51 : vector<1x2048xf32> to vector<2048xf32>
    %get3A_53 = arith.constant 4 : index
    %get3A_54 = arith.constant 0 : index
    %get3A_55 = vector.load %arg2[%get3A_53, %get3A_54] : memref<6x2048xf32, #tpu.memory_space<vmem>>, vector<1x2048xf32>
    %get3A_56 = vector.shape_cast %get3A_55 : vector<1x2048xf32> to vector<2048xf32>
    %add3A_57 = arith.addf %get3A_52, %get3A_56 : vector<2048xf32>
    %max3A_58 = arith.constant 1.000000e+00 : f32
    %max3A_59 = vector.broadcast %max3A_58 : f32 to vector<2048xf32>
    %max3A_60 = arith.maximumf %add3A_57, %max3A_59 : vector<2048xf32>
    %reshape3A_61 = vector.shape_cast %max3A_60 : vector<2048xf32> to vector<2048x1xf32>
    %div3A_62 = vector.broadcast %reshape3A_61 : vector<2048x1xf32> to vector<2048x128xf32>
    %div3A_63 = arith.divf %add3A_48, %div3A_62 : vector<2048x128xf32>
    %get3A_64 = arith.constant 1 : index
    %get3A_65 = arith.constant 0 : index
    %get3A_66 = arith.constant 0 : index
    %get3A_67 = vector.load %arg3[%get3A_64, %get3A_65, %get3A_66] : memref<3x128x128xf32, #tpu.memory_space<vmem>>, vector<1x128x128xf32>
    %get3A_68 = vector.shape_cast %get3A_67 : vector<1x128x128xf32> to vector<128x128xf32>
    %dot_general3A_69 = arith.constant dense<0.000000e+00> : vector<2048x128xf32>
    %dot_general3A_70 = tpu.matmul %div3A_63, %get3A_68, %dot_general3A_69 {dimension_numbers = #tpu.dot_dimension_numbers<[1], [0], [0], [1], [0, 0, 1, 1], [], []>, transpose_lhs_hint = false} : vector<2048x128xf32>, vector<128x128xf32>, vector<2048x128xf32> -> vector<2048x128xf32>
    %add3A_71 = arith.addf %add3A_35, %dot_general3A_70 : vector<2048x128xf32>
    %get3A_72 = arith.constant 0 : index
    %get3A_73 = arith.constant 2 : index
    %get3A_74 = arith.constant 0 : index
    %get3A_75 = arith.constant 0 : index
    %get3A_76 = vector.load %arg1[%get3A_72, %get3A_73, %get3A_74, %get3A_75] : memref<2x3x2048x128xf32, #tpu.memory_space<vmem>>, vector<1x1x2048x128xf32>
    %get3A_77 = vector.shape_cast %get3A_76 : vector<1x1x2048x128xf32> to vector<2048x128xf32>
    %get3A_78 = arith.constant 1 : index
    %get3A_79 = arith.constant 2 : index
    %get3A_80 = arith.constant 0 : index
    %get3A_81 = arith.constant 0 : index
    %get3A_82 = vector.load %arg1[%get3A_78, %get3A_79, %get3A_80, %get3A_81] : memref<2x3x2048x128xf32, #tpu.memory_space<vmem>>, vector<1x1x2048x128xf32>
    %get3A_83 = vector.shape_cast %get3A_82 : vector<1x1x2048x128xf32> to vector<2048x128xf32>
    %add3A_84 = arith.addf %get3A_77, %get3A_83 : vector<2048x128xf32>
    %get3A_85 = arith.constant 2 : index
    %get3A_86 = arith.constant 0 : index
    %get3A_87 = vector.load %arg2[%get3A_85, %get3A_86] : memref<6x2048xf32, #tpu.memory_space<vmem>>, vector<1x2048xf32>
    %get3A_88 = vector.shape_cast %get3A_87 : vector<1x2048xf32> to vector<2048xf32>
    %get3A_89 = arith.constant 5 : index
    %get3A_90 = arith.constant 0 : index
    %get3A_91 = vector.load %arg2[%get3A_89, %get3A_90] : memref<6x2048xf32, #tpu.memory_space<vmem>>, vector<1x2048xf32>
    %get3A_92 = vector.shape_cast %get3A_91 : vector<1x2048xf32> to vector<2048xf32>
    %add3A_93 = arith.addf %get3A_88, %get3A_92 : vector<2048xf32>
    %max3A_94 = arith.constant 1.000000e+00 : f32
    %max3A_95 = vector.broadcast %max3A_94 : f32 to vector<2048xf32>
    %max3A_96 = arith.maximumf %add3A_93, %max3A_95 : vector<2048xf32>
    %reshape3A_97 = vector.shape_cast %max3A_96 : vector<2048xf32> to vector<2048x1xf32>
    %div3A_98 = vector.broadcast %reshape3A_97 : vector<2048x1xf32> to vector<2048x128xf32>
    %div3A_99 = arith.divf %add3A_84, %div3A_98 : vector<2048x128xf32>
    %get3A_100 = arith.constant 2 : index
    %get3A_101 = arith.constant 0 : index
    %get3A_102 = arith.constant 0 : index
    %get3A_103 = vector.load %arg3[%get3A_100, %get3A_101, %get3A_102] : memref<3x128x128xf32, #tpu.memory_space<vmem>>, vector<1x128x128xf32>
    %get3A_104 = vector.shape_cast %get3A_103 : vector<1x128x128xf32> to vector<128x128xf32>
    %dot_general3A_105 = arith.constant dense<0.000000e+00> : vector<2048x128xf32>
    %dot_general3A_106 = tpu.matmul %div3A_99, %get3A_104, %dot_general3A_105 {dimension_numbers = #tpu.dot_dimension_numbers<[1], [0], [0], [1], [0, 0, 1, 1], [], []>, transpose_lhs_hint = false} : vector<2048x128xf32>, vector<128x128xf32>, vector<2048x128xf32> -> vector<2048x128xf32>
    %add3A_107 = arith.addf %add3A_71, %dot_general3A_106 : vector<2048x128xf32>
    %swap3A = arith.constant 0 : index
    %swap3A_108 = arith.constant 0 : index
    %swap3A_109 = vector.load %arg5[%swap3A, %swap3A_108] : memref<2048x128xf32, #tpu.memory_space<vmem>>, vector<2048x128xf32>
    tpu.vector_store %arg5[%swap3A, %swap3A_108], %add3A_107 {strides = array<i32>} : memref<2048x128xf32, #tpu.memory_space<vmem>>, vector<2048x128xf32>,
    return
  }
  func.func @transform_0(%arg0: i32) -> (i32, i32, i32, i32) {
    %c0_i32 = arith.constant 0 : i32
    %c0_i32_0 = arith.constant 0 : i32
    %c0_i32_1 = arith.constant 0 : i32
    %c0_i32_2 = arith.constant 0 : i32
    return %c0_i32, %c0_i32_0, %arg0, %c0_i32_1 : i32, i32, i32, i32
  }
  func.func @transform_1(%arg0: i32) -> (i32, i32) {
    %c0_i32 = arith.constant 0 : i32
    %c0_i32_0 = arith.constant 0 : i32
    return %c0_i32, %arg0 : i32, i32
  }
  func.func @transform_2(%arg0: i32) -> (i32, i32, i32) {
    %c0_i32 = arith.constant 0 : i32
    %c0_i32_0 = arith.constant 0 : i32
    %c0_i32_1 = arith.constant 0 : i32
    %c0_i32_2 = arith.constant 0 : i32
    return %c0_i32, %c0_i32_0, %c0_i32_1 : i32, i32, i32
  }
  func.func @transform_3(%arg0: i32) -> (i32, i32) {
    %c0_i32 = arith.constant 0 : i32
    %c0_i32_0 = arith.constant 0 : i32
    %c0_i32_1 = arith.constant 0 : i32
    return %c0_i32, %c0_i32_0 : i32, i32
  }
  func.func @transform_4(%arg0: i32) -> (i32, i32) {
    %c0_i32 = arith.constant 0 : i32
    %c0_i32_0 = arith.constant 0 : i32
    return %arg0, %c0_i32 : i32, i32
  }
}

</mosaic_0001>

<sc_bundles>
// kernel: kernel.4.cloned.1.call-start
scs
__scs_entry_jumppad:
0x0: {  	(pc) =	sbr.rel $0x88, $3  }
0x1: {  	(tag) =	ssettag $0x0;
	lr =	simm.s32 $0x1  }
0x2: {  	[smem:$0x3F9B] =	sst lr;
	_ =	strace $0xD0000000  }
0x3: {  	_ = 	snop  }
0x4: {  	_ = 	snop  }
0x5: {  	_ = 	snop  }
0x6: {  	_ = 	snop  }
0x7: {  	_ = 	snop  }
__scs_overlays_trampoline_lowered:
0x8: {  	[smem:$0x3FAA] =	sst s0  }
0x9: {  	[smem:$0x3FAB] =	sst s1  }
0xa: {  	[smem:$0x3FAC] =	sst s2  }
0xb: {  	[smem:$0x3FAD] =	sst s3  }
0xc: {  	[smem:$0x3FAE] =	sst s4  }
0xd: {  	[smem:$0x3FAF] =	sst s5  }
0xe: {  	[smem:$0x3FB0] =	sst s6  }
0xf: {  	[smem:$0x3FB1] =	sst s7  }
0x10: {  	[smem:$0x3FB2] =	sst s8  }
0x11: {  	[smem:$0x3FB3] =	sst s9;
	s0 =	simm.s32 @!p0 $0x0  }
0x12: {  	s1 =	sld [smem:$0x3F99];
	s0 =	simm.s32 @p0 $0x1  }
0x13: {  	[smem:$0x3FB4] =	sst s0;
	s0 =	simm.s32 @!p1 $0x0  }
0x14: {  	s2 =	sld [smem:$0x3F98];
	s0 =	simm.s32 @p1 $0x1  }
0x15: {  	[smem:$0x3FB5] =	sst s0;
	s0 =	simm.s32 @!p2 $0x0  }
0x16: {  	s3 =	sld [smem:$0x3FDB];
	s0 =	simm.s32 @p2 $0x1  }
0x17: {  	s4 =	simm.s32 $0x1BF5;
	[smem:$0x3FB7] =	sst s0  }
0x18: {  	s0 =	sld [smem:$0x3F9A];
	_ =	swait.ge [sflag:s4], $0x0  }
0x19: {  	s7 =	sld [smem:$0x3F9B]  }
0x1a: {  	s8 =	sadd.s32 $0xFFFFE003, lr  }
0x1b: {  	s9 =	sadd.s32 $0xFFFFFEF7, lr;
	s5 =	simm.s32 $0xFFFFFFFF;
	p2 =	slt.u32 s8, $0xFFFFF086  }
0x1c: {  	p1 =	slt.u32 s9, $0xF7A;
	s5 =	simm.s32 @!p2 $0x0  }
0x1d: {  	s5 =	simm.s32 @p1 $0x1;
	p0 =	seq.s32 s7, s2  }
0x1e: {  	s7 =	smul.u32 @!p0 $0xF7A, s2;
	p2 =	seq.s32 @!p0 s5, $0x0  }
0x1f: {  	s9 =	smul.u32 $0xF7A, s1;
	s8 =	simm.s32 @!p0 $0x1BF5;
	p2 =	por !p2, p0  }
0x20: {  	[sflag:s8] =	ssyncset.s32 @!p0 $0xFFFFF086;
	s6 =	sadd.s32 @!p0 s3, s7;
	s7 =	simm.s32 @!p0 $0x108  }
0x21: {  	s3 =	sadd.s32 s3, s9;
	s6 =	sadd.s32 @!p0 $0x88, s6;
	s7 =	simm.s32 @p2 $0x1082  }
0x22: {  	[simem:s7], [sflag:s8] =	dma.local @!p0 [hbm:s6], $0xF7A  }
0x23: {  	s9 =	sor.u32 $0xD0000000, s2;
	s6 =	simm.s32 $0x108;
	_ =	swait.ge @!p0 [sflag:s8], $0x0  }
0x24: {  	s3 =	sadd.s32 $0x88, s3;
	s6 =	simm.s32 @!p1 $0x1082;
	[sflag:s4] =	ssyncset.s32 $0xFFFFF086  }
0x25: {  	[simem:s6], [sflag:s4] =	dma.local [hbm:s3], $0xF7A  }
0x26: {  	[smem:$0x3F9B] =	sst s1;
	(tag) =	ssettag s2;
	_ =	strace s9  }
0x27: {  	s1 =	sld [smem:$0x3FAB]  }
0x28: {  	s2 =	sld [smem:$0x3FAC]  }
0x29: {  	s4 =	sld [smem:$0x3FAE]  }
0x2a: {  	p0 =	seq.s32 s5, $0x0;
	s5 =	sld [smem:$0x3FAF]  }
0x2b: {  	s6 =	sld [smem:$0x3FB0]  }
0x2c: {  	s7 =	sld [smem:$0x3FB1]  }
0x2d: {  	s3 =	simm.s32 $0x108;
	s8 =	sld [smem:$0x3FB2]  }
0x2e: {  	s3 =	simm.s32 @!p0 $0x1082;
	s9 =	sld [smem:$0x3FB3]  }
0x2f: {  	lr =	sadd.s32 s0, s3;
	s0 =	sld [smem:$0x3FAA]  }
0x30: {  	s3 =	sld [smem:$0x3FAD]  }
0x31: {  	[smem:$0x3FB6] =	sst s10  }
0x32: {  	s10 =	sld [smem:$0x3FB4];
	_ =	sdelay $0x3  }
0x33: {  	p0 =	seq.s32 s10, $0x1;
	s10 =	sld [smem:$0x3FB6];
	_ =	sdelay $0x3  }
0x34: {  	[smem:$0x3FB6] =	sst s10  }
0x35: {  	s10 =	sld [smem:$0x3FB5];
	_ =	sdelay $0x3  }
0x36: {  	p1 =	seq.s32 s10, $0x1;
	s10 =	sld [smem:$0x3FB6];
	_ =	sdelay $0x3  }
0x37: {  	[smem:$0x3FB6] =	sst s10  }
0x38: {  	s10 =	sld [smem:$0x3FB7]  }
0x39: {  	_ = 	snop;
	(pc) =	sbr.ind lr, $3  }
0x3a: {  	_ = 	snop  }
0x3b: {  	_ = 	snop  }
0x3c: {  	p2 =	seq.s32 s10, $0x1;
	s10 =	sld [smem:$0x3FB6]  }
0x3d: {  	_ =	shalt  }
0x3e: {  	_ =	shalt  }
0x3f: {  	_ =	shalt  }
0x40: {  	_ =	shalt  }
0x41: {  	_ =	shalt  }
0x42: {  	_ =	shalt  }
0x43: {  	_ =	shalt  }
0x44: {  	_ =	shalt  }
0x45: {  	_ =	shalt  }
0x46: {  	_ =	shalt  }
0x47: {  	_ =	shalt  }
0x48: {  	_ =	shalt  }
0x49: {  	_ =	shalt  }
0x4a: {  	_ =	shalt  }
0x4b: {  	_ =	shalt  }
0x4c: {  	_ =	shalt  }
0x4d: {  	_ =	shalt  }
0x4e: {  	_ =	shalt  }
0x4f: {  	_ =	shalt  }
0x50: {  	_ =	shalt  }
0x51: {  	_ =	shalt  }
0x52: {  	_ =	shalt  }
0x53: {  	_ =	shalt  }
0x54: {  	_ =	shalt  }
0x55: {  	_ =	shalt  }
0x56: {  	_ =	shalt  }
0x57: {  	_ =	shalt  }
0x58: {  	_ =	shalt  }
0x59: {  	_ =	shalt  }
0x5a: {  	_ =	shalt  }
0x5b: {  	_ =	shalt  }
0x5c: {  	_ =	shalt  }
0x5d: {  	_ =	shalt  }
0x5e: {  	_ =	shalt  }
0x5f: {  	_ =	shalt  }
0x60: {  	_ =	shalt  }
0x61: {  	_ =	shalt  }
0x62: {  	_ =	shalt  }
0x63: {  	_ =	shalt  }
0x64: {  	_ =	shalt  }
0x65: {  	_ =	shalt  }
0x66: {  	_ =	shalt  }
0x67: {  	_ =	shalt  }
0x68: {  	_ =	shalt  }
0x69: {  	_ =	shalt  }
0x6a: {  	_ =	shalt  }
0x6b: {  	_ =	shalt  }
0x6c: {  	_ =	shalt  }
0x6d: {  	_ =	shalt  }
0x6e: {  	_ =	shalt  }
0x6f: {  	_ =	shalt  }
0x70: {  	_ =	shalt  }
0x71: {  	_ =	shalt  }
0x72: {  	_ =	shalt  }
0x73: {  	_ =	shalt  }
0x74: {  	_ =	shalt  }
0x75: {  	_ =	shalt  }
0x76: {  	_ =	shalt  }
0x77: {  	_ =	shalt  }
0x78: {  	_ =	shalt  }
0x79: {  	_ =	shalt  }
0x7a: {  	_ =	shalt  }
0x7b: {  	_ =	shalt  }
0x7c: {  	_ =	shalt  }
0x7d: {  	_ =	shalt  }
0x7e: {  	_ =	shalt  }
0x7f: {  	_ =	shalt  }
0x80: {  	_ =	shalt  }
0x81: {  	_ =	shalt  }
0x82: {  	_ =	shalt  }
0x83: {  	_ =	shalt  }
0x84: {  	_ =	shalt  }
0x85: {  	_ =	shalt  }
0x86: {  	_ =	shalt  }
0x87: {  	_ =	shalt  }
.Lfunc_end0:
.L_simem_size_0:
called_computation_lowered:
.L_overlay_start_0:
0x88: {  	s2 =	sld [smem:$0x3FD9]  }
0x89: {  	s3 =	sld [smem:$0x3FFE];
	_ =	sdelay $0x1  }
0x8a: {  	s1 =	srdreg.scid  }
0x8b: {  	s0 =	sand.u32 $0x1, s1  }
0x8c: {  	s17 =	sshll.u32 s0, $0xA;
	s2 =	sadd.s32 s3, s2  }
0x8d: {  	s2 =	sadd.s32 s2, s17  }
0x8e: {  	[smem:$0x3FC2] =	sst s2  }
0x8f: {  	_ = 	snop  }
0x90: {  	s2 =	sld [smem:$0x3FC9]  }
0x91: {  	s18 =	sld [smem:$0x3FD0];
	(tm) =	ssettm $0x1  }
0x92: {  	s4 =	sld [smem:$0x3FFB];
	_ =	sdelay $0x3  }
0x93: {  	_ =	strace s4  }
0x94: {  	s4 =	sld [smem:$0x3FFC];
	_ =	sdelay $0x3  }
0x95: {  	_ =	strace s4  }
0x96: {  	s4 =	sld [smem:$0x3FFD];
	_ =	sdelay $0x3  }
0x97: {  	_ =	strace s4  }
0x98: {  	_ =	strace $0x8FFFFFFF  }
0x99: {  	s19 =	sld [smem:$0x3FDB];
	_ =	sdelay $0x1  }
0x9a: {  	s5 =	simm.s32 $_scs_section_size  }
0x9b: {  	s6 =	simm.s32 $_size__tile_overlayer_lowered;
	s7 =	simm.s32 $_tile_overlayer_lowered  }
0x9c: {  	s22 =	simm.s32 $0x1BFF;
	s21 =	sshll.u32 s7, $0x1;
	s4 =	sadd.s32 s5, s19  }
0x9d: {  	s8 =	simm.s32 $0x0;
	s20 =	sshll.u32 s6, $0x1;
	s6 =	sadd.s32 s21, s4  }
0x9e: {  	[timem:s8], [sflag:s22] =	dma.local [hbm:s6], s20  }
0x9f: {  	_ =	swait.ge [sflag:s22], s20  }
0xa0: {  	s5 =	ssub.s32 $0x0, s20;
	[sflag:s22] =	ssyncset.done $0x0  }
0xa1: {  	[sflag:s22] =	ssyncadd.s32 s5;
	_ =	sdelay $0x1  }
0xa2: {  	s23 =	simm.s32 $0x1B8B  }
0xa3: {  	_ =	swait.ge [sflag:s23], $0x1  }
0xa4: {  	[sflag:s23] =	ssyncset.done $0x0  }
0xa5: {  	s25 =	simm.s32 $0x1B8E;
	s24 =	sld [smem:$0x3FFE];
	[sflag:s23] =	ssyncadd.s32 $0xFFFFFFFF  }
0xa6: {  	s26 =	simm.s32 $execute0_lowered;
	[smem:$0x3FD2] =	sst s25  }
0xa7: {  	s6 =	sshll.u32 s26, $0x1;
	_ =	strace $0x80000046;
	[dreg:$0x1] =	wrdreg $0xFFFFFFFF  }
0xa8: {  	s28 =	simm.s32 $_size_execute0_lowered;
	s4 =	sadd.s32 s4, s6;
	[dreg:$0x0] =	wrdreg $0x0  }
0xa9: {  	s6 =	sshll.u32 s28, $0x1;
	[dreg:$0x2] =	wrdreg s4  }
0xaa: {  	[dreg:$0x3] =	wrdreg s6  }
0xab: {  	[dreg:$0x4] =	wrdreg $0xC0  }
0xac: {  	_ =	task [dreg:s8], $0x5FFFF  }
0xad: {  	[dreg:$0x1] =	wrdreg $0xFFFFFFFF  }
0xae: {  	[dreg:$0x0] =	wrdreg $0x60  }
0xaf: {  	[dreg:$0x2] =	wrdreg s2  }
0xb0: {  	[dreg:$0x3] =	wrdreg s18  }
0xb1: {  	[dreg:$0x4] =	wrdreg s24  }
0xb2: {  	[dreg:$0x5] =	wrdreg $0xB3000  }
0xb3: {  	[dreg:$0x6] =	wrdreg $0x1F3000  }
0xb4: {  	[dreg:$0x7] =	wrdreg $0x9  }
0xb5: {  	_ =	task.clear_ibuf [dreg:s8], $0x8FFFF;
	_ =	strace $0x90000046  }
0xb6: {  	s29 =	simm.s32 $0x9;
	_ =	strace $0x80000048  }
0xb7: {  	_ =	swait.ge [sflag:s29], $0x1  }
0xb8: {  	[sflag:s29] =	ssyncadd.s32 $0xFFFFFFFF  }
0xb9: {  	_ =	strace $0x90000048  }
0xba: {  	_ =	sfence  }
0xbb: {  	s30 =	sld [smem:$0x0];
	_ =	sdelay $0x2  }
0xbc: {  	s31 =	sshll.u32 s1, $0xD;
	s1 =	sshrl.u32 s1, $0x2  }
0xbd: {  	s3 =	sand.u32 $0x4000, s31;
	s1 =	sadd.s32 s1, s30  }
0xbe: {  	s0 =	sor.u32 s3, s0;
	s1 =	sshll.u32 s1, $0x11  }
0xbf: {  	s0 =	sor.u32 s1, s0  }
0xc0: {  	s0 =	sadd.s32 $0x8F2B, s0  }
0xc1: {  	[sflag:s0] =	ssyncadd.remote.s32 $0x1  }
0xc2: {  	_ =	sfence.sel $0xFFFF  }
0xc3: {  	[dreg:$0x0] =	wrdreg $0xFFFFFFFF;
	(pc) =	sbr.abs _section_cstart, $3  }
0xc4: {  	[dreg:$0x1] =	wrdreg $0xFFFFFFFF  }
0xc5: {  	_ =	task.clear_ibuf [dreg:s8], $0x2FFFF;
	_ =	strace $0x9FFFFFFF  }
0xc6: {  	(tm) =	ssettm $0x7FFFFFFF  }
0xc7: {  	_ =	shalt  }
tec
execute0_lowered:
.L_overlay_start_1:
0x0: {  	(tag) =	ssettag $0x1  }
0x1: {  	s0 =	rddreg [dreg:$0x0]  }
0x2: {  	s1 =	rddreg [dreg:$0x1]  }
0x3: {  	s2 =	srdreg.scid;
	s6 =	rddreg [dreg:$0x2]  }
0x4: {  	s3 =	rddreg [dreg:$0x3];
	s21 =	stileid.u32  }
0x5: {  	s4 =	rddreg [dreg:$0x4];
	s5 =	simm.s32 $0x0;
	s11 =	smul.u32 $0x280, s21  }
0x6: {  	s2 =	sand.u32 $0x1, s2;
	[smem:$0x7FF] =	sst s5;
	s10 =	smul.u32 $0x50000, s21  }
0x7: {  	s12 =	sadd.s32 $0x3200, s6;
	s7 =	smul.u32 $0x30, s2;
	s8 =	ssub.s32 $0x2, s2  }
0x8: {  	_ =	strace $0x80000047;
	s9 =	sshrl.u32 s8, $0x1;
	s19 =	sshll.u32 s11, $0x7  }
0x9: {  	s20 =	sshrl.u32 s10, $0x2;
	s7 =	sor.u32 s21, s7;
	s14 =	ssub.s32 s8, s9  }
0xa: {  	s15 =	sadd.s32 $0x4000, s19;
	s16 =	sadd.s32 $0x8000, s19;
	s17 =	sadd.s32 $0xC000, s19  }
0xb: {  	s18 =	sadd.s32 $0x10000, s19;
	s19 =	smul.u32 $0x3C0000, s2;
	s2 =	sshll.u32 s2, $0xD  }
0xc: {  	s7 =	smul.u32 $0x50, s7;
	s8 =	sadd.s32 s16, s3;
	s9 =	sadd.s32 s17, s3  }
0xd: {  	s10 =	sadd.s32 s18, s3;
	s24 =	sadd.s32 s19, s16;
	s25 =	sadd.s32 s19, s17  }
0xe: {  	s26 =	sadd.s32 s19, s18;
	s13 =	sadd.s32 s7, s6;
	s6 =	sadd.s32 s20, s3  }
0xf: {  	s7 =	sadd.s32 s15, s3;
	s20 =	smul.u32 $0x14000, s21;
	s21 =	sshll.u32 s21, $0x9  }
0x10: {  	s15 =	sadd.s32 s19, s15;
	s17 =	sshrl.u32 s26, $0x3;
	s2 =	sor.u32 s21, s2  }
0x11: {  	s23 =	sshrl.u32 s15, $0x3;
	s18 =	sadd.s32 $0x1400, s13;
	s26 =	sadd.s32 $0x1900, s13  }
0x12: {  	s15 =	sadd.s32 $0x1E00, s13;
	s20 =	sadd.s32 s20, s19;
	[dreg:$0xc] =	wrdreg s18  }
0x13: {  	s21 =	sadd.s32 s1, s2;
	s1 =	sshrl.u32 s24, $0x3;
	[dreg:$0x11] =	wrdreg s26  }
0x14: {  	s2 =	sshrl.u32 s25, $0x3;
	[dreg:$0x12] =	wrdreg s15;
	s16 =	sadd.s32 s12, s1  }
0x15: {  	s1 =	sadd.s32 s12, s2;
	s19 =	sadd.s32 $0x4000, s21;
	[dreg:$0x6] =	wrdreg s21  }
0x16: {  	s2 =	sadd.s32 s12, s17;
	s17 =	smax.u32 s14, $0x1;
	[dreg:$0xd] =	wrdreg s19  }
0x17: {  	s21 =	sadd.s32 $0x8000, s21;
	[dreg:$0x13] =	wrdreg s17  }
0x18: {  	s28 =	simm.s32 $0xB000;
	[dreg:$0x16] =	wrdreg s21  }
0x19: {  	s29 =	simm.s32 $0x2;
	s30 =	simm.s32 $0x3;
	[dreg:$0x9] =	wrdreg s16  }
0x1a: {  	s31 =	simm.s32 $0x4;
	s11 =	sadd.s32 s11, s4;
	[dreg:$0xa] =	wrdreg s1  }
0x1b: {  	s13 =	simm.s32 $0x5;
	s25 =	sadd.s32 $0x28000, s16;
	[dreg:$0xb] =	wrdreg s2  }
0x1c: {  	s22 =	sshrl.u32 s20, $0x3;
	s18 =	sadd.s32 $0x28000, s1;
	[dreg:$0x10] =	wrdreg s25  }
0x1d: {  	s14 =	simm.s32 $0x0;
	s19 =	sadd.s32 $0x28000, s2;
	[dreg:$0x14] =	wrdreg s18  }
0x1e: {  	s20 =	sadd.s32 s12, s22;
	s22 =	sadd.s32 s12, s23;
	[dreg:$0x15] =	wrdreg s19  }
0x1f: {  	s1 =	sadd.s32 $0x50000, s1;
	s26 =	sadd.s32 $0x50000, s2;
	[dreg:$0x7] =	wrdreg s20  }
0x20: {  	s21 =	simm.s32 $0xB080;
	s2 =	simm.s32 $0x1C00;
	[dreg:$0x8] =	wrdreg s22  }
0x21: {  	s12 =	simm.s32 $0x2C00;
	s23 =	sadd.s32 $0x28000, s20;
	[dreg:$0x1a] =	wrdreg s1  }
0x22: {  	s24 =	sadd.s32 $0x28000, s22;
	s25 =	sadd.s32 $0x50000, s16;
	[dreg:$0x1b] =	wrdreg s26  }
0x23: {  	s19 =	simm.s32 $0x3000;
	s26 =	simm.s32 $0x1;
	[dreg:$0xe] =	wrdreg s23  }
0x24: {  	s1 =	simm.s32 $0x2B00;
	s18 =	simm.s32 $0x2B80;
	[dreg:$0xf] =	wrdreg s24  }
0x25: {  	s23 =	sadd.s32 $0x50000, s20;
	s24 =	sadd.s32 $0x50000, s22;
	[dreg:$0x19] =	wrdreg s25  }
0x26: {  	s20 =	simm.s32 $0x6;
	s22 =	simm.s32 $0x80;
	[dreg:$0x17] =	wrdreg s23  }
0x27: {  	v0 =	vimm.f32 $1.000000000e+00;
	v1 =	vimm.f32 $0.0e+00;
	s25 =	simm.s32 $0x7000;
	[dreg:$0x18] =	wrdreg s24;
	s24 =	simm.s32 $0x1080  }
.LBB2_1:
0x28: {  	[tilespmem:$0xB000] =	vst v0  }
0x29: {  	[tilespmem:$0xB010] =	vst v0  }
0x2a: {  	[tilespmem:$0xB020] =	vst v0  }
0x2b: {  	[tilespmem:$0xB030] =	vst v0  }
0x2c: {  	[tilespmem:$0xB040] =	vst v0  }
0x2d: {  	[tilespmem:$0xB050] =	vst v0;
	s15 =	sand.u32 $0xFE00, s5  }
0x2e: {  	[tilespmem:$0xB060] =	vst v0;
	s16 =	sand.u32 $0x70, s5;
	s17 =	sshrl.u32 s15, $0x2  }
0x2f: {  	[tilespmem:$0xB070] =	vst v0;
	s15 =	simm.s32 $0x40;
	s17 =	sor.u32 s16, s17;
	s16 =	simm.s32 $0x0  }
.LBB2_2:
0x30: {  	p0 =	sne.s32 s15, $0xFFC0  }
0x31: {  	[tilespmem:s17+$0x3000] =	vst v1;
	s16 =	sadd.s32 $0x10, s16;
	s17 =	smov.u32 s15;
	s15 =	sadd.s32 $0x40, s15  }
.Ltmp0:
0x32: {  	(pc) =	sbr.rel @p0 .LBB2_2-.Ltmp0, $4  }
0x33: {  	_ = 	snop  }
0x34: {  	s17 =	sand.u32 $0xFE00, s17  }
0x35: {  	s23 =	sand.u32 $0x70, s16;
	s17 =	sshrl.u32 s17, $0x2  }
0x36: {  	s17 =	sor.u32 s23, s17  }
0x37: {  	[tilespmem:s17+$0x3000] =	vst v1  }
0x38: {  	[spmem:s6] =	stream.linear.scatter [tilespmem:s19], [sflag:$0x6], $0x4000, $0x38;
	[tilespmem:$0x1F580] =	vst v63  }
0x39: {  	_ =	swait.ge [sflag:s20], $0x4000  }
0x3a: {  	[sflag:s20] =	ssyncset.done $0x0  }
0x3b: {  	[sflag:s20] =	ssyncadd.s32 $0xFFFFC000  }
0x3c: {  	[spmem:s7] =	stream.linear.scatter [tilespmem:s19], [sflag:$0x6], $0x4000, $0x38;
	[tilespmem:$0x1F580] =	vst v63  }
0x3d: {  	_ =	swait.ge [sflag:s20], $0x4000  }
0x3e: {  	[sflag:s20] =	ssyncset.done $0x0  }
0x3f: {  	[sflag:s20] =	ssyncadd.s32 $0xFFFFC000  }
0x40: {  	[spmem:s8] =	stream.linear.scatter [tilespmem:s19], [sflag:$0x6], $0x4000, $0x38;
	[tilespmem:$0x1F580] =	vst v63  }
0x41: {  	_ =	swait.ge [sflag:s20], $0x4000  }
0x42: {  	[sflag:s20] =	ssyncset.done $0x0  }
0x43: {  	[sflag:s20] =	ssyncadd.s32 $0xFFFFC000  }
0x44: {  	[spmem:s9] =	stream.linear.scatter [tilespmem:s19], [sflag:$0x6], $0x4000, $0x38;
	[tilespmem:$0x1F580] =	vst v63  }
0x45: {  	_ =	swait.ge [sflag:s20], $0x4000  }
0x46: {  	[sflag:s20] =	ssyncset.done $0x0  }
0x47: {  	[sflag:s20] =	ssyncadd.s32 $0xFFFFC000  }
0x48: {  	[spmem:s10] =	stream.linear.scatter [tilespmem:s19], [sflag:$0x6], $0x4000, $0x38;
	[tilespmem:$0x1F580] =	vst v63  }
0x49: {  	_ =	swait.ge [sflag:s20], $0x4000  }
0x4a: {  	[sflag:s20] =	ssyncset.done $0x0  }
0x4b: {  	[sflag:s20] =	ssyncadd.s32 $0xFFFFC000  }
0x4c: {  	[tilespmem:$0xB080] =	vst v1  }
0x4d: {  	[tilespmem:$0xB090] =	vst v1  }
0x4e: {  	[tilespmem:$0xB0A0] =	vst v1  }
0x4f: {  	[tilespmem:$0xB0B0] =	vst v1  }
0x50: {  	[tilespmem:$0xB0C0] =	vst v1  }
0x51: {  	[tilespmem:$0xB0D0] =	vst v1  }
0x52: {  	[tilespmem:$0xB0E0] =	vst v1  }
0x53: {  	[tilespmem:$0xB0F0] =	vst v1  }
0x54: {  	[tilespmem:$0xB100] =	vst v1  }
0x55: {  	[tilespmem:$0xB110] =	vst v1  }
0x56: {  	[tilespmem:$0xB120] =	vst v1  }
0x57: {  	[tilespmem:$0xB130] =	vst v1  }
0x58: {  	[tilespmem:$0xB140] =	vst v1  }
0x59: {  	[tilespmem:$0xB150] =	vst v1  }
0x5a: {  	[tilespmem:$0xB160] =	vst v1  }
0x5b: {  	[tilespmem:$0xB170] =	vst v1  }
0x5c: {  	[tilespmem:$0xB180] =	vst v1  }
0x5d: {  	[tilespmem:$0xB190] =	vst v1  }
0x5e: {  	[tilespmem:$0xB1A0] =	vst v1  }
0x5f: {  	[tilespmem:$0xB1B0] =	vst v1  }
0x60: {  	[tilespmem:$0xB1C0] =	vst v1  }
0x61: {  	[tilespmem:$0xB1D0] =	vst v1  }
0x62: {  	[tilespmem:$0xB1E0] =	vst v1  }
0x63: {  	[tilespmem:$0xB1F0] =	vst v1  }
0x64: {  	[tilespmem:$0xB200] =	vst v1  }
0x65: {  	[tilespmem:$0xB210] =	vst v1  }
0x66: {  	[tilespmem:$0xB220] =	vst v1  }
0x67: {  	[tilespmem:$0xB230] =	vst v1  }
0x68: {  	[tilespmem:$0xB240] =	vst v1  }
0x69: {  	[tilespmem:$0xB250] =	vst v1  }
0x6a: {  	[tilespmem:$0xB260] =	vst v1  }
0x6b: {  	[tilespmem:$0xB270] =	vst v1  }
0x6c: {  	[tilespmem:$0xB280] =	vst v1  }
0x6d: {  	[tilespmem:$0xB290] =	vst v1  }
0x6e: {  	[tilespmem:$0xB2A0] =	vst v1  }
0x6f: {  	[tilespmem:$0xB2B0] =	vst v1  }
0x70: {  	[tilespmem:$0xB2C0] =	vst v1  }
0x71: {  	[tilespmem:$0xB2D0] =	vst v1  }
0x72: {  	[tilespmem:$0xB2E0] =	vst v1  }
0x73: {  	[tilespmem:$0xB2F0] =	vst v1  }
0x74: {  	[spmem:s11] =	stream.linear.scatter [tilespmem:s21], [sflag:$0x6], $0x280, $0x38;
	[tilespmem:$0x1F580] =	vst v63  }
0x75: {  	_ =	swait.ge [sflag:s20], $0x280  }
0x76: {  	[sflag:s20] =	ssyncset.done $0x0  }
0x77: {  	[sflag:s20] =	ssyncadd.s32 $0xFFFFFD80  }
0x78: {  	[bflag:$0x0] =	sbarrier.arrive $0xFFFF  }
0x79: {  	s15 =	simm.s32 $0x0;
	s16 =	rddreg [dreg:$0x6]  }
0x7a: {  	[tilespmem:s15], [sflag:$0x6] =	stream.linear.gather [hbm4b:s16+s15], $0xC80, $0x38;
	[tilespmem:$0x1F580] =	vst v63  }
0x7b: {  	_ =	swait.ge [sflag:s20], $0xC80  }
0x7c: {  	[sflag:s20] =	ssyncset.done $0x0  }
0x7d: {  	s15 =	simm.s32 $0x0;
	[sflag:s20] =	ssyncadd.s32 $0xFFFFF380  }
0x7e: {  	v2 =	vld [tilespmem:s15+$0x0]  }
0x7f: {  	s16 =	simm.s32 $0x40  }
.LBB2_4:
0x80: {  	p0 =	sne.s32 s16, $0x31C0  }
.Ltmp1:
0x81: {  	_ = 	snop;
	(pc) =	sbr.rel @p0 .LBB2_4-.Ltmp1, $4  }
0x82: {  	_ = 	snop  }
0x83: {  	s17 =	sshra.s32 s16, $0x2;
	s16 =	sadd.s32 $0x40, s16;
	v3 =	vshrl.u32 v2, $0xE;
	v4 =	vand.u32 $0x3FFF, v2  }
0x84: {  	v2 =	vld [tilespmem:s17+$0x0];
	[tilespmem:s15+$0x2000] =	vst v4  }
0x85: {  	[tilespmem:s15+$0x1000] =	vst v3;
	s15 =	smov.u32 s17  }
0x86: {  	_ =	sdelay $0x2  }
0x87: {  	v3 =	vand.u32 $0x3FFF, v2  }
0x88: {  	v2 =	vshrl.u32 v2, $0xE;
	[tilespmem:s15+$0x2000] =	vst v3  }
0x89: {  	s23 =	simm.s32 $0x1000;
	[tilespmem:s15+$0x1000] =	vst v2  }
0x8a: {  	[tilespmem:s19], [sflag:$0x1] =	stream.indirect.gather [hbm4b:s0+s22], $0x80, s23, s22, $0xb8;
	[tilespmem:$0x1F580] =	vst v63  }
0x8b: {  	_ = 	snop  }
0x8c: {  	[tilespmem:s25], [sflag:$0x2] =	stream.indirect.gather [hbm4b:s0+s22], $0x80, s24, s22, $0xb8;
	[tilespmem:$0x1F580] =	vst v63  }
0x8d: {  	_ =	swait.ge [sflag:s26], $0x4000  }
0x8e: {  	[sflag:s26] =	ssyncset.done $0x0  }
0x8f: {  	s16 =	simm.s32 $0x2000;
	[sflag:s26] =	ssyncadd.s32 $0xFFFFC000  }
0x90: {  	[spmem:s3] =	stream.indirect.scatter.add.f32 [tilespmem:s19], [sflag:$0x3], $0x80, s16, s22, $0xb8;
	[tilespmem:$0x1F580] =	vst v63  }
0x91: {  	_ = 	snop  }
0x92: {  	[spmem:s4] =	stream.indirect.scatter.add.f32 [tilespmem:s28], [sflag:$0x5], $0x1, s16, s22, $0xb8;
	[tilespmem:$0x1F580] =	vst v63  }
0x93: {  	_ =	swait.ge [sflag:s29], $0x4000  }
0x94: {  	[sflag:s29] =	ssyncset.done $0x0  }
0x95: {  	[sflag:s29] =	ssyncadd.s32 $0xFFFFC000  }
0x96: {  	_ =	swait.ge [sflag:s30], $0x4000  }
0x97: {  	[sflag:s30] =	ssyncset.done $0x0  }
0x98: {  	s17 =	simm.s32 $0x1100;
	[sflag:s30] =	ssyncadd.s32 $0xFFFFC000  }
0x99: {  	[tilespmem:s19], [sflag:$0x1] =	stream.indirect.gather [hbm4b:s0+s22], $0x80, s17, s22, $0xb8;
	[tilespmem:$0x1F580] =	vst v63  }
0x9a: {  	s23 =	simm.s32 $0x2080  }
0x9b: {  	[spmem:s3] =	stream.indirect.scatter.add.f32 [tilespmem:s25], [sflag:$0x4], $0x80, s23, s22, $0xb8;
	[tilespmem:$0x1F580] =	vst v63  }
0x9c: {  	_ = 	snop  }
0x9d: {  	[spmem:s4] =	stream.indirect.scatter.add.f32 [tilespmem:s28], [sflag:$0x5], $0x1, s23, s22, $0xb8;
	[tilespmem:$0x1F580] =	vst v63  }
0x9e: {  	_ =	swait.ge [sflag:s31], $0x4000  }
0x9f: {  	[sflag:s31] =	ssyncset.done $0x0  }
0xa0: {  	s15 =	simm.s32 $0x400;
	s16 =	simm.s32 $0x1180;
	[sflag:s31] =	ssyncadd.s32 $0xFFFFC000  }
.LBB2_6:
0xa1: {  	[tilespmem:s25], [sflag:$0x2] =	stream.indirect.gather [hbm4b:s0+s22], $0x80, s16, s22, $0xb8;
	[tilespmem:$0x1F580] =	vst v63  }
0xa2: {  	s16 =	smov.u32 s15  }
0xa3: {  	p0 =	sne.s32 s15, $0x2800;
	s15 =	sadd.s32 $0x400, s15;
	_ =	swait.ge [sflag:s26], $0x4000  }
0xa4: {  	s16 =	sshra.s32 s16, $0x2;
	[sflag:s26] =	ssyncset.done $0x0  }
0xa5: {  	s17 =	sadd.s32 $0x2000, s16;
	[sflag:s26] =	ssyncadd.s32 $0xFFFFC000  }
0xa6: {  	[spmem:s3] =	stream.indirect.scatter.add.f32 [tilespmem:s19], [sflag:$0x3], $0x80, s17, s22, $0xb8;
	[tilespmem:$0x1F580] =	vst v63  }
0xa7: {  	_ = 	snop  }
0xa8: {  	[spmem:s4] =	stream.indirect.scatter.add.f32 [tilespmem:s28], [sflag:$0x5], $0x1, s17, s22, $0xb8;
	[tilespmem:$0x1F580] =	vst v63  }
0xa9: {  	_ =	swait.ge [sflag:s29], $0x4000  }
0xaa: {  	[sflag:s29] =	ssyncset.done $0x0  }
0xab: {  	[sflag:s29] =	ssyncadd.s32 $0xFFFFC000  }
0xac: {  	_ =	swait.ge [sflag:s30], $0x4000  }
0xad: {  	[sflag:s30] =	ssyncset.done $0x0  }
0xae: {  	s17 =	sadd.s32 $0x1100, s16;
	[sflag:s30] =	ssyncadd.s32 $0xFFFFC000  }
0xaf: {  	[tilespmem:s19], [sflag:$0x1] =	stream.indirect.gather [hbm4b:s0+s22], $0x80, s17, s22, $0xb8;
	[tilespmem:$0x1F580] =	vst v63  }
0xb0: {  	s17 =	sadd.s32 $0x2080, s16  }
0xb1: {  	[spmem:s3] =	stream.indirect.scatter.add.f32 [tilespmem:s25], [sflag:$0x4], $0x80, s17, s22, $0xb8;
	[tilespmem:$0x1F580] =	vst v63  }
.Ltmp2:
0xb2: {  	(pc) =	sbr.rel @p0 .LBB2_6-.Ltmp2, $4  }
0xb3: {  	[spmem:s4] =	stream.indirect.scatter.add.f32 [tilespmem:s28], [sflag:$0x5], $0x1, s17, s22, $0xb8;
	[tilespmem:$0x1F580] =	vst v63  }
0xb4: {  	_ =	swait.ge [sflag:s31], $0x4000  }
0xb5: {  	[sflag:s31] =	ssyncset.done $0x0  }
0xb6: {  	s16 =	sadd.s32 $0x1180, s16;
	[sflag:s31] =	ssyncadd.s32 $0xFFFFC000  }
0xb7: {  	[tilespmem:s25], [sflag:$0x2] =	stream.indirect.gather [hbm4b:s0+s22], $0x80, s16, s22, $0xb8;
	[tilespmem:$0x1F580] =	vst v63  }
0xb8: {  	_ =	swait.ge [sflag:s26], $0x4000  }
0xb9: {  	[sflag:s26] =	ssyncset.done $0x0  }
0xba: {  	[sflag:s26] =	ssyncadd.s32 $0xFFFFC000  }
0xbb: {  	[spmem:s3] =	stream.indirect.scatter.add.f32 [tilespmem:s19], [sflag:$0x3], $0x80, s1, s22, $0xb8;
	[tilespmem:$0x1F580] =	vst v63  }
0xbc: {  	_ = 	snop  }
0xbd: {  	[spmem:s4] =	stream.indirect.scatter.add.f32 [tilespmem:s28], [sflag:$0x5], $0x1, s1, s22, $0xb8;
	[tilespmem:$0x1F580] =	vst v63  }
0xbe: {  	_ =	swait.ge [sflag:s29], $0x4000  }
0xbf: {  	[sflag:s29] =	ssyncset.done $0x0  }
0xc0: {  	[sflag:s29] =	ssyncadd.s32 $0xFFFFC000  }
0xc1: {  	_ =	swait.ge [sflag:s30], $0x4000  }
0xc2: {  	[sflag:s30] =	ssyncset.done $0x0  }
0xc3: {  	[sflag:s30] =	ssyncadd.s32 $0xFFFFC000  }
0xc4: {  	[tilespmem:s19], [sflag:$0x1] =	stream.indirect.gather [hbm4b:s0+s22], $0x80, s2, s22, $0xb8;
	[tilespmem:$0x1F580] =	vst v63  }
0xc5: {  	_ = 	snop  }
0xc6: {  	[spmem:s3] =	stream.indirect.scatter.add.f32 [tilespmem:s25], [sflag:$0x4], $0x80, s18, s22, $0xb8;
	[tilespmem:$0x1F580] =	vst v63  }
0xc7: {  	_ = 	snop  }
0xc8: {  	[spmem:s4] =	stream.indirect.scatter.add.f32 [tilespmem:s28], [sflag:$0x5], $0x1, s18, s22, $0xb8;
	[tilespmem:$0x1F580] =	vst v63  }
0xc9: {  	_ =	swait.ge [sflag:s31], $0x4000  }
0xca: {  	[sflag:s31] =	ssyncset.done $0x0  }
0xcb: {  	[sflag:s31] =	ssyncadd.s32 $0xFFFFC000  }
0xcc: {  	_ =	swait.ge [sflag:s26], $0x4000  }
0xcd: {  	[sflag:s26] =	ssyncset.done $0x0  }
0xce: {  	[sflag:s26] =	ssyncadd.s32 $0xFFFFC000  }
0xcf: {  	[spmem:s3] =	stream.indirect.scatter.add.f32 [tilespmem:s19], [sflag:$0x6], $0x80, s12, s22, $0xb8;
	[tilespmem:$0x1F580] =	vst v63  }
0xd0: {  	_ =	swait.ge [sflag:s20], $0x4000  }
0xd1: {  	[sflag:s20] =	ssyncset.done $0x0  }
0xd2: {  	[sflag:s20] =	ssyncadd.s32 $0xFFFFC000  }
0xd3: {  	[spmem:s4] =	stream.indirect.scatter.add.f32 [tilespmem:s28], [sflag:$0x5], $0x1, s12, s22, $0xb8;
	[tilespmem:$0x1F580] =	vst v63  }
0xd4: {  	_ =	swait.ge [sflag:s13], $0x80  }
0xd5: {  	[sflag:s13] =	ssyncset.done $0x0  }
0xd6: {  	[sflag:s13] =	ssyncadd.s32 $0xFFFFFF80  }
0xd7: {  	_ =	swait.ge [sflag:s13], $0x80  }
0xd8: {  	[sflag:s13] =	ssyncset.done $0x0  }
0xd9: {  	[sflag:s13] =	ssyncadd.s32 $0xFFFFFF80  }
0xda: {  	_ =	swait.ge [sflag:s13], $0x80  }
0xdb: {  	[sflag:s13] =	ssyncset.done $0x0  }
0xdc: {  	[sflag:s13] =	ssyncadd.s32 $0xFFFFFF80  }
0xdd: {  	_ =	swait.ge [sflag:s13], $0x80  }
0xde: {  	[sflag:s13] =	ssyncset.done $0x0  }
0xdf: {  	[sflag:s13] =	ssyncadd.s32 $0xFFFFFF80  }
0xe0: {  	_ =	swait.ge [sflag:s13], $0x80  }
0xe1: {  	[sflag:s13] =	ssyncset.done $0x0  }
0xe2: {  	[sflag:s13] =	ssyncadd.s32 $0xFFFFFF80  }
0xe3: {  	_ =	swait.ge [sflag:s13], $0x80  }
0xe4: {  	[sflag:s13] =	ssyncset.done $0x0  }
0xe5: {  	[sflag:s13] =	ssyncadd.s32 $0xFFFFFF80  }
0xe6: {  	_ =	swait.ge [sflag:s13], $0x80  }
0xe7: {  	[sflag:s13] =	ssyncset.done $0x0  }
0xe8: {  	[sflag:s13] =	ssyncadd.s32 $0xFFFFFF80  }
0xe9: {  	_ =	swait.ge [sflag:s13], $0x80  }
0xea: {  	[sflag:s13] =	ssyncset.done $0x0  }
0xeb: {  	[sflag:s13] =	ssyncadd.s32 $0xFFFFFF80  }
0xec: {  	_ =	swait.ge [sflag:s13], $0x80  }
0xed: {  	[sflag:s13] =	ssyncset.done $0x0  }
0xee: {  	[sflag:s13] =	ssyncadd.s32 $0xFFFFFF80  }
0xef: {  	_ =	swait.ge [sflag:s13], $0x80  }
0xf0: {  	[sflag:s13] =	ssyncset.done $0x0  }
0xf1: {  	[sflag:s13] =	ssyncadd.s32 $0xFFFFFF80  }
0xf2: {  	_ =	swait.ge [sflag:s13], $0x80  }
0xf3: {  	[sflag:s13] =	ssyncset.done $0x0  }
0xf4: {  	[sflag:s13] =	ssyncadd.s32 $0xFFFFFF80  }
0xf5: {  	_ =	swait.ge [sflag:s13], $0x80  }
0xf6: {  	[sflag:s13] =	ssyncset.done $0x0  }
0xf7: {  	[sflag:s13] =	ssyncadd.s32 $0xFFFFFF80  }
0xf8: {  	_ =	swait.ge [sflag:s13], $0x80  }
0xf9: {  	[sflag:s13] =	ssyncset.done $0x0  }
0xfa: {  	[sflag:s13] =	ssyncadd.s32 $0xFFFFFF80  }
0xfb: {  	_ =	swait.ge [sflag:s13], $0x80  }
0xfc: {  	[sflag:s13] =	ssyncset.done $0x0  }
0xfd: {  	[sflag:s13] =	ssyncadd.s32 $0xFFFFFF80  }
0xfe: {  	_ =	swait.ge [sflag:s13], $0x80  }
0xff: {  	[sflag:s13] =	ssyncset.done $0x0  }
0x100: {  	[sflag:s13] =	ssyncadd.s32 $0xFFFFFF80  }
0x101: {  	_ =	swait.ge [sflag:s13], $0x80  }
0x102: {  	[sflag:s13] =	ssyncset.done $0x0  }
0x103: {  	[sflag:s13] =	ssyncadd.s32 $0xFFFFFF80  }
0x104: {  	_ =	swait.ge [sflag:s13], $0x80  }
0x105: {  	[sflag:s13] =	ssyncset.done $0x0  }
0x106: {  	[sflag:s13] =	ssyncadd.s32 $0xFFFFFF80  }
0x107: {  	_ =	swait.ge [sflag:s13], $0x80  }
0x108: {  	[sflag:s13] =	ssyncset.done $0x0  }
0x109: {  	[sflag:s13] =	ssyncadd.s32 $0xFFFFFF80  }
0x10a: {  	_ =	swait.ge [sflag:s13], $0x80  }
0x10b: {  	[sflag:s13] =	ssyncset.done $0x0  }
0x10c: {  	[sflag:s13] =	ssyncadd.s32 $0xFFFFFF80  }
0x10d: {  	_ =	swait.ge [sflag:s13], $0x80  }
0x10e: {  	[sflag:s13] =	ssyncset.done $0x0  }
0x10f: {  	[sflag:s13] =	ssyncadd.s32 $0xFFFFFF80  }
0x110: {  	_ =	swait.ge [sflag:s13], $0x80  }
0x111: {  	[sflag:s13] =	ssyncset.done $0x0  }
0x112: {  	[sflag:s13] =	ssyncadd.s32 $0xFFFFFF80  }
0x113: {  	_ =	swait.ge [sflag:s13], $0x80  }
0x114: {  	[sflag:s13] =	ssyncset.done $0x0  }
0x115: {  	[sflag:s13] =	ssyncadd.s32 $0xFFFFFF80  }
0x116: {  	_ =	swait.ge [sflag:s13], $0x80  }
0x117: {  	[sflag:s13] =	ssyncset.done $0x0  }
0x118: {  	[sflag:s13] =	ssyncadd.s32 $0xFFFFFF80  }
0x119: {  	_ =	swait.ge [sflag:s13], $0x80  }
0x11a: {  	[sflag:s13] =	ssyncset.done $0x0  }
0x11b: {  	[sflag:s13] =	ssyncadd.s32 $0xFFFFFF80  }
0x11c: {  	_ =	swait.ge [sflag:s13], $0x80  }
0x11d: {  	[sflag:s13] =	ssyncset.done $0x0  }
0x11e: {  	[sflag:s13] =	ssyncadd.s32 $0xFFFFFF80  }
0x11f: {  	[bflag:$0x0] =	sbarrier.arrive $0xFFFF  }
0x120: {  	[tilespmem:s19], [sflag:$0x1] =	stream.linear.gather [spmem:s6], $0x4000, $0x38;
	[tilespmem:$0x1F580] =	vst v63  }
0x121: {  	_ = 	snop  }
0x122: {  	[tilespmem:s21], [sflag:$0x5] =	stream.linear.gather [spmem:s11], $0x280, $0x38;
	[tilespmem:$0x1F580] =	vst v63  }
0x123: {  	_ =	swait.ge [sflag:s26], $0x4000  }
0x124: {  	[sflag:s26] =	ssyncset.done $0x0  }
0x125: {  	[sflag:s26] =	ssyncadd.s32 $0xFFFFC000  }
0x126: {  	[tilespmem:s25], [sflag:$0x2] =	stream.linear.gather [spmem:s7], $0x4000, $0x38;
	[tilespmem:$0x1F580] =	vst v63  }
0x127: {  	s15 =	simm.s32 $0x0;
	s23 =	rddreg [dreg:$0x7]  }
0x128: {  	[hbm4b:s23+s15] =	stream.linear.scatter [tilespmem:s19], [sflag:$0x6], $0x4000, $0x38;
	[tilespmem:$0x1F580] =	vst v63  }
0x129: {  	_ =	swait.ge [sflag:s20], $0x4000  }
0x12a: {  	[sflag:s20] =	ssyncset.done $0x0  }
0x12b: {  	[sflag:s20] =	ssyncadd.s32 $0xFFFFC000  }
0x12c: {  	_ =	swait.ge [sflag:s29], $0x4000  }
0x12d: {  	[sflag:s29] =	ssyncset.done $0x0  }
0x12e: {  	[sflag:s29] =	ssyncadd.s32 $0xFFFFC000  }
0x12f: {  	[tilespmem:s19], [sflag:$0x1] =	stream.linear.gather [spmem:s8], $0x4000, $0x38;
	[tilespmem:$0x1F580] =	vst v63  }
0x130: {  	s17 =	rddreg [dreg:$0x8]  }
0x131: {  	[hbm4b:s17+s15] =	stream.linear.scatter [tilespmem:s25], [sflag:$0x6], $0x4000, $0x38;
	[tilespmem:$0x1F580] =	vst v63  }
0x132: {  	_ =	swait.ge [sflag:s20], $0x4000  }
0x133: {  	[sflag:s20] =	ssyncset.done $0x0  }
0x134: {  	[sflag:s20] =	ssyncadd.s32 $0xFFFFC000  }
0x135: {  	_ =	swait.ge [sflag:s26], $0x4000  }
0x136: {  	[sflag:s26] =	ssyncset.done $0x0  }
0x137: {  	[sflag:s26] =	ssyncadd.s32 $0xFFFFC000  }
0x138: {  	[tilespmem:s25], [sflag:$0x2] =	stream.linear.gather [spmem:s9], $0x4000, $0x38;
	[tilespmem:$0x1F580] =	vst v63  }
0x139: {  	s23 =	rddreg [dreg:$0x9]  }
0x13a: {  	[hbm4b:s23+s15] =	stream.linear.scatter [tilespmem:s19], [sflag:$0x6], $0x4000, $0x38;
	[tilespmem:$0x1F580] =	vst v63  }
0x13b: {  	_ =	swait.ge [sflag:s20], $0x4000  }
0x13c: {  	[sflag:s20] =	ssyncset.done $0x0  }
0x13d: {  	[sflag:s20] =	ssyncadd.s32 $0xFFFFC000  }
0x13e: {  	_ =	swait.ge [sflag:s29], $0x4000  }
0x13f: {  	[sflag:s29] =	ssyncset.done $0x0  }
0x140: {  	[sflag:s29] =	ssyncadd.s32 $0xFFFFC000  }
0x141: {  	[tilespmem:s19], [sflag:$0x1] =	stream.linear.gather [spmem:s10], $0x4000, $0x38;
	[tilespmem:$0x1F580] =	vst v63  }
0x142: {  	s17 =	rddreg [dreg:$0xa]  }
0x143: {  	[hbm4b:s17+s15] =	stream.linear.scatter [tilespmem:s25], [sflag:$0x6], $0x4000, $0x38;
	[tilespmem:$0x1F580] =	vst v63  }
0x144: {  	_ =	swait.ge [sflag:s20], $0x4000  }
0x145: {  	[sflag:s20] =	ssyncset.done $0x0  }
0x146: {  	[sflag:s20] =	ssyncadd.s32 $0xFFFFC000  }
0x147: {  	_ =	swait.ge [sflag:s26], $0x4000  }
0x148: {  	[sflag:s26] =	ssyncset.done $0x0  }
0x149: {  	s23 =	rddreg [dreg:$0xb];
	[sflag:s26] =	ssyncadd.s32 $0xFFFFC000  }
0x14a: {  	[hbm4b:s23+s15] =	stream.linear.scatter [tilespmem:s19], [sflag:$0x6], $0x4000, $0x38;
	[tilespmem:$0x1F580] =	vst v63  }
0x14b: {  	_ =	swait.ge [sflag:s20], $0x4000  }
0x14c: {  	[sflag:s20] =	ssyncset.done $0x0  }
0x14d: {  	[sflag:s20] =	ssyncadd.s32 $0xFFFFC000  }
0x14e: {  	_ =	swait.ge [sflag:s13], $0x280  }
0x14f: {  	[sflag:s13] =	ssyncset.done $0x0  }
0x150: {  	s17 =	rddreg [dreg:$0xc];
	[sflag:s13] =	ssyncadd.s32 $0xFFFFFD80  }
0x151: {  	[hbm4b:s17+s15] =	stream.linear.scatter [tilespmem:s21], [sflag:$0x6], $0x280, $0x38;
	[tilespmem:$0x1F580] =	vst v63  }
0x152: {  	s23 =	sand.u32 $0xFE00, s15;
	_ =	swait.ge [sflag:s20], $0x280  }
0x153: {  	s16 =	sshrl.u32 s23, $0x2;
	s17 =	sand.u32 $0x70, s15;
	[sflag:s20] =	ssyncset.done $0x0  }
0x154: {  	s17 =	sor.u32 s17, s16;
	s16 =	simm.s32 $0x40;
	[sflag:s20] =	ssyncadd.s32 $0xFFFFFD80  }
.LBB2_8:
0x155: {  	p0 =	sne.s32 s16, $0xFFC0  }
0x156: {  	[tilespmem:s17+$0x3000] =	vst v1;
	s15 =	sadd.s32 $0x10, s15;
	s17 =	smov.u32 s16;
	s16 =	sadd.s32 $0x40, s16  }
.Ltmp3:
0x157: {  	(pc) =	sbr.rel @p0 .LBB2_8-.Ltmp3, $4  }
0x158: {  	_ = 	snop  }
0x159: {  	s17 =	sand.u32 $0xFE00, s17  }
0x15a: {  	s23 =	sand.u32 $0x70, s15;
	s17 =	sshrl.u32 s17, $0x2  }
0x15b: {  	s17 =	sor.u32 s23, s17  }
0x15c: {  	[tilespmem:s17+$0x3000] =	vst v1  }
0x15d: {  	[spmem:s6] =	stream.linear.scatter [tilespmem:s19], [sflag:$0x6], $0x4000, $0x38;
	[tilespmem:$0x1F580] =	vst v63  }
0x15e: {  	_ =	swait.ge [sflag:s20], $0x4000  }
0x15f: {  	[sflag:s20] =	ssyncset.done $0x0  }
0x160: {  	[sflag:s20] =	ssyncadd.s32 $0xFFFFC000  }
0x161: {  	[spmem:s7] =	stream.linear.scatter [tilespmem:s19], [sflag:$0x6], $0x4000, $0x38;
	[tilespmem:$0x1F580] =	vst v63  }
0x162: {  	_ =	swait.ge [sflag:s20], $0x4000  }
0x163: {  	[sflag:s20] =	ssyncset.done $0x0  }
0x164: {  	[sflag:s20] =	ssyncadd.s32 $0xFFFFC000  }
0x165: {  	[spmem:s8] =	stream.linear.scatter [tilespmem:s19], [sflag:$0x6], $0x4000, $0x38;
	[tilespmem:$0x1F580] =	vst v63  }
0x166: {  	_ =	swait.ge [sflag:s20], $0x4000  }
0x167: {  	[sflag:s20] =	ssyncset.done $0x0  }
0x168: {  	[sflag:s20] =	ssyncadd.s32 $0xFFFFC000  }
0x169: {  	[spmem:s9] =	stream.linear.scatter [tilespmem:s19], [sflag:$0x6], $0x4000, $0x38;
	[tilespmem:$0x1F580] =	vst v63  }
0x16a: {  	_ =	swait.ge [sflag:s20], $0x4000  }
0x16b: {  	[sflag:s20] =	ssyncset.done $0x0  }
0x16c: {  	[sflag:s20] =	ssyncadd.s32 $0xFFFFC000  }
0x16d: {  	[spmem:s10] =	stream.linear.scatter [tilespmem:s19], [sflag:$0x6], $0x4000, $0x38;
	[tilespmem:$0x1F580] =	vst v63  }
0x16e: {  	_ =	swait.ge [sflag:s20], $0x4000  }
0x16f: {  	[sflag:s20] =	ssyncset.done $0x0  }
0x170: {  	[sflag:s20] =	ssyncadd.s32 $0xFFFFC000  }
0x171: {  	[tilespmem:$0xB080] =	vst v1  }
0x172: {  	[tilespmem:$0xB090] =	vst v1  }
0x173: {  	[tilespmem:$0xB0A0] =	vst v1  }
0x174: {  	[tilespmem:$0xB0B0] =	vst v1  }
0x175: {  	[tilespmem:$0xB0C0] =	vst v1  }
0x176: {  	[tilespmem:$0xB0D0] =	vst v1  }
0x177: {  	[tilespmem:$0xB0E0] =	vst v1  }
0x178: {  	[tilespmem:$0xB0F0] =	vst v1  }
0x179: {  	[tilespmem:$0xB100] =	vst v1  }
0x17a: {  	[tilespmem:$0xB110] =	vst v1  }
0x17b: {  	[tilespmem:$0xB120] =	vst v1  }
0x17c: {  	[tilespmem:$0xB130] =	vst v1  }
0x17d: {  	[tilespmem:$0xB140] =	vst v1  }
0x17e: {  	[tilespmem:$0xB150] =	vst v1  }
0x17f: {  	[tilespmem:$0xB160] =	vst v1  }
0x180: {  	[tilespmem:$0xB170] =	vst v1  }
0x181: {  	[tilespmem:$0xB180] =	vst v1  }
0x182: {  	[tilespmem:$0xB190] =	vst v1  }
0x183: {  	[tilespmem:$0xB1A0] =	vst v1  }
0x184: {  	[tilespmem:$0xB1B0] =	vst v1  }
0x185: {  	[tilespmem:$0xB1C0] =	vst v1  }
0x186: {  	[tilespmem:$0xB1D0] =	vst v1  }
0x187: {  	[tilespmem:$0xB1E0] =	vst v1  }
0x188: {  	[tilespmem:$0xB1F0] =	vst v1  }
0x189: {  	[tilespmem:$0xB200] =	vst v1  }
0x18a: {  	[tilespmem:$0xB210] =	vst v1  }
0x18b: {  	[tilespmem:$0xB220] =	vst v1  }
0x18c: {  	[tilespmem:$0xB230] =	vst v1  }
0x18d: {  	[tilespmem:$0xB240] =	vst v1  }
0x18e: {  	[tilespmem:$0xB250] =	vst v1  }
0x18f: {  	[tilespmem:$0xB260] =	vst v1  }
0x190: {  	[tilespmem:$0xB270] =	vst v1  }
0x191: {  	[tilespmem:$0xB280] =	vst v1  }
0x192: {  	[tilespmem:$0xB290] =	vst v1  }
0x193: {  	[tilespmem:$0xB2A0] =	vst v1  }
0x194: {  	[tilespmem:$0xB2B0] =	vst v1  }
0x195: {  	[tilespmem:$0xB2C0] =	vst v1  }
0x196: {  	[tilespmem:$0xB2D0] =	vst v1  }
0x197: {  	[tilespmem:$0xB2E0] =	vst v1  }
0x198: {  	[tilespmem:$0xB2F0] =	vst v1  }
0x199: {  	[spmem:s11] =	stream.linear.scatter [tilespmem:s21], [sflag:$0x6], $0x280, $0x38;
	[tilespmem:$0x1F580] =	vst v63  }
0x19a: {  	_ =	swait.ge [sflag:s20], $0x280  }
0x19b: {  	[sflag:s20] =	ssyncset.done $0x0  }
0x19c: {  	[sflag:s20] =	ssyncadd.s32 $0xFFFFFD80  }
0x19d: {  	[bflag:$0x0] =	sbarrier.arrive $0xFFFF  }
0x19e: {  	s15 =	simm.s32 $0x0;
	s16 =	rddreg [dreg:$0xd]  }
0x19f: {  	[tilespmem:s15], [sflag:$0x6] =	stream.linear.gather [hbm4b:s16+s15], $0xC80, $0x38;
	[tilespmem:$0x1F580] =	vst v63  }
0x1a0: {  	_ =	swait.ge [sflag:s20], $0xC80  }
0x1a1: {  	[sflag:s20] =	ssyncset.done $0x0  }
0x1a2: {  	s15 =	simm.s32 $0x0;
	[sflag:s20] =	ssyncadd.s32 $0xFFFFF380  }
0x1a3: {  	v2 =	vld [tilespmem:s15+$0x0]  }
0x1a4: {  	s16 =	simm.s32 $0x40  }
.LBB2_10:
0x1a5: {  	p0 =	sne.s32 s16, $0x31C0  }
.Ltmp4:
0x1a6: {  	_ = 	snop;
	(pc) =	sbr.rel @p0 .LBB2_10-.Ltmp4, $4  }
0x1a7: {  	_ = 	snop  }
0x1a8: {  	s17 =	sshra.s32 s16, $0x2;
	s16 =	sadd.s32 $0x40, s16;
	v3 =	vshrl.u32 v2, $0xE;
	v4 =	vand.u32 $0x3FFF, v2  }
0x1a9: {  	v2 =	vld [tilespmem:s17+$0x0];
	[tilespmem:s15+$0x2000] =	vst v4  }
0x1aa: {  	[tilespmem:s15+$0x1000] =	vst v3;
	s15 =	smov.u32 s17  }
0x1ab: {  	_ =	sdelay $0x2  }
0x1ac: {  	v3 =	vand.u32 $0x3FFF, v2  }
0x1ad: {  	v2 =	vshrl.u32 v2, $0xE;
	[tilespmem:s15+$0x2000] =	vst v3  }
0x1ae: {  	s23 =	simm.s32 $0x1000;
	[tilespmem:s15+$0x1000] =	vst v2  }
0x1af: {  	[tilespmem:s19], [sflag:$0x1] =	stream.indirect.gather [hbm4b:s0+s22], $0x80, s23, s22, $0xb8;
	[tilespmem:$0x1F580] =	vst v63  }
0x1b0: {  	_ = 	snop  }
0x1b1: {  	[tilespmem:s25], [sflag:$0x2] =	stream.indirect.gather [hbm4b:s0+s22], $0x80, s24, s22, $0xb8;
	[tilespmem:$0x1F580] =	vst v63  }
0x1b2: {  	_ =	swait.ge [sflag:s26], $0x4000  }
0x1b3: {  	[sflag:s26] =	ssyncset.done $0x0  }
0x1b4: {  	s16 =	simm.s32 $0x2000;
	[sflag:s26] =	ssyncadd.s32 $0xFFFFC000  }
0x1b5: {  	[spmem:s3] =	stream.indirect.scatter.add.f32 [tilespmem:s19], [sflag:$0x3], $0x80, s16, s22, $0xb8;
	[tilespmem:$0x1F580] =	vst v63  }
0x1b6: {  	_ = 	snop  }
0x1b7: {  	[spmem:s4] =	stream.indirect.scatter.add.f32 [tilespmem:s28], [sflag:$0x5], $0x1, s16, s22, $0xb8;
	[tilespmem:$0x1F580] =	vst v63  }
0x1b8: {  	_ =	swait.ge [sflag:s29], $0x4000  }
0x1b9: {  	[sflag:s29] =	ssyncset.done $0x0  }
0x1ba: {  	[sflag:s29] =	ssyncadd.s32 $0xFFFFC000  }
0x1bb: {  	_ =	swait.ge [sflag:s30], $0x4000  }
0x1bc: {  	[sflag:s30] =	ssyncset.done $0x0  }
0x1bd: {  	s17 =	simm.s32 $0x1100;
	[sflag:s30] =	ssyncadd.s32 $0xFFFFC000  }
0x1be: {  	[tilespmem:s19], [sflag:$0x1] =	stream.indirect.gather [hbm4b:s0+s22], $0x80, s17, s22, $0xb8;
	[tilespmem:$0x1F580] =	vst v63  }
0x1bf: {  	s23 =	simm.s32 $0x2080  }
0x1c0: {  	[spmem:s3] =	stream.indirect.scatter.add.f32 [tilespmem:s25], [sflag:$0x4], $0x80, s23, s22, $0xb8;
	[tilespmem:$0x1F580] =	vst v63  }
0x1c1: {  	_ = 	snop  }
0x1c2: {  	[spmem:s4] =	stream.indirect.scatter.add.f32 [tilespmem:s28], [sflag:$0x5], $0x1, s23, s22, $0xb8;
	[tilespmem:$0x1F580] =	vst v63  }
0x1c3: {  	_ =	swait.ge [sflag:s31], $0x4000  }
0x1c4: {  	[sflag:s31] =	ssyncset.done $0x0  }
0x1c5: {  	s15 =	simm.s32 $0x400;
	s16 =	simm.s32 $0x1180;
	[sflag:s31] =	ssyncadd.s32 $0xFFFFC000  }
.LBB2_12:
0x1c6: {  	[tilespmem:s25], [sflag:$0x2] =	stream.indirect.gather [hbm4b:s0+s22], $0x80, s16, s22, $0xb8;
	[tilespmem:$0x1F580] =	vst v63  }
0x1c7: {  	s16 =	smov.u32 s15  }
0x1c8: {  	p0 =	sne.s32 s15, $0x2800;
	s15 =	sadd.s32 $0x400, s15;
	_ =	swait.ge [sflag:s26], $0x4000  }
0x1c9: {  	s16 =	sshra.s32 s16, $0x2;
	[sflag:s26] =	ssyncset.done $0x0  }
0x1ca: {  	s17 =	sadd.s32 $0x2000, s16;
	[sflag:s26] =	ssyncadd.s32 $0xFFFFC000  }
0x1cb: {  	[spmem:s3] =	stream.indirect.scatter.add.f32 [tilespmem:s19], [sflag:$0x3], $0x80, s17, s22, $0xb8;
	[tilespmem:$0x1F580] =	vst v63  }
0x1cc: {  	_ = 	snop  }
0x1cd: {  	[spmem:s4] =	stream.indirect.scatter.add.f32 [tilespmem:s28], [sflag:$0x5], $0x1, s17, s22, $0xb8;
	[tilespmem:$0x1F580] =	vst v63  }
0x1ce: {  	_ =	swait.ge [sflag:s29], $0x4000  }
0x1cf: {  	[sflag:s29] =	ssyncset.done $0x0  }
0x1d0: {  	[sflag:s29] =	ssyncadd.s32 $0xFFFFC000  }
0x1d1: {  	_ =	swait.ge [sflag:s30], $0x4000  }
0x1d2: {  	[sflag:s30] =	ssyncset.done $0x0  }
0x1d3: {  	s17 =	sadd.s32 $0x1100, s16;
	[sflag:s30] =	ssyncadd.s32 $0xFFFFC000  }
0x1d4: {  	[tilespmem:s19], [sflag:$0x1] =	stream.indirect.gather [hbm4b:s0+s22], $0x80, s17, s22, $0xb8;
	[tilespmem:$0x1F580] =	vst v63  }
0x1d5: {  	s17 =	sadd.s32 $0x2080, s16  }
0x1d6: {  	[spmem:s3] =	stream.indirect.scatter.add.f32 [tilespmem:s25], [sflag:$0x4], $0x80, s17, s22, $0xb8;
	[tilespmem:$0x1F580] =	vst v63  }
.Ltmp5:
0x1d7: {  	(pc) =	sbr.rel @p0 .LBB2_12-.Ltmp5, $4  }
0x1d8: {  	[spmem:s4] =	stream.indirect.scatter.add.f32 [tilespmem:s28], [sflag:$0x5], $0x1, s17, s22, $0xb8;
	[tilespmem:$0x1F580] =	vst v63  }
0x1d9: {  	_ =	swait.ge [sflag:s31], $0x4000  }
0x1da: {  	[sflag:s31] =	ssyncset.done $0x0  }
0x1db: {  	s16 =	sadd.s32 $0x1180, s16;
	[sflag:s31] =	ssyncadd.s32 $0xFFFFC000  }
0x1dc: {  	[tilespmem:s25], [sflag:$0x2] =	stream.indirect.gather [hbm4b:s0+s22], $0x80, s16, s22, $0xb8;
	[tilespmem:$0x1F580] =	vst v63  }
0x1dd: {  	_ =	swait.ge [sflag:s26], $0x4000  }
0x1de: {  	[sflag:s26] =	ssyncset.done $0x0  }
0x1df: {  	[sflag:s26] =	ssyncadd.s32 $0xFFFFC000  }
0x1e0: {  	[spmem:s3] =	stream.indirect.scatter.add.f32 [tilespmem:s19], [sflag:$0x3], $0x80, s1, s22, $0xb8;
	[tilespmem:$0x1F580] =	vst v63  }
0x1e1: {  	_ = 	snop  }
0x1e2: {  	[spmem:s4] =	stream.indirect.scatter.add.f32 [tilespmem:s28], [sflag:$0x5], $0x1, s1, s22, $0xb8;
	[tilespmem:$0x1F580] =	vst v63  }
0x1e3: {  	_ =	swait.ge [sflag:s29], $0x4000  }
0x1e4: {  	[sflag:s29] =	ssyncset.done $0x0  }
0x1e5: {  	[sflag:s29] =	ssyncadd.s32 $0xFFFFC000  }
0x1e6: {  	_ =	swait.ge [sflag:s30], $0x4000  }
0x1e7: {  	[sflag:s30] =	ssyncset.done $0x0  }
0x1e8: {  	[sflag:s30] =	ssyncadd.s32 $0xFFFFC000  }
0x1e9: {  	[tilespmem:s19], [sflag:$0x1] =	stream.indirect.gather [hbm4b:s0+s22], $0x80, s2, s22, $0xb8;
	[tilespmem:$0x1F580] =	vst v63  }
0x1ea: {  	_ = 	snop  }
0x1eb: {  	[spmem:s3] =	stream.indirect.scatter.add.f32 [tilespmem:s25], [sflag:$0x4], $0x80, s18, s22, $0xb8;
	[tilespmem:$0x1F580] =	vst v63  }
0x1ec: {  	_ = 	snop  }
0x1ed: {  	[spmem:s4] =	stream.indirect.scatter.add.f32 [tilespmem:s28], [sflag:$0x5], $0x1, s18, s22, $0xb8;
	[tilespmem:$0x1F580] =	vst v63  }
0x1ee: {  	_ =	swait.ge [sflag:s31], $0x4000  }
0x1ef: {  	[sflag:s31] =	ssyncset.done $0x0  }
0x1f0: {  	[sflag:s31] =	ssyncadd.s32 $0xFFFFC000  }
0x1f1: {  	_ =	swait.ge [sflag:s26], $0x4000  }
0x1f2: {  	[sflag:s26] =	ssyncset.done $0x0  }
0x1f3: {  	[sflag:s26] =	ssyncadd.s32 $0xFFFFC000  }
0x1f4: {  	[spmem:s3] =	stream.indirect.scatter.add.f32 [tilespmem:s19], [sflag:$0x6], $0x80, s12, s22, $0xb8;
	[tilespmem:$0x1F580] =	vst v63  }
0x1f5: {  	_ =	swait.ge [sflag:s20], $0x4000  }
0x1f6: {  	[sflag:s20] =	ssyncset.done $0x0  }
0x1f7: {  	[sflag:s20] =	ssyncadd.s32 $0xFFFFC000  }
0x1f8: {  	[spmem:s4] =	stream.indirect.scatter.add.f32 [tilespmem:s28], [sflag:$0x5], $0x1, s12, s22, $0xb8;
	[tilespmem:$0x1F580] =	vst v63  }
0x1f9: {  	_ =	swait.ge [sflag:s13], $0x80  }
0x1fa: {  	[sflag:s13] =	ssyncset.done $0x0  }
0x1fb: {  	[sflag:s13] =	ssyncadd.s32 $0xFFFFFF80  }
0x1fc: {  	_ =	swait.ge [sflag:s13], $0x80  }
0x1fd: {  	[sflag:s13] =	ssyncset.done $0x0  }
0x1fe: {  	[sflag:s13] =	ssyncadd.s32 $0xFFFFFF80  }
0x1ff: {  	_ =	swait.ge [sflag:s13], $0x80  }
0x200: {  	[sflag:s13] =	ssyncset.done $0x0  }
0x201: {  	[sflag:s13] =	ssyncadd.s32 $0xFFFFFF80  }
0x202: {  	_ =	swait.ge [sflag:s13], $0x80  }
0x203: {  	[sflag:s13] =	ssyncset.done $0x0  }
0x204: {  	[sflag:s13] =	ssyncadd.s32 $0xFFFFFF80  }
0x205: {  	_ =	swait.ge [sflag:s13], $0x80  }
0x206: {  	[sflag:s13] =	ssyncset.done $0x0  }
0x207: {  	[sflag:s13] =	ssyncadd.s32 $0xFFFFFF80  }
0x208: {  	_ =	swait.ge [sflag:s13], $0x80  }
0x209: {  	[sflag:s13] =	ssyncset.done $0x0  }
0x20a: {  	[sflag:s13] =	ssyncadd.s32 $0xFFFFFF80  }
0x20b: {  	_ =	swait.ge [sflag:s13], $0x80  }
0x20c: {  	[sflag:s13] =	ssyncset.done $0x0  }
0x20d: {  	[sflag:s13] =	ssyncadd.s32 $0xFFFFFF80  }
0x20e: {  	_ =	swait.ge [sflag:s13], $0x80  }
0x20f: {  	[sflag:s13] =	ssyncset.done $0x0  }
0x210: {  	[sflag:s13] =	ssyncadd.s32 $0xFFFFFF80  }
0x211: {  	_ =	swait.ge [sflag:s13], $0x80  }
0x212: {  	[sflag:s13] =	ssyncset.done $0x0  }
0x213: {  	[sflag:s13] =	ssyncadd.s32 $0xFFFFFF80  }
0x214: {  	_ =	swait.ge [sflag:s13], $0x80  }
0x215: {  	[sflag:s13] =	ssyncset.done $0x0  }
0x216: {  	[sflag:s13] =	ssyncadd.s32 $0xFFFFFF80  }
0x217: {  	_ =	swait.ge [sflag:s13], $0x80  }
0x218: {  	[sflag:s13] =	ssyncset.done $0x0  }
0x219: {  	[sflag:s13] =	ssyncadd.s32 $0xFFFFFF80  }
0x21a: {  	_ =	swait.ge [sflag:s13], $0x80  }
0x21b: {  	[sflag:s13] =	ssyncset.done $0x0  }
0x21c: {  	[sflag:s13] =	ssyncadd.s32 $0xFFFFFF80  }
0x21d: {  	_ =	swait.ge [sflag:s13], $0x80  }
0x21e: {  	[sflag:s13] =	ssyncset.done $0x0  }
0x21f: {  	[sflag:s13] =	ssyncadd.s32 $0xFFFFFF80  }
0x220: {  	_ =	swait.ge [sflag:s13], $0x80  }
0x221: {  	[sflag:s13] =	ssyncset.done $0x0  }
0x222: {  	[sflag:s13] =	ssyncadd.s32 $0xFFFFFF80  }
0x223: {  	_ =	swait.ge [sflag:s13], $0x80  }
0x224: {  	[sflag:s13] =	ssyncset.done $0x0  }
0x225: {  	[sflag:s13] =	ssyncadd.s32 $0xFFFFFF80  }
0x226: {  	_ =	swait.ge [sflag:s13], $0x80  }
0x227: {  	[sflag:s13] =	ssyncset.done $0x0  }
0x228: {  	[sflag:s13] =	ssyncadd.s32 $0xFFFFFF80  }
0x229: {  	_ =	swait.ge [sflag:s13], $0x80  }
0x22a: {  	[sflag:s13] =	ssyncset.done $0x0  }
0x22b: {  	[sflag:s13] =	ssyncadd.s32 $0xFFFFFF80  }
0x22c: {  	_ =	swait.ge [sflag:s13], $0x80  }
0x22d: {  	[sflag:s13] =	ssyncset.done $0x0  }
0x22e: {  	[sflag:s13] =	ssyncadd.s32 $0xFFFFFF80  }
0x22f: {  	_ =	swait.ge [sflag:s13], $0x80  }
0x230: {  	[sflag:s13] =	ssyncset.done $0x0  }
0x231: {  	[sflag:s13] =	ssyncadd.s32 $0xFFFFFF80  }
0x232: {  	_ =	swait.ge [sflag:s13], $0x80  }
0x233: {  	[sflag:s13] =	ssyncset.done $0x0  }
0x234: {  	[sflag:s13] =	ssyncadd.s32 $0xFFFFFF80  }
0x235: {  	_ =	swait.ge [sflag:s13], $0x80  }
0x236: {  	[sflag:s13] =	ssyncset.done $0x0  }
0x237: {  	[sflag:s13] =	ssyncadd.s32 $0xFFFFFF80  }
0x238: {  	_ =	swait.ge [sflag:s13], $0x80  }
0x239: {  	[sflag:s13] =	ssyncset.done $0x0  }
0x23a: {  	[sflag:s13] =	ssyncadd.s32 $0xFFFFFF80  }
0x23b: {  	_ =	swait.ge [sflag:s13], $0x80  }
0x23c: {  	[sflag:s13] =	ssyncset.done $0x0  }
0x23d: {  	[sflag:s13] =	ssyncadd.s32 $0xFFFFFF80  }
0x23e: {  	_ =	swait.ge [sflag:s13], $0x80  }
0x23f: {  	[sflag:s13] =	ssyncset.done $0x0  }
0x240: {  	[sflag:s13] =	ssyncadd.s32 $0xFFFFFF80  }
0x241: {  	_ =	swait.ge [sflag:s13], $0x80  }
0x242: {  	[sflag:s13] =	ssyncset.done $0x0  }
0x243: {  	[sflag:s13] =	ssyncadd.s32 $0xFFFFFF80  }
0x244: {  	[bflag:$0x0] =	sbarrier.arrive $0xFFFF  }
0x245: {  	[tilespmem:s19], [sflag:$0x1] =	stream.linear.gather [spmem:s6], $0x4000, $0x38;
	[tilespmem:$0x1F580] =	vst v63  }
0x246: {  	_ = 	snop  }
0x247: {  	[tilespmem:s21], [sflag:$0x5] =	stream.linear.gather [spmem:s11], $0x280, $0x38;
	[tilespmem:$0x1F580] =	vst v63  }
0x248: {  	_ =	swait.ge [sflag:s26], $0x4000  }
0x249: {  	[sflag:s26] =	ssyncset.done $0x0  }
0x24a: {  	[sflag:s26] =	ssyncadd.s32 $0xFFFFC000  }
0x24b: {  	[tilespmem:s25], [sflag:$0x2] =	stream.linear.gather [spmem:s7], $0x4000, $0x38;
	[tilespmem:$0x1F580] =	vst v63  }
0x24c: {  	s15 =	simm.s32 $0x0;
	s23 =	rddreg [dreg:$0xe]  }
0x24d: {  	[hbm4b:s23+s15] =	stream.linear.scatter [tilespmem:s19], [sflag:$0x6], $0x4000, $0x38;
	[tilespmem:$0x1F580] =	vst v63  }
0x24e: {  	_ =	swait.ge [sflag:s20], $0x4000  }
0x24f: {  	[sflag:s20] =	ssyncset.done $0x0  }
0x250: {  	[sflag:s20] =	ssyncadd.s32 $0xFFFFC000  }
0x251: {  	_ =	swait.ge [sflag:s29], $0x4000  }
0x252: {  	[sflag:s29] =	ssyncset.done $0x0  }
0x253: {  	[sflag:s29] =	ssyncadd.s32 $0xFFFFC000  }
0x254: {  	[tilespmem:s19], [sflag:$0x1] =	stream.linear.gather [spmem:s8], $0x4000, $0x38;
	[tilespmem:$0x1F580] =	vst v63  }
0x255: {  	s17 =	rddreg [dreg:$0xf]  }
0x256: {  	[hbm4b:s17+s15] =	stream.linear.scatter [tilespmem:s25], [sflag:$0x6], $0x4000, $0x38;
	[tilespmem:$0x1F580] =	vst v63  }
0x257: {  	_ =	swait.ge [sflag:s20], $0x4000  }
0x258: {  	[sflag:s20] =	ssyncset.done $0x0  }
0x259: {  	[sflag:s20] =	ssyncadd.s32 $0xFFFFC000  }
0x25a: {  	_ =	swait.ge [sflag:s26], $0x4000  }
0x25b: {  	[sflag:s26] =	ssyncset.done $0x0  }
0x25c: {  	[sflag:s26] =	ssyncadd.s32 $0xFFFFC000  }
0x25d: {  	[tilespmem:s25], [sflag:$0x2] =	stream.linear.gather [spmem:s9], $0x4000, $0x38;
	[tilespmem:$0x1F580] =	vst v63  }
0x25e: {  	s23 =	rddreg [dreg:$0x10]  }
0x25f: {  	[hbm4b:s23+s15] =	stream.linear.scatter [tilespmem:s19], [sflag:$0x6], $0x4000, $0x38;
	[tilespmem:$0x1F580] =	vst v63  }
0x260: {  	_ =	swait.ge [sflag:s20], $0x4000  }
0x261: {  	[sflag:s20] =	ssyncset.done $0x0  }
0x262: {  	[sflag:s20] =	ssyncadd.s32 $0xFFFFC000  }
0x263: {  	_ =	swait.ge [sflag:s29], $0x4000  }
0x264: {  	[sflag:s29] =	ssyncset.done $0x0  }
0x265: {  	[sflag:s29] =	ssyncadd.s32 $0xFFFFC000  }
0x266: {  	[tilespmem:s19], [sflag:$0x1] =	stream.linear.gather [spmem:s10], $0x4000, $0x38;
	[tilespmem:$0x1F580] =	vst v63  }
0x267: {  	s17 =	rddreg [dreg:$0x14]  }
0x268: {  	[hbm4b:s17+s15] =	stream.linear.scatter [tilespmem:s25], [sflag:$0x6], $0x4000, $0x38;
	[tilespmem:$0x1F580] =	vst v63  }
0x269: {  	_ =	swait.ge [sflag:s20], $0x4000  }
0x26a: {  	[sflag:s20] =	ssyncset.done $0x0  }
0x26b: {  	[sflag:s20] =	ssyncadd.s32 $0xFFFFC000  }
0x26c: {  	_ =	swait.ge [sflag:s26], $0x4000  }
0x26d: {  	[sflag:s26] =	ssyncset.done $0x0  }
0x26e: {  	s23 =	rddreg [dreg:$0x15];
	[sflag:s26] =	ssyncadd.s32 $0xFFFFC000  }
0x26f: {  	[hbm4b:s23+s15] =	stream.linear.scatter [tilespmem:s19], [sflag:$0x6], $0x4000, $0x38;
	[tilespmem:$0x1F580] =	vst v63  }
0x270: {  	_ =	swait.ge [sflag:s20], $0x4000  }
0x271: {  	[sflag:s20] =	ssyncset.done $0x0  }
0x272: {  	[sflag:s20] =	ssyncadd.s32 $0xFFFFC000  }
0x273: {  	_ =	swait.ge [sflag:s13], $0x280  }
0x274: {  	[sflag:s13] =	ssyncset.done $0x0  }
0x275: {  	s17 =	rddreg [dreg:$0x11];
	[sflag:s13] =	ssyncadd.s32 $0xFFFFFD80  }
0x276: {  	[hbm4b:s17+s15] =	stream.linear.scatter [tilespmem:s21], [sflag:$0x6], $0x280, $0x38;
	[tilespmem:$0x1F580] =	vst v63  }
0x277: {  	s23 =	sand.u32 $0xFE00, s15;
	_ =	swait.ge [sflag:s20], $0x280  }
0x278: {  	s16 =	sshrl.u32 s23, $0x2;
	s17 =	sand.u32 $0x70, s15;
	[sflag:s20] =	ssyncset.done $0x0  }
0x279: {  	s17 =	sor.u32 s17, s16;
	s16 =	simm.s32 $0x40;
	[sflag:s20] =	ssyncadd.s32 $0xFFFFFD80  }
.LBB2_14:
0x27a: {  	p0 =	sne.s32 s16, $0xFFC0  }
0x27b: {  	[tilespmem:s17+$0x3000] =	vst v1;
	s15 =	sadd.s32 $0x10, s15;
	s17 =	smov.u32 s16;
	s16 =	sadd.s32 $0x40, s16  }
.Ltmp6:
0x27c: {  	(pc) =	sbr.rel @p0 .LBB2_14-.Ltmp6, $4  }
0x27d: {  	_ = 	snop  }
0x27e: {  	s17 =	sand.u32 $0xFE00, s17  }
0x27f: {  	s23 =	sand.u32 $0x70, s15;
	s17 =	sshrl.u32 s17, $0x2  }
0x280: {  	s17 =	sor.u32 s23, s17  }
0x281: {  	[tilespmem:s17+$0x3000] =	vst v1  }
0x282: {  	[spmem:s6] =	stream.linear.scatter [tilespmem:s19], [sflag:$0x6], $0x4000, $0x38;
	[tilespmem:$0x1F580] =	vst v63  }
0x283: {  	_ =	swait.ge [sflag:s20], $0x4000  }
0x284: {  	[sflag:s20] =	ssyncset.done $0x0  }
0x285: {  	[sflag:s20] =	ssyncadd.s32 $0xFFFFC000  }
0x286: {  	[spmem:s7] =	stream.linear.scatter [tilespmem:s19], [sflag:$0x6], $0x4000, $0x38;
	[tilespmem:$0x1F580] =	vst v63  }
0x287: {  	_ =	swait.ge [sflag:s20], $0x4000  }
0x288: {  	[sflag:s20] =	ssyncset.done $0x0  }
0x289: {  	[sflag:s20] =	ssyncadd.s32 $0xFFFFC000  }
0x28a: {  	[spmem:s8] =	stream.linear.scatter [tilespmem:s19], [sflag:$0x6], $0x4000, $0x38;
	[tilespmem:$0x1F580] =	vst v63  }
0x28b: {  	_ =	swait.ge [sflag:s20], $0x4000  }
0x28c: {  	[sflag:s20] =	ssyncset.done $0x0  }
0x28d: {  	[sflag:s20] =	ssyncadd.s32 $0xFFFFC000  }
0x28e: {  	[spmem:s9] =	stream.linear.scatter [tilespmem:s19], [sflag:$0x6], $0x4000, $0x38;
	[tilespmem:$0x1F580] =	vst v63  }
0x28f: {  	_ =	swait.ge [sflag:s20], $0x4000  }
0x290: {  	[sflag:s20] =	ssyncset.done $0x0  }
0x291: {  	[sflag:s20] =	ssyncadd.s32 $0xFFFFC000  }
0x292: {  	[spmem:s10] =	stream.linear.scatter [tilespmem:s19], [sflag:$0x6], $0x4000, $0x38;
	[tilespmem:$0x1F580] =	vst v63  }
0x293: {  	_ =	swait.ge [sflag:s20], $0x4000  }
0x294: {  	[sflag:s20] =	ssyncset.done $0x0  }
0x295: {  	[sflag:s20] =	ssyncadd.s32 $0xFFFFC000  }
0x296: {  	[tilespmem:$0xB080] =	vst v1  }
0x297: {  	[tilespmem:$0xB090] =	vst v1  }
0x298: {  	[tilespmem:$0xB0A0] =	vst v1  }
0x299: {  	[tilespmem:$0xB0B0] =	vst v1  }
0x29a: {  	[tilespmem:$0xB0C0] =	vst v1  }
0x29b: {  	[tilespmem:$0xB0D0] =	vst v1  }
0x29c: {  	[tilespmem:$0xB0E0] =	vst v1  }
0x29d: {  	[tilespmem:$0xB0F0] =	vst v1  }
0x29e: {  	[tilespmem:$0xB100] =	vst v1  }
0x29f: {  	[tilespmem:$0xB110] =	vst v1  }
0x2a0: {  	[tilespmem:$0xB120] =	vst v1  }
0x2a1: {  	[tilespmem:$0xB130] =	vst v1  }
0x2a2: {  	[tilespmem:$0xB140] =	vst v1  }
0x2a3: {  	[tilespmem:$0xB150] =	vst v1  }
0x2a4: {  	[tilespmem:$0xB160] =	vst v1  }
0x2a5: {  	[tilespmem:$0xB170] =	vst v1  }
0x2a6: {  	[tilespmem:$0xB180] =	vst v1  }
0x2a7: {  	[tilespmem:$0xB190] =	vst v1  }
0x2a8: {  	[tilespmem:$0xB1A0] =	vst v1  }
0x2a9: {  	[tilespmem:$0xB1B0] =	vst v1  }
0x2aa: {  	[tilespmem:$0xB1C0] =	vst v1  }
0x2ab: {  	[tilespmem:$0xB1D0] =	vst v1  }
0x2ac: {  	[tilespmem:$0xB1E0] =	vst v1  }
0x2ad: {  	[tilespmem:$0xB1F0] =	vst v1  }
0x2ae: {  	[tilespmem:$0xB200] =	vst v1  }
0x2af: {  	[tilespmem:$0xB210] =	vst v1  }
0x2b0: {  	[tilespmem:$0xB220] =	vst v1  }
0x2b1: {  	[tilespmem:$0xB230] =	vst v1  }
0x2b2: {  	[tilespmem:$0xB240] =	vst v1  }
0x2b3: {  	[tilespmem:$0xB250] =	vst v1  }
0x2b4: {  	[tilespmem:$0xB260] =	vst v1  }
0x2b5: {  	[tilespmem:$0xB270] =	vst v1  }
0x2b6: {  	[tilespmem:$0xB280] =	vst v1  }
0x2b7: {  	[tilespmem:$0xB290] =	vst v1  }
0x2b8: {  	[tilespmem:$0xB2A0] =	vst v1  }
0x2b9: {  	[tilespmem:$0xB2B0] =	vst v1  }
0x2ba: {  	[tilespmem:$0xB2C0] =	vst v1  }
0x2bb: {  	[tilespmem:$0xB2D0] =	vst v1  }
0x2bc: {  	[tilespmem:$0xB2E0] =	vst v1  }
0x2bd: {  	[tilespmem:$0xB2F0] =	vst v1  }
0x2be: {  	[spmem:s11] =	stream.linear.scatter [tilespmem:s21], [sflag:$0x6], $0x280, $0x38;
	[tilespmem:$0x1F580] =	vst v63  }
0x2bf: {  	_ =	swait.ge [sflag:s20], $0x280  }
0x2c0: {  	[sflag:s20] =	ssyncset.done $0x0  }
0x2c1: {  	[sflag:s20] =	ssyncadd.s32 $0xFFFFFD80  }
0x2c2: {  	[bflag:$0x0] =	sbarrier.arrive $0xFFFF  }
0x2c3: {  	s15 =	simm.s32 $0x0;
	s16 =	rddreg [dreg:$0x16]  }
0x2c4: {  	[tilespmem:s15], [sflag:$0x6] =	stream.linear.gather [hbm4b:s16+s15], $0xC80, $0x38;
	[tilespmem:$0x1F580] =	vst v63  }
0x2c5: {  	_ =	swait.ge [sflag:s20], $0xC80  }
0x2c6: {  	[sflag:s20] =	ssyncset.done $0x0  }
0x2c7: {  	s15 =	simm.s32 $0x0;
	[sflag:s20] =	ssyncadd.s32 $0xFFFFF380  }
0x2c8: {  	v2 =	vld [tilespmem:s15+$0x0]  }
0x2c9: {  	s16 =	simm.s32 $0x40  }
.LBB2_16:
0x2ca: {  	p0 =	sne.s32 s16, $0x31C0  }
.Ltmp7:
0x2cb: {  	_ = 	snop;
	(pc) =	sbr.rel @p0 .LBB2_16-.Ltmp7, $4  }
0x2cc: {  	_ = 	snop  }
0x2cd: {  	s17 =	sshra.s32 s16, $0x2;
	s16 =	sadd.s32 $0x40, s16;
	v3 =	vshrl.u32 v2, $0xE;
	v4 =	vand.u32 $0x3FFF, v2  }
0x2ce: {  	v2 =	vld [tilespmem:s17+$0x0];
	[tilespmem:s15+$0x2000] =	vst v4  }
0x2cf: {  	[tilespmem:s15+$0x1000] =	vst v3;
	s15 =	smov.u32 s17  }
0x2d0: {  	_ =	sdelay $0x2  }
0x2d1: {  	v3 =	vand.u32 $0x3FFF, v2  }
0x2d2: {  	v2 =	vshrl.u32 v2, $0xE;
	[tilespmem:s15+$0x2000] =	vst v3  }
0x2d3: {  	s23 =	simm.s32 $0x1000;
	[tilespmem:s15+$0x1000] =	vst v2  }
0x2d4: {  	[tilespmem:s19], [sflag:$0x1] =	stream.indirect.gather [hbm4b:s0+s22], $0x80, s23, s22, $0xb8;
	[tilespmem:$0x1F580] =	vst v63  }
0x2d5: {  	_ = 	snop  }
0x2d6: {  	[tilespmem:s25], [sflag:$0x2] =	stream.indirect.gather [hbm4b:s0+s22], $0x80, s24, s22, $0xb8;
	[tilespmem:$0x1F580] =	vst v63  }
0x2d7: {  	_ =	swait.ge [sflag:s26], $0x4000  }
0x2d8: {  	[sflag:s26] =	ssyncset.done $0x0  }
0x2d9: {  	s16 =	simm.s32 $0x2000;
	[sflag:s26] =	ssyncadd.s32 $0xFFFFC000  }
0x2da: {  	[spmem:s3] =	stream.indirect.scatter.add.f32 [tilespmem:s19], [sflag:$0x3], $0x80, s16, s22, $0xb8;
	[tilespmem:$0x1F580] =	vst v63  }
0x2db: {  	_ = 	snop  }
0x2dc: {  	[spmem:s4] =	stream.indirect.scatter.add.f32 [tilespmem:s28], [sflag:$0x5], $0x1, s16, s22, $0xb8;
	[tilespmem:$0x1F580] =	vst v63  }
0x2dd: {  	_ =	swait.ge [sflag:s29], $0x4000  }
0x2de: {  	[sflag:s29] =	ssyncset.done $0x0  }
0x2df: {  	[sflag:s29] =	ssyncadd.s32 $0xFFFFC000  }
0x2e0: {  	_ =	swait.ge [sflag:s30], $0x4000  }
0x2e1: {  	[sflag:s30] =	ssyncset.done $0x0  }
0x2e2: {  	s17 =	simm.s32 $0x1100;
	[sflag:s30] =	ssyncadd.s32 $0xFFFFC000  }
0x2e3: {  	[tilespmem:s19], [sflag:$0x1] =	stream.indirect.gather [hbm4b:s0+s22], $0x80, s17, s22, $0xb8;
	[tilespmem:$0x1F580] =	vst v63  }
0x2e4: {  	s23 =	simm.s32 $0x2080  }
0x2e5: {  	[spmem:s3] =	stream.indirect.scatter.add.f32 [tilespmem:s25], [sflag:$0x4], $0x80, s23, s22, $0xb8;
	[tilespmem:$0x1F580] =	vst v63  }
0x2e6: {  	_ = 	snop  }
0x2e7: {  	[spmem:s4] =	stream.indirect.scatter.add.f32 [tilespmem:s28], [sflag:$0x5], $0x1, s23, s22, $0xb8;
	[tilespmem:$0x1F580] =	vst v63  }
0x2e8: {  	_ =	swait.ge [sflag:s31], $0x4000  }
0x2e9: {  	[sflag:s31] =	ssyncset.done $0x0  }
0x2ea: {  	s15 =	simm.s32 $0x400;
	s16 =	simm.s32 $0x1180;
	[sflag:s31] =	ssyncadd.s32 $0xFFFFC000  }
.LBB2_18:
0x2eb: {  	[tilespmem:s25], [sflag:$0x2] =	stream.indirect.gather [hbm4b:s0+s22], $0x80, s16, s22, $0xb8;
	[tilespmem:$0x1F580] =	vst v63  }
0x2ec: {  	s16 =	smov.u32 s15  }
0x2ed: {  	p0 =	sne.s32 s15, $0x2800;
	s15 =	sadd.s32 $0x400, s15;
	_ =	swait.ge [sflag:s26], $0x4000  }
0x2ee: {  	s16 =	sshra.s32 s16, $0x2;
	[sflag:s26] =	ssyncset.done $0x0  }
0x2ef: {  	s17 =	sadd.s32 $0x2000, s16;
	[sflag:s26] =	ssyncadd.s32 $0xFFFFC000  }
0x2f0: {  	[spmem:s3] =	stream.indirect.scatter.add.f32 [tilespmem:s19], [sflag:$0x3], $0x80, s17, s22, $0xb8;
	[tilespmem:$0x1F580] =	vst v63  }
0x2f1: {  	_ = 	snop  }
0x2f2: {  	[spmem:s4] =	stream.indirect.scatter.add.f32 [tilespmem:s28], [sflag:$0x5], $0x1, s17, s22, $0xb8;
	[tilespmem:$0x1F580] =	vst v63  }
0x2f3: {  	_ =	swait.ge [sflag:s29], $0x4000  }
0x2f4: {  	[sflag:s29] =	ssyncset.done $0x0  }
0x2f5: {  	[sflag:s29] =	ssyncadd.s32 $0xFFFFC000  }
0x2f6: {  	_ =	swait.ge [sflag:s30], $0x4000  }
0x2f7: {  	[sflag:s30] =	ssyncset.done $0x0  }
0x2f8: {  	s17 =	sadd.s32 $0x1100, s16;
	[sflag:s30] =	ssyncadd.s32 $0xFFFFC000  }
0x2f9: {  	[tilespmem:s19], [sflag:$0x1] =	stream.indirect.gather [hbm4b:s0+s22], $0x80, s17, s22, $0xb8;
	[tilespmem:$0x1F580] =	vst v63  }
0x2fa: {  	s17 =	sadd.s32 $0x2080, s16  }
0x2fb: {  	[spmem:s3] =	stream.indirect.scatter.add.f32 [tilespmem:s25], [sflag:$0x4], $0x80, s17, s22, $0xb8;
	[tilespmem:$0x1F580] =	vst v63  }
.Ltmp8:
0x2fc: {  	(pc) =	sbr.rel @p0 .LBB2_18-.Ltmp8, $4  }
0x2fd: {  	[spmem:s4] =	stream.indirect.scatter.add.f32 [tilespmem:s28], [sflag:$0x5], $0x1, s17, s22, $0xb8;
	[tilespmem:$0x1F580] =	vst v63  }
0x2fe: {  	_ =	swait.ge [sflag:s31], $0x4000  }
0x2ff: {  	[sflag:s31] =	ssyncset.done $0x0  }
0x300: {  	s16 =	sadd.s32 $0x1180, s16;
	[sflag:s31] =	ssyncadd.s32 $0xFFFFC000  }
0x301: {  	[tilespmem:s25], [sflag:$0x2] =	stream.indirect.gather [hbm4b:s0+s22], $0x80, s16, s22, $0xb8;
	[tilespmem:$0x1F580] =	vst v63  }
0x302: {  	_ =	swait.ge [sflag:s26], $0x4000  }
0x303: {  	[sflag:s26] =	ssyncset.done $0x0  }
0x304: {  	[sflag:s26] =	ssyncadd.s32 $0xFFFFC000  }
0x305: {  	[spmem:s3] =	stream.indirect.scatter.add.f32 [tilespmem:s19], [sflag:$0x3], $0x80, s1, s22, $0xb8;
	[tilespmem:$0x1F580] =	vst v63  }
0x306: {  	_ = 	snop  }
0x307: {  	[spmem:s4] =	stream.indirect.scatter.add.f32 [tilespmem:s28], [sflag:$0x5], $0x1, s1, s22, $0xb8;
	[tilespmem:$0x1F580] =	vst v63  }
0x308: {  	_ =	swait.ge [sflag:s29], $0x4000  }
0x309: {  	[sflag:s29] =	ssyncset.done $0x0  }
0x30a: {  	[sflag:s29] =	ssyncadd.s32 $0xFFFFC000  }
0x30b: {  	_ =	swait.ge [sflag:s30], $0x4000  }
0x30c: {  	[sflag:s30] =	ssyncset.done $0x0  }
0x30d: {  	[sflag:s30] =	ssyncadd.s32 $0xFFFFC000  }
0x30e: {  	[tilespmem:s19], [sflag:$0x1] =	stream.indirect.gather [hbm4b:s0+s22], $0x80, s2, s22, $0xb8;
	[tilespmem:$0x1F580] =	vst v63  }
0x30f: {  	_ = 	snop  }
0x310: {  	[spmem:s3] =	stream.indirect.scatter.add.f32 [tilespmem:s25], [sflag:$0x4], $0x80, s18, s22, $0xb8;
	[tilespmem:$0x1F580] =	vst v63  }
0x311: {  	_ = 	snop  }
0x312: {  	[spmem:s4] =	stream.indirect.scatter.add.f32 [tilespmem:s28], [sflag:$0x5], $0x1, s18, s22, $0xb8;
	[tilespmem:$0x1F580] =	vst v63  }
0x313: {  	_ =	swait.ge [sflag:s31], $0x4000  }
0x314: {  	[sflag:s31] =	ssyncset.done $0x0  }
0x315: {  	[sflag:s31] =	ssyncadd.s32 $0xFFFFC000  }
0x316: {  	_ =	swait.ge [sflag:s26], $0x4000  }
0x317: {  	[sflag:s26] =	ssyncset.done $0x0  }
0x318: {  	[sflag:s26] =	ssyncadd.s32 $0xFFFFC000  }
0x319: {  	[spmem:s3] =	stream.indirect.scatter.add.f32 [tilespmem:s19], [sflag:$0x6], $0x80, s12, s22, $0xb8;
	[tilespmem:$0x1F580] =	vst v63  }
0x31a: {  	_ =	swait.ge [sflag:s20], $0x4000  }
0x31b: {  	[sflag:s20] =	ssyncset.done $0x0  }
0x31c: {  	[sflag:s20] =	ssyncadd.s32 $0xFFFFC000  }
0x31d: {  	[spmem:s4] =	stream.indirect.scatter.add.f32 [tilespmem:s28], [sflag:$0x5], $0x1, s12, s22, $0xb8;
	[tilespmem:$0x1F580] =	vst v63  }
0x31e: {  	_ =	swait.ge [sflag:s13], $0x80  }
0x31f: {  	[sflag:s13] =	ssyncset.done $0x0  }
0x320: {  	[sflag:s13] =	ssyncadd.s32 $0xFFFFFF80  }
0x321: {  	_ =	swait.ge [sflag:s13], $0x80  }
0x322: {  	[sflag:s13] =	ssyncset.done $0x0  }
0x323: {  	[sflag:s13] =	ssyncadd.s32 $0xFFFFFF80  }
0x324: {  	_ =	swait.ge [sflag:s13], $0x80  }
0x325: {  	[sflag:s13] =	ssyncset.done $0x0  }
0x326: {  	[sflag:s13] =	ssyncadd.s32 $0xFFFFFF80  }
0x327: {  	_ =	swait.ge [sflag:s13], $0x80  }
0x328: {  	[sflag:s13] =	ssyncset.done $0x0  }
0x329: {  	[sflag:s13] =	ssyncadd.s32 $0xFFFFFF80  }
0x32a: {  	_ =	swait.ge [sflag:s13], $0x80  }
0x32b: {  	[sflag:s13] =	ssyncset.done $0x0  }
0x32c: {  	[sflag:s13] =	ssyncadd.s32 $0xFFFFFF80  }
0x32d: {  	_ =	swait.ge [sflag:s13], $0x80  }
0x32e: {  	[sflag:s13] =	ssyncset.done $0x0  }
0x32f: {  	[sflag:s13] =	ssyncadd.s32 $0xFFFFFF80  }
0x330: {  	_ =	swait.ge [sflag:s13], $0x80  }
0x331: {  	[sflag:s13] =	ssyncset.done $0x0  }
0x332: {  	[sflag:s13] =	ssyncadd.s32 $0xFFFFFF80  }
0x333: {  	_ =	swait.ge [sflag:s13], $0x80  }
0x334: {  	[sflag:s13] =	ssyncset.done $0x0  }
0x335: {  	[sflag:s13] =	ssyncadd.s32 $0xFFFFFF80  }
0x336: {  	_ =	swait.ge [sflag:s13], $0x80  }
0x337: {  	[sflag:s13] =	ssyncset.done $0x0  }
0x338: {  	[sflag:s13] =	ssyncadd.s32 $0xFFFFFF80  }
0x339: {  	_ =	swait.ge [sflag:s13], $0x80  }
0x33a: {  	[sflag:s13] =	ssyncset.done $0x0  }
0x33b: {  	[sflag:s13] =	ssyncadd.s32 $0xFFFFFF80  }
0x33c: {  	_ =	swait.ge [sflag:s13], $0x80  }
0x33d: {  	[sflag:s13] =	ssyncset.done $0x0  }
0x33e: {  	[sflag:s13] =	ssyncadd.s32 $0xFFFFFF80  }
0x33f: {  	_ =	swait.ge [sflag:s13], $0x80  }
0x340: {  	[sflag:s13] =	ssyncset.done $0x0  }
0x341: {  	[sflag:s13] =	ssyncadd.s32 $0xFFFFFF80  }
0x342: {  	_ =	swait.ge [sflag:s13], $0x80  }
0x343: {  	[sflag:s13] =	ssyncset.done $0x0  }
0x344: {  	[sflag:s13] =	ssyncadd.s32 $0xFFFFFF80  }
0x345: {  	_ =	swait.ge [sflag:s13], $0x80  }
0x346: {  	[sflag:s13] =	ssyncset.done $0x0  }
0x347: {  	[sflag:s13] =	ssyncadd.s32 $0xFFFFFF80  }
0x348: {  	_ =	swait.ge [sflag:s13], $0x80  }
0x349: {  	[sflag:s13] =	ssyncset.done $0x0  }
0x34a: {  	[sflag:s13] =	ssyncadd.s32 $0xFFFFFF80  }
0x34b: {  	_ =	swait.ge [sflag:s13], $0x80  }
0x34c: {  	[sflag:s13] =	ssyncset.done $0x0  }
0x34d: {  	[sflag:s13] =	ssyncadd.s32 $0xFFFFFF80  }
0x34e: {  	_ =	swait.ge [sflag:s13], $0x80  }
0x34f: {  	[sflag:s13] =	ssyncset.done $0x0  }
0x350: {  	[sflag:s13] =	ssyncadd.s32 $0xFFFFFF80  }
0x351: {  	_ =	swait.ge [sflag:s13], $0x80  }
0x352: {  	[sflag:s13] =	ssyncset.done $0x0  }
0x353: {  	[sflag:s13] =	ssyncadd.s32 $0xFFFFFF80  }
0x354: {  	_ =	swait.ge [sflag:s13], $0x80  }
0x355: {  	[sflag:s13] =	ssyncset.done $0x0  }
0x356: {  	[sflag:s13] =	ssyncadd.s32 $0xFFFFFF80  }
0x357: {  	_ =	swait.ge [sflag:s13], $0x80  }
0x358: {  	[sflag:s13] =	ssyncset.done $0x0  }
0x359: {  	[sflag:s13] =	ssyncadd.s32 $0xFFFFFF80  }
0x35a: {  	_ =	swait.ge [sflag:s13], $0x80  }
0x35b: {  	[sflag:s13] =	ssyncset.done $0x0  }
0x35c: {  	[sflag:s13] =	ssyncadd.s32 $0xFFFFFF80  }
0x35d: {  	_ =	swait.ge [sflag:s13], $0x80  }
0x35e: {  	[sflag:s13] =	ssyncset.done $0x0  }
0x35f: {  	[sflag:s13] =	ssyncadd.s32 $0xFFFFFF80  }
0x360: {  	_ =	swait.ge [sflag:s13], $0x80  }
0x361: {  	[sflag:s13] =	ssyncset.done $0x0  }
0x362: {  	[sflag:s13] =	ssyncadd.s32 $0xFFFFFF80  }
0x363: {  	_ =	swait.ge [sflag:s13], $0x80  }
0x364: {  	[sflag:s13] =	ssyncset.done $0x0  }
0x365: {  	[sflag:s13] =	ssyncadd.s32 $0xFFFFFF80  }
0x366: {  	_ =	swait.ge [sflag:s13], $0x80  }
0x367: {  	[sflag:s13] =	ssyncset.done $0x0  }
0x368: {  	[sflag:s13] =	ssyncadd.s32 $0xFFFFFF80  }
0x369: {  	[bflag:$0x0] =	sbarrier.arrive $0xFFFF  }
0x36a: {  	[tilespmem:s19], [sflag:$0x1] =	stream.linear.gather [spmem:s6], $0x4000, $0x38;
	[tilespmem:$0x1F580] =	vst v63  }
0x36b: {  	_ = 	snop  }
0x36c: {  	[tilespmem:s21], [sflag:$0x5] =	stream.linear.gather [spmem:s11], $0x280, $0x38;
	[tilespmem:$0x1F580] =	vst v63  }
0x36d: {  	_ =	swait.ge [sflag:s26], $0x4000  }
0x36e: {  	[sflag:s26] =	ssyncset.done $0x0  }
0x36f: {  	[sflag:s26] =	ssyncadd.s32 $0xFFFFC000  }
0x370: {  	[tilespmem:s25], [sflag:$0x2] =	stream.linear.gather [spmem:s7], $0x4000, $0x38;
	[tilespmem:$0x1F580] =	vst v63  }
0x371: {  	s15 =	rddreg [dreg:$0x17]  }
0x372: {  	[hbm4b:s15+s5] =	stream.linear.scatter [tilespmem:s19], [sflag:$0x6], $0x4000, $0x38;
	[tilespmem:$0x1F580] =	vst v63  }
0x373: {  	_ =	swait.ge [sflag:s20], $0x4000  }
0x374: {  	[sflag:s20] =	ssyncset.done $0x0  }
0x375: {  	[sflag:s20] =	ssyncadd.s32 $0xFFFFC000  }
0x376: {  	_ =	swait.ge [sflag:s29], $0x4000  }
0x377: {  	[sflag:s29] =	ssyncset.done $0x0  }
0x378: {  	[sflag:s29] =	ssyncadd.s32 $0xFFFFC000  }
0x379: {  	[tilespmem:s19], [sflag:$0x1] =	stream.linear.gather [spmem:s8], $0x4000, $0x38;
	[tilespmem:$0x1F580] =	vst v63  }
0x37a: {  	s16 =	rddreg [dreg:$0x18]  }
0x37b: {  	[hbm4b:s16+s5] =	stream.linear.scatter [tilespmem:s25], [sflag:$0x6], $0x4000, $0x38;
	[tilespmem:$0x1F580] =	vst v63  }
0x37c: {  	_ =	swait.ge [sflag:s20], $0x4000  }
0x37d: {  	[sflag:s20] =	ssyncset.done $0x0  }
0x37e: {  	[sflag:s20] =	ssyncadd.s32 $0xFFFFC000  }
0x37f: {  	_ =	swait.ge [sflag:s26], $0x4000  }
0x380: {  	[sflag:s26] =	ssyncset.done $0x0  }
0x381: {  	[sflag:s26] =	ssyncadd.s32 $0xFFFFC000  }
0x382: {  	[tilespmem:s25], [sflag:$0x2] =	stream.linear.gather [spmem:s9], $0x4000, $0x38;
	[tilespmem:$0x1F580] =	vst v63  }
0x383: {  	s17 =	rddreg [dreg:$0x19]  }
0x384: {  	[hbm4b:s17+s5] =	stream.linear.scatter [tilespmem:s19], [sflag:$0x6], $0x4000, $0x38;
	[tilespmem:$0x1F580] =	vst v63  }
0x385: {  	_ =	swait.ge [sflag:s20], $0x4000  }
0x386: {  	[sflag:s20] =	ssyncset.done $0x0  }
0x387: {  	[sflag:s20] =	ssyncadd.s32 $0xFFFFC000  }
0x388: {  	_ =	swait.ge [sflag:s29], $0x4000  }
0x389: {  	[sflag:s29] =	ssyncset.done $0x0  }
0x38a: {  	[sflag:s29] =	ssyncadd.s32 $0xFFFFC000  }
0x38b: {  	[tilespmem:s19], [sflag:$0x1] =	stream.linear.gather [spmem:s10], $0x4000, $0x38;
	[tilespmem:$0x1F580] =	vst v63  }
0x38c: {  	s23 =	rddreg [dreg:$0x1a]  }
0x38d: {  	[hbm4b:s23+s5] =	stream.linear.scatter [tilespmem:s25], [sflag:$0x6], $0x4000, $0x38;
	[tilespmem:$0x1F580] =	vst v63  }
0x38e: {  	_ =	swait.ge [sflag:s20], $0x4000  }
0x38f: {  	[sflag:s20] =	ssyncset.done $0x0  }
0x390: {  	[sflag:s20] =	ssyncadd.s32 $0xFFFFC000  }
0x391: {  	_ =	swait.ge [sflag:s26], $0x4000  }
0x392: {  	[sflag:s26] =	ssyncset.done $0x0  }
0x393: {  	s16 =	rddreg [dreg:$0x1b];
	[sflag:s26] =	ssyncadd.s32 $0xFFFFC000  }
0x394: {  	[hbm4b:s16+s5] =	stream.linear.scatter [tilespmem:s19], [sflag:$0x6], $0x4000, $0x38;
	[tilespmem:$0x1F580] =	vst v63  }
0x395: {  	_ =	swait.ge [sflag:s20], $0x4000  }
0x396: {  	[sflag:s20] =	ssyncset.done $0x0  }
0x397: {  	[sflag:s20] =	ssyncadd.s32 $0xFFFFC000  }
0x398: {  	_ =	swait.ge [sflag:s13], $0x280  }
0x399: {  	[sflag:s13] =	ssyncset.done $0x0  }
0x39a: {  	s17 =	rddreg [dreg:$0x12];
	[sflag:s13] =	ssyncadd.s32 $0xFFFFFD80  }
0x39b: {  	[hbm4b:s17+s5] =	stream.linear.scatter [tilespmem:s21], [sflag:$0x6], $0x280, $0x38;
	[tilespmem:$0x1F580] =	vst v63  }
0x39c: {  	_ =	swait.ge [sflag:s20], $0x280  }
0x39d: {  	s14 =	sadd.s32 $0x1, s14;
	s23 =	rddreg [dreg:$0x13]  }
0x39e: {  	p0 =	sne.s32 s14, s23  }
.Ltmp9:
0x39f: {  	_ = 	snop;
	(pc) =	sbr.rel @p0 .LBB2_1-.Ltmp9, $3  }
0x3a0: {  	_ =	sdelay $0x1  }
0x3a1: {  	[sflag:s20] =	ssyncset.done $0x0  }
0x3a2: {  	[sflag:s20] =	ssyncadd.s32 $0xFFFFFD80  }
0x3a3: {  	_ =	sfence.sel $0x180000  }
0x3a4: {  	[bflag:$0x0] =	sbarrier.arrive $0xFFFF  }
0x3a5: {  	_ =	strace $0x90000047  }
0x3a6: {  	s0 =	stileid.u32;
	[bflag:$0x2] =	sbarrier.arrive $0xFFFF  }
0x3a7: {  	p0 =	sne.s32 s0, $0x0;
	s0 =	rddreg [dreg:$0x5]  }
0x3a8: {  	s0 =	sadd.s32 @!p0 $0x100000, s0  }
0x3a9: {  	[sflag:s0] =	ssyncadd.tile.s32 @!p0 $0x1;
	_ =	shalt  }
.Lfunc_end2:
_tile_overlayer_lowered:
.L_overlay_start_2:
0x3aa: {  	(tag) =	ssettag $0x2  }
0x3ab: {  	s0 =	rddreg [dreg:$0x0];
	s2 =	stileid.u32  }
0x3ac: {  	s1 =	rddreg [dreg:$0x1];
	p0 =	sne.s32 s2, $0x0  }
0x3ad: {  	s3 =	rddreg [dreg:$0x2];
	[bflag:$0x3] =	sbarrier.arrive $0xFFFF;
	s2 =	simm.s32 @!p0 $0x1C06  }
0x3ae: {  	[timem:s3], [sflag:s2] =	dma.local @!p0 [hbm:s0], s1  }
0x3af: {  	s0 =	simm.s32 @!p0 $0x6  }
0x3b0: {  	_ =	swait.ge @!p0 [sflag:s0], s1  }
0x3b1: {  	s1 =	ssub.s32 @!p0 $0x0, s1;
	[sflag:s0] =	ssyncset.done @!p0 $0x0  }
0x3b2: {  	[sflag:s0] =	ssyncadd.s32 @!p0 s1  }
0x3b3: {  	[bflag:$0x3] =	sbarrier.arrive $0xFFFF  }
0x3b4: {  	_ =	shalt  }

</sc_bundles>
